<compile_context>
chip_gen: v7x
topology: tpu7x:2x2x1
jax: 0.10.2.dev20260603
libtpu: 0.0.44.dev20260713+nightly
codegen_flags: <defaults>
</compile_context>

<pallas_src>
import functools

import jax
import jax.numpy as jnp
from jax import lax
from jax.experimental import pallas as pl
from jax.experimental.pallas import tpu as pltpu
from jax.experimental.pallas import tpu_sc as plsc

DIM = 4
NUM_WORKERS = 32
LANES = 128
SUB = 8
TILE = DIM * LANES
NBUF = 3


@functools.lru_cache(maxsize=None)
def _emb_fn(n_batch, n_seq, vocab):
    n_bt = n_batch // LANES
    n_units = n_seq * DIM_Q
    units_per_w = n_units // NUM_WORKERS
    nt_per_u = n_bt // DIM_Q
    chunk_ids = nt_per_u * LANES
    mesh = plsc.VectorSubcoreMesh(core_axis_name="c", subcore_axis_name="s")

    @functools.partial(
        pl.kernel,
        mesh=mesh,
        out_type=jax.ShapeDtypeStruct((n_batch * n_seq * DIM,), jnp.float32),
        scratch_types=[
            pltpu.VMEM((DIM * vocab * 16,), jnp.float32),
            pltpu.VMEM((NBUF, nt_per_u, LANES), jnp.int32),
            pltpu.VMEM((NBUF * chunk_ids * DIM,), jnp.float32),
            pltpu.SemaphoreType.DMA((NBUF,)),
            pltpu.SemaphoreType.DMA((NBUF,)),
        ],
        compiler_params=pltpu.CompilerParams(needs_layout_passes=False),
    )
    def emb(ids_hbm, table_hbm, out_hbm, table_v, ids_v, out_v,
            ids_sem, out_sem):
        wid = lax.axis_index("s") * 2 + lax.axis_index("c")
        pltpu.sync_copy(table_hbm, table_v)
        u0 = wid * units_per_w
        lane_d = [
            lax.iota(jnp.int32, 16) + d * (vocab * 16) for d in range(DIM)
        ]

        def ids_copy(u, b):
            s = u // DIM_Q
            q = u % DIM_Q
            return pltpu.make_async_copy(
                ids_hbm.at[s // SUB, pl.ds(q * nt_per_u, nt_per_u), s % SUB, :],
                ids_v.at[b],
                ids_sem.at[b],
            )

        def out_copy(u, b):
            return pltpu.make_async_copy(
                out_v.at[pl.ds(b * chunk_ids * DIM, chunk_ids * DIM)],
                out_hbm.at[pl.ds(u * chunk_ids * DIM, chunk_ids * DIM)],
                out_sem.at[b],
            )

        def compute(b):
            @plsc.parallel_loop(0, chunk_ids // 16, unroll=8)
            def g_body(g):
                idv = ids_v[b, g // 8, pl.ds((g % 8) * 16, 16)]
                t16 = idv * 16
                ob = (g // 8) * TILE + (g % 8) * 16
                for d in range(DIM):
                    vals = plsc.load_gather(table_v, [t16 + lane_d[d]])
                    out_v[pl.ds(b * chunk_ids * DIM + ob + d * LANES, 16)] = (
                        vals
                    )

        def unit_body(k, carry):
            u = u0 + k
            b = k % NBUF
            out_copy(u - NBUF, b).wait()
            ids_copy(u, b).wait()
            compute(b)
            out_copy(u, b).start()

            @pl.when(k + NBUF < units_per_w)
            def _():
                ids_copy(u + NBUF, b).start()

            return carry

        for k in range(NBUF):
            ids_copy(u0 + k, k).start()
        for k in range(NBUF):
            ids_copy(u0 + k, k).wait()
            compute(k)
            out_copy(u0 + k, k).start()
            ids_copy(u0 + k + NBUF, k).start()
        lax.fori_loop(NBUF, units_per_w, unit_body, 0)
        for k in range(units_per_w - NBUF, units_per_w):
            out_copy(u0 + k, k % NBUF).wait()

    return emb


DIM_Q = 4


def kernel(input_ids, table):
    n_batch, n_seq = input_ids.shape
    ids4 = input_ids.astype(jnp.int32).reshape(
        n_batch // LANES, LANES, n_seq // SUB, SUB
    )
    ids_raw = jnp.transpose(ids4, (2, 0, 3, 1))
    table_rep = jnp.broadcast_to(
        table.T[:, :, None], (table.shape[1], table.shape[0], 16)
    ).reshape(-1)
    out_flat = _emb_fn(n_batch, n_seq, table.shape[0])(ids_raw, table_rep)
    out4 = out_flat.reshape(n_seq, n_batch // LANES, DIM, LANES)
    return jnp.transpose(out4, (1, 3, 0, 2)).reshape(n_batch, n_seq, DIM)

# --- scband reference (transcript-rebuilt; emitter-appended) ---
"""Pipeline reference for scband-encoder-stub-6141803233854 (READ-ONLY COPY).

The authoritative reference and input builder live on the scoring server;
editing this copy changes nothing except your own understanding.
"""

import jax, jax.numpy as jnp
import numpy as np

VOCAB = 32
EMBED_DIM = 4

def setup_inputs(seed: int = 0) -> dict:
    key = jax.random.key(seed)
    k_idx, k_tab = jax.random.split(key)
    input_ids = jax.random.randint(k_idx, (16384, 200), 0, VOCAB, dtype=jnp.int64 if jax.config.jax_enable_x64 else jnp.int32)
    table = jax.random.normal(k_tab, (VOCAB, EMBED_DIM), dtype=jnp.float32)
    return {"input_ids": input_ids, "table": table}

def reference(input_ids, table):
    # _EncoderStub.forward: embedding lookup; attention_mask is discarded.
    # Returns last_hidden_state (the wrapper object just holds this array).
    last_hidden_state = jnp.take(table, input_ids, axis=0)
    return last_hidden_state

if __name__ == "__main__":
    import jax
    _d = setup_inputs()
    print(jax.jit(kernel)(*tuple(_d.values())))

</pallas_src>

<mosaic_0001>
#map = affine_map<(d0, d1) -> (0, 0, 0, 0)>
#map1 = affine_map<(d0, d1) -> (0)>
module attributes {stable_mosaic.version = 14 : i64} {
  func.func @emb(%arg0: i32, %arg1: i32, %arg2: memref<25x128x8x128xi32, #tpu.memory_space<hbm>>, %arg3: memref<2048xf32, #tpu.memory_space<hbm>>, %arg4: memref<13107200xf32, #tpu.memory_space<hbm>>, %arg5: memref<2048xf32, #tpu.memory_space<vmem>>, %arg6: memref<3x32x128xi32, #tpu.memory_space<vmem>>, %arg7: memref<49152xf32, #tpu.memory_space<vmem>>, %arg8: memref<3x!tpu.dma_semaphore, #tpu.memory_space<semaphore_mem>>, %arg9: memref<3x!tpu.dma_semaphore, #tpu.memory_space<semaphore_mem>>) attributes {dimension_semantics = [#tpu.dimension_semantics<core_parallel>, #tpu.dimension_semantics<subcore_parallel>], iteration_bounds = array<i64: 2, 16>, scalar_prefetch = 0 : i64, scratch_operands = 5 : i64, tpu.core_type = #tpu.core_type<sc_vector_subcore>, window_params = [{transform_indices = #map}, {transform_indices = #map1}, {transform_indices = #map1}]} {
    %mul3A = arith.constant 2 : i32
    %mul3A_0 = arith.muli %arg1, %mul3A : i32
    %add3A = arith.addi %mul3A_0, %arg0 : i32
    "tpu.region"() ({
      %run_scoped3A = tpu.sem_alloc : memref<!tpu.dma_semaphore, #tpu.memory_space<semaphore_mem>>
      tpu.enqueue_dma source(%arg3 : memref<2048xf32, #tpu.memory_space<hbm>>) target(%arg5 : memref<2048xf32, #tpu.memory_space<vmem>>) target_semaphore(%run_scoped3A : memref<!tpu.dma_semaphore, #tpu.memory_space<semaphore_mem>>)
      tpu.wait_dma2 semaphore(%run_scoped3A : memref<!tpu.dma_semaphore, #tpu.memory_space<semaphore_mem>>) src(%arg3 : memref<2048xf32, #tpu.memory_space<hbm>>) dst(%arg5 : memref<2048xf32, #tpu.memory_space<vmem>>)
      tpu.yield
    }) : () -> ()
    %mul3A_1 = arith.constant 25 : i32
    %mul3A_2 = arith.muli %add3A, %mul3A_1 : i32
    %iota3A = tpu.iota {dimensions = array<i32: 0>} : vector<16xi32>
    %add3A_3 = arith.constant 0 : i32
    %add3A_4 = vector.broadcast %add3A_3 : i32 to vector<16xi32>
    %add3A_5 = arith.addi %iota3A, %add3A_4 : vector<16xi32>
    %iota3A_6 = tpu.iota {dimensions = array<i32: 0>} : vector<16xi32>
    %add3A_7 = arith.constant 512 : i32
    %add3A_8 = vector.broadcast %add3A_7 : i32 to vector<16xi32>
    %add3A_9 = arith.addi %iota3A_6, %add3A_8 : vector<16xi32>
    %iota3A_10 = tpu.iota {dimensions = array<i32: 0>} : vector<16xi32>
    %add3A_11 = arith.constant 1024 : i32
    %add3A_12 = vector.broadcast %add3A_11 : i32 to vector<16xi32>
    %add3A_13 = arith.addi %iota3A_10, %add3A_12 : vector<16xi32>
    %iota3A_14 = tpu.iota {dimensions = array<i32: 0>} : vector<16xi32>
    %add3A_15 = arith.constant 1536 : i32
    %add3A_16 = vector.broadcast %add3A_15 : i32 to vector<16xi32>
    %add3A_17 = arith.addi %iota3A_14, %add3A_16 : vector<16xi32>
    %add3A_18 = arith.constant 0 : i32
    %add3A_19 = arith.addi %mul3A_2, %add3A_18 : i32
    %jit3A = arith.constant 4 : i32
    %div3A = arith.divsi %add3A_19, %jit3A : i32
    %sign3A = arith.constant 0 : i32
    %sign3A_20 = arith.cmpi sgt, %add3A_19, %sign3A : i32
    %sign3A_21 = arith.extui %sign3A_20 : i1 to i32
    %sign3A_22 = arith.constant 0 : i32
    %sign3A_23 = arith.cmpi slt, %add3A_19, %sign3A_22 : i32
    %sign3A_24 = arith.extui %sign3A_23 : i1 to i32
    %sign3A_25 = arith.subi %sign3A_21, %sign3A_24 : i32
    %sign3A_26 = arith.constant 0 : i32
    %sign3A_27 = arith.cmpi sgt, %jit3A, %sign3A_26 : i32
    %sign3A_28 = arith.extui %sign3A_27 : i1 to i32
    %sign3A_29 = arith.constant 0 : i32
    %sign3A_30 = arith.cmpi slt, %jit3A, %sign3A_29 : i32
    %sign3A_31 = arith.extui %sign3A_30 : i1 to i32
    %sign3A_32 = arith.subi %sign3A_28, %sign3A_31 : i32
    %ne3A = arith.cmpi ne, %sign3A_25, %sign3A_32 : i32
    %rem3A = arith.remsi %add3A_19, %jit3A : i32
    %ne3A_33 = arith.constant 0 : i32
    %ne3A_34 = arith.cmpi ne, %rem3A, %ne3A_33 : i32
    %and3A = arith.andi %ne3A, %ne3A_34 : i1
    %sub3A = arith.constant 1 : i32
    %sub3A_35 = arith.subi %div3A, %sub3A : i32
    %select_n3A = arith.select %and3A, %sub3A_35, %div3A : i32
    %jit3A_36 = arith.constant 4 : i32
    %eq3A = arith.constant 0 : i32
    %eq3A_37 = arith.cmpi eq, %jit3A_36, %eq3A : i32
    %jit3A_38 = arith.constant 1 : i32
    %select_n3A_39 = arith.select %eq3A_37, %jit3A_38, %jit3A_36 : i32
    %rem3A_40 = arith.remsi %add3A_19, %select_n3A_39 : i32
    %ne3A_41 = arith.constant 0 : i32
    %ne3A_42 = arith.cmpi ne, %rem3A_40, %ne3A_41 : i32
    %lt3A = arith.constant 0 : i32
    %lt3A_43 = arith.cmpi slt, %rem3A_40, %lt3A : i32
    %lt3A_44 = arith.constant 0 : i32
    %lt3A_45 = arith.cmpi slt, %select_n3A_39, %lt3A_44 : i32
    %ne3A_46 = arith.xori %lt3A_43, %lt3A_45 : i1
    %and3A_47 = arith.andi %ne3A_46, %ne3A_42 : i1
    %add3A_48 = arith.addi %rem3A_40, %select_n3A_39 : i32
    %select_n3A_49 = arith.select %and3A_47, %add3A_48, %rem3A_40 : i32
    %jit3A_50 = arith.constant 8 : i32
    %div3A_51 = arith.divsi %select_n3A, %jit3A_50 : i32
    %sign3A_52 = arith.constant 0 : i32
    %sign3A_53 = arith.cmpi sgt, %select_n3A, %sign3A_52 : i32
    %sign3A_54 = arith.extui %sign3A_53 : i1 to i32
    %sign3A_55 = arith.constant 0 : i32
    %sign3A_56 = arith.cmpi slt, %select_n3A, %sign3A_55 : i32
    %sign3A_57 = arith.extui %sign3A_56 : i1 to i32
    %sign3A_58 = arith.subi %sign3A_54, %sign3A_57 : i32
    %sign3A_59 = arith.constant 0 : i32
    %sign3A_60 = arith.cmpi sgt, %jit3A_50, %sign3A_59 : i32
    %sign3A_61 = arith.extui %sign3A_60 : i1 to i32
    %sign3A_62 = arith.constant 0 : i32
    %sign3A_63 = arith.cmpi slt, %jit3A_50, %sign3A_62 : i32
    %sign3A_64 = arith.extui %sign3A_63 : i1 to i32
    %sign3A_65 = arith.subi %sign3A_61, %sign3A_64 : i32
    %ne3A_66 = arith.cmpi ne, %sign3A_58, %sign3A_65 : i32
    %rem3A_67 = arith.remsi %select_n3A, %jit3A_50 : i32
    %ne3A_68 = arith.constant 0 : i32
    %ne3A_69 = arith.cmpi ne, %rem3A_67, %ne3A_68 : i32
    %and3A_70 = arith.andi %ne3A_66, %ne3A_69 : i1
    %sub3A_71 = arith.constant 1 : i32
    %sub3A_72 = arith.subi %div3A_51, %sub3A_71 : i32
    %select_n3A_73 = arith.select %and3A_70, %sub3A_72, %div3A_51 : i32
    %mul3A_74 = arith.constant 32 : i32
    %mul3A_75 = arith.muli %select_n3A_49, %mul3A_74 : i32
    %jit3A_76 = arith.constant 8 : i32
    %eq3A_77 = arith.constant 0 : i32
    %eq3A_78 = arith.cmpi eq, %jit3A_76, %eq3A_77 : i32
    %jit3A_79 = arith.constant 1 : i32
    %select_n3A_80 = arith.select %eq3A_78, %jit3A_79, %jit3A_76 : i32
    %rem3A_81 = arith.remsi %select_n3A, %select_n3A_80 : i32
    %ne3A_82 = arith.constant 0 : i32
    %ne3A_83 = arith.cmpi ne, %rem3A_81, %ne3A_82 : i32
    %lt3A_84 = arith.constant 0 : i32
    %lt3A_85 = arith.cmpi slt, %rem3A_81, %lt3A_84 : i32
    %lt3A_86 = arith.constant 0 : i32
    %lt3A_87 = arith.cmpi slt, %select_n3A_80, %lt3A_86 : i32
    %ne3A_88 = arith.xori %lt3A_85, %lt3A_87 : i1
    %and3A_89 = arith.andi %ne3A_88, %ne3A_83 : i1
    %add3A_90 = arith.addi %rem3A_81, %select_n3A_80 : i32
    %select_n3A_91 = arith.select %and3A_89, %add3A_90, %rem3A_81 : i32
    %dma_start3A = arith.constant 0 : i32
    %dma_start3A_92 = arith.constant 0 : i32
    %dma_start3A_93 = arith.constant 0 : i32
    %dma_start3A_94 = arith.constant 0 : i32
    %dma_start3A_95 = tpu.memref_slice %arg6[%dma_start3A, %dma_start3A_93, %dma_start3A_94] : memref<3x32x128xi32, #tpu.memory_space<vmem>> -> memref<1x32x128xi32, #tpu.memory_space<vmem>>
    %dma_start3A_96 = tpu.memref_squeeze %dma_start3A_95 : memref<1x32x128xi32, #tpu.memory_space<vmem>> -> memref<32x128xi32, #tpu.memory_space<vmem>>
    %dma_start3A_97 = arith.constant 0 : i32
    %dma_start3A_98 = tpu.memref_slice %arg2[%select_n3A_73, %mul3A_75, %select_n3A_91, %dma_start3A_97] : memref<25x128x8x128xi32, #tpu.memory_space<hbm>> -> memref<1x32x1x128xi32, #tpu.memory_space<hbm>>
    %dma_start3A_99 = tpu.memref_squeeze %dma_start3A_98 : memref<1x32x1x128xi32, #tpu.memory_space<hbm>> -> memref<32x128xi32, #tpu.memory_space<hbm>>
    %dma_start3A_100 = tpu.memref_slice %arg8[%dma_start3A_92] : memref<3x!tpu.dma_semaphore, #tpu.memory_space<semaphore_mem>> -> memref<1x!tpu.dma_semaphore, #tpu.memory_space<semaphore_mem>>
    %dma_start3A_101 = tpu.memref_squeeze %dma_start3A_100 : memref<1x!tpu.dma_semaphore, #tpu.memory_space<semaphore_mem>> -> memref<!tpu.dma_semaphore, #tpu.memory_space<semaphore_mem>>
    %dma_start3A_102 = arith.constant 0 : i32
    %dma_start3A_103 = arith.constant 0 : i32
    %dma_start3A_104 = tpu.memref_slice %arg6[%dma_start3A, %dma_start3A_102, %dma_start3A_103] : memref<3x32x128xi32, #tpu.memory_space<vmem>> -> memref<1x32x128xi32, #tpu.memory_space<vmem>>
    %dma_start3A_105 = tpu.memref_squeeze %dma_start3A_104 : memref<1x32x128xi32, #tpu.memory_space<vmem>> -> memref<32x128xi32, #tpu.memory_space<vmem>>
    %dma_start3A_106 = arith.constant 0 : i32
    %dma_start3A_107 = tpu.memref_slice %arg2[%select_n3A_73, %mul3A_75, %select_n3A_91, %dma_start3A_106] : memref<25x128x8x128xi32, #tpu.memory_space<hbm>> -> memref<1x32x1x128xi32, #tpu.memory_space<hbm>>
    %dma_start3A_108 = tpu.memref_squeeze %dma_start3A_107 : memref<1x32x1x128xi32, #tpu.memory_space<hbm>> -> memref<32x128xi32, #tpu.memory_space<hbm>>
    tpu.enqueue_dma source(%dma_start3A_108 : memref<32x128xi32, #tpu.memory_space<hbm>>) target(%dma_start3A_105 : memref<32x128xi32, #tpu.memory_space<vmem>>) target_semaphore(%dma_start3A_101 : memref<!tpu.dma_semaphore, #tpu.memory_space<semaphore_mem>>)
    %add3A_109 = arith.constant 1 : i32
    %add3A_110 = arith.addi %mul3A_2, %add3A_109 : i32
    %jit3A_111 = arith.constant 4 : i32
    %div3A_112 = arith.divsi %add3A_110, %jit3A_111 : i32
    %sign3A_113 = arith.constant 0 : i32
    %sign3A_114 = arith.cmpi sgt, %add3A_110, %sign3A_113 : i32
    %sign3A_115 = arith.extui %sign3A_114 : i1 to i32
    %sign3A_116 = arith.constant 0 : i32
    %sign3A_117 = arith.cmpi slt, %add3A_110, %sign3A_116 : i32
    %sign3A_118 = arith.extui %sign3A_117 : i1 to i32
    %sign3A_119 = arith.subi %sign3A_115, %sign3A_118 : i32
    %sign3A_120 = arith.constant 0 : i32
    %sign3A_121 = arith.cmpi sgt, %jit3A_111, %sign3A_120 : i32
    %sign3A_122 = arith.extui %sign3A_121 : i1 to i32
    %sign3A_123 = arith.constant 0 : i32
    %sign3A_124 = arith.cmpi slt, %jit3A_111, %sign3A_123 : i32
    %sign3A_125 = arith.extui %sign3A_124 : i1 to i32
    %sign3A_126 = arith.subi %sign3A_122, %sign3A_125 : i32
    %ne3A_127 = arith.cmpi ne, %sign3A_119, %sign3A_126 : i32
    %rem3A_128 = arith.remsi %add3A_110, %jit3A_111 : i32
    %ne3A_129 = arith.constant 0 : i32
    %ne3A_130 = arith.cmpi ne, %rem3A_128, %ne3A_129 : i32
    %and3A_131 = arith.andi %ne3A_127, %ne3A_130 : i1
    %sub3A_132 = arith.constant 1 : i32
    %sub3A_133 = arith.subi %div3A_112, %sub3A_132 : i32
    %select_n3A_134 = arith.select %and3A_131, %sub3A_133, %div3A_112 : i32
    %jit3A_135 = arith.constant 4 : i32
    %eq3A_136 = arith.constant 0 : i32
    %eq3A_137 = arith.cmpi eq, %jit3A_135, %eq3A_136 : i32
    %jit3A_138 = arith.constant 1 : i32
    %select_n3A_139 = arith.select %eq3A_137, %jit3A_138, %jit3A_135 : i32
    %rem3A_140 = arith.remsi %add3A_110, %select_n3A_139 : i32
    %ne3A_141 = arith.constant 0 : i32
    %ne3A_142 = arith.cmpi ne, %rem3A_140, %ne3A_141 : i32
    %lt3A_143 = arith.constant 0 : i32
    %lt3A_144 = arith.cmpi slt, %rem3A_140, %lt3A_143 : i32
    %lt3A_145 = arith.constant 0 : i32
    %lt3A_146 = arith.cmpi slt, %select_n3A_139, %lt3A_145 : i32
    %ne3A_147 = arith.xori %lt3A_144, %lt3A_146 : i1
    %and3A_148 = arith.andi %ne3A_147, %ne3A_142 : i1
    %add3A_149 = arith.addi %rem3A_140, %select_n3A_139 : i32
    %select_n3A_150 = arith.select %and3A_148, %add3A_149, %rem3A_140 : i32
    %jit3A_151 = arith.constant 8 : i32
    %div3A_152 = arith.divsi %select_n3A_134, %jit3A_151 : i32
    %sign3A_153 = arith.constant 0 : i32
    %sign3A_154 = arith.cmpi sgt, %select_n3A_134, %sign3A_153 : i32
    %sign3A_155 = arith.extui %sign3A_154 : i1 to i32
    %sign3A_156 = arith.constant 0 : i32
    %sign3A_157 = arith.cmpi slt, %select_n3A_134, %sign3A_156 : i32
    %sign3A_158 = arith.extui %sign3A_157 : i1 to i32
    %sign3A_159 = arith.subi %sign3A_155, %sign3A_158 : i32
    %sign3A_160 = arith.constant 0 : i32
    %sign3A_161 = arith.cmpi sgt, %jit3A_151, %sign3A_160 : i32
    %sign3A_162 = arith.extui %sign3A_161 : i1 to i32
    %sign3A_163 = arith.constant 0 : i32
    %sign3A_164 = arith.cmpi slt, %jit3A_151, %sign3A_163 : i32
    %sign3A_165 = arith.extui %sign3A_164 : i1 to i32
    %sign3A_166 = arith.subi %sign3A_162, %sign3A_165 : i32
    %ne3A_167 = arith.cmpi ne, %sign3A_159, %sign3A_166 : i32
    %rem3A_168 = arith.remsi %select_n3A_134, %jit3A_151 : i32
    %ne3A_169 = arith.constant 0 : i32
    %ne3A_170 = arith.cmpi ne, %rem3A_168, %ne3A_169 : i32
    %and3A_171 = arith.andi %ne3A_167, %ne3A_170 : i1
    %sub3A_172 = arith.constant 1 : i32
    %sub3A_173 = arith.subi %div3A_152, %sub3A_172 : i32
    %select_n3A_174 = arith.select %and3A_171, %sub3A_173, %div3A_152 : i32
    %mul3A_175 = arith.constant 32 : i32
    %mul3A_176 = arith.muli %select_n3A_150, %mul3A_175 : i32
    %jit3A_177 = arith.constant 8 : i32
    %eq3A_178 = arith.constant 0 : i32
    %eq3A_179 = arith.cmpi eq, %jit3A_177, %eq3A_178 : i32
    %jit3A_180 = arith.constant 1 : i32
    %select_n3A_181 = arith.select %eq3A_179, %jit3A_180, %jit3A_177 : i32
    %rem3A_182 = arith.remsi %select_n3A_134, %select_n3A_181 : i32
    %ne3A_183 = arith.constant 0 : i32
    %ne3A_184 = arith.cmpi ne, %rem3A_182, %ne3A_183 : i32
    %lt3A_185 = arith.constant 0 : i32
    %lt3A_186 = arith.cmpi slt, %rem3A_182, %lt3A_185 : i32
    %lt3A_187 = arith.constant 0 : i32
    %lt3A_188 = arith.cmpi slt, %select_n3A_181, %lt3A_187 : i32
    %ne3A_189 = arith.xori %lt3A_186, %lt3A_188 : i1
    %and3A_190 = arith.andi %ne3A_189, %ne3A_184 : i1
    %add3A_191 = arith.addi %rem3A_182, %select_n3A_181 : i32
    %select_n3A_192 = arith.select %and3A_190, %add3A_191, %rem3A_182 : i32
    %dma_start3A_193 = arith.constant 1 : i32
    %dma_start3A_194 = arith.constant 1 : i32
    %dma_start3A_195 = arith.constant 0 : i32
    %dma_start3A_196 = arith.constant 0 : i32
    %dma_start3A_197 = tpu.memref_slice %arg6[%dma_start3A_193, %dma_start3A_195, %dma_start3A_196] : memref<3x32x128xi32, #tpu.memory_space<vmem>> -> memref<1x32x128xi32, #tpu.memory_space<vmem>>
    %dma_start3A_198 = tpu.memref_squeeze %dma_start3A_197 : memref<1x32x128xi32, #tpu.memory_space<vmem>> -> memref<32x128xi32, #tpu.memory_space<vmem>>
    %dma_start3A_199 = arith.constant 0 : i32
    %dma_start3A_200 = tpu.memref_slice %arg2[%select_n3A_174, %mul3A_176, %select_n3A_192, %dma_start3A_199] : memref<25x128x8x128xi32, #tpu.memory_space<hbm>> -> memref<1x32x1x128xi32, #tpu.memory_space<hbm>>
    %dma_start3A_201 = tpu.memref_squeeze %dma_start3A_200 : memref<1x32x1x128xi32, #tpu.memory_space<hbm>> -> memref<32x128xi32, #tpu.memory_space<hbm>>
    %dma_start3A_202 = tpu.memref_slice %arg8[%dma_start3A_194] : memref<3x!tpu.dma_semaphore, #tpu.memory_space<semaphore_mem>> -> memref<1x!tpu.dma_semaphore, #tpu.memory_space<semaphore_mem>>
    %dma_start3A_203 = tpu.memref_squeeze %dma_start3A_202 : memref<1x!tpu.dma_semaphore, #tpu.memory_space<semaphore_mem>> -> memref<!tpu.dma_semaphore, #tpu.memory_space<semaphore_mem>>
    %dma_start3A_204 = arith.constant 0 : i32
    %dma_start3A_205 = arith.constant 0 : i32
    %dma_start3A_206 = tpu.memref_slice %arg6[%dma_start3A_193, %dma_start3A_204, %dma_start3A_205] : memref<3x32x128xi32, #tpu.memory_space<vmem>> -> memref<1x32x128xi32, #tpu.memory_space<vmem>>
    %dma_start3A_207 = tpu.memref_squeeze %dma_start3A_206 : memref<1x32x128xi32, #tpu.memory_space<vmem>> -> memref<32x128xi32, #tpu.memory_space<vmem>>
    %dma_start3A_208 = arith.constant 0 : i32
    %dma_start3A_209 = tpu.memref_slice %arg2[%select_n3A_174, %mul3A_176, %select_n3A_192, %dma_start3A_208] : memref<25x128x8x128xi32, #tpu.memory_space<hbm>> -> memref<1x32x1x128xi32, #tpu.memory_space<hbm>>
    %dma_start3A_210 = tpu.memref_squeeze %dma_start3A_209 : memref<1x32x1x128xi32, #tpu.memory_space<hbm>> -> memref<32x128xi32, #tpu.memory_space<hbm>>
    tpu.enqueue_dma source(%dma_start3A_210 : memref<32x128xi32, #tpu.memory_space<hbm>>) target(%dma_start3A_207 : memref<32x128xi32, #tpu.memory_space<vmem>>) target_semaphore(%dma_start3A_203 : memref<!tpu.dma_semaphore, #tpu.memory_space<semaphore_mem>>)
    %add3A_211 = arith.constant 2 : i32
    %add3A_212 = arith.addi %mul3A_2, %add3A_211 : i32
    %jit3A_213 = arith.constant 4 : i32
    %div3A_214 = arith.divsi %add3A_212, %jit3A_213 : i32
    %sign3A_215 = arith.constant 0 : i32
    %sign3A_216 = arith.cmpi sgt, %add3A_212, %sign3A_215 : i32
    %sign3A_217 = arith.extui %sign3A_216 : i1 to i32
    %sign3A_218 = arith.constant 0 : i32
    %sign3A_219 = arith.cmpi slt, %add3A_212, %sign3A_218 : i32
    %sign3A_220 = arith.extui %sign3A_219 : i1 to i32
    %sign3A_221 = arith.subi %sign3A_217, %sign3A_220 : i32
    %sign3A_222 = arith.constant 0 : i32
    %sign3A_223 = arith.cmpi sgt, %jit3A_213, %sign3A_222 : i32
    %sign3A_224 = arith.extui %sign3A_223 : i1 to i32
    %sign3A_225 = arith.constant 0 : i32
    %sign3A_226 = arith.cmpi slt, %jit3A_213, %sign3A_225 : i32
    %sign3A_227 = arith.extui %sign3A_226 : i1 to i32
    %sign3A_228 = arith.subi %sign3A_224, %sign3A_227 : i32
    %ne3A_229 = arith.cmpi ne, %sign3A_221, %sign3A_228 : i32
    %rem3A_230 = arith.remsi %add3A_212, %jit3A_213 : i32
    %ne3A_231 = arith.constant 0 : i32
    %ne3A_232 = arith.cmpi ne, %rem3A_230, %ne3A_231 : i32
    %and3A_233 = arith.andi %ne3A_229, %ne3A_232 : i1
    %sub3A_234 = arith.constant 1 : i32
    %sub3A_235 = arith.subi %div3A_214, %sub3A_234 : i32
    %select_n3A_236 = arith.select %and3A_233, %sub3A_235, %div3A_214 : i32
    %jit3A_237 = arith.constant 4 : i32
    %eq3A_238 = arith.constant 0 : i32
    %eq3A_239 = arith.cmpi eq, %jit3A_237, %eq3A_238 : i32
    %jit3A_240 = arith.constant 1 : i32
    %select_n3A_241 = arith.select %eq3A_239, %jit3A_240, %jit3A_237 : i32
    %rem3A_242 = arith.remsi %add3A_212, %select_n3A_241 : i32
    %ne3A_243 = arith.constant 0 : i32
    %ne3A_244 = arith.cmpi ne, %rem3A_242, %ne3A_243 : i32
    %lt3A_245 = arith.constant 0 : i32
    %lt3A_246 = arith.cmpi slt, %rem3A_242, %lt3A_245 : i32
    %lt3A_247 = arith.constant 0 : i32
    %lt3A_248 = arith.cmpi slt, %select_n3A_241, %lt3A_247 : i32
    %ne3A_249 = arith.xori %lt3A_246, %lt3A_248 : i1
    %and3A_250 = arith.andi %ne3A_249, %ne3A_244 : i1
    %add3A_251 = arith.addi %rem3A_242, %select_n3A_241 : i32
    %select_n3A_252 = arith.select %and3A_250, %add3A_251, %rem3A_242 : i32
    %jit3A_253 = arith.constant 8 : i32
    %div3A_254 = arith.divsi %select_n3A_236, %jit3A_253 : i32
    %sign3A_255 = arith.constant 0 : i32
    %sign3A_256 = arith.cmpi sgt, %select_n3A_236, %sign3A_255 : i32
    %sign3A_257 = arith.extui %sign3A_256 : i1 to i32
    %sign3A_258 = arith.constant 0 : i32
    %sign3A_259 = arith.cmpi slt, %select_n3A_236, %sign3A_258 : i32
    %sign3A_260 = arith.extui %sign3A_259 : i1 to i32
    %sign3A_261 = arith.subi %sign3A_257, %sign3A_260 : i32
    %sign3A_262 = arith.constant 0 : i32
    %sign3A_263 = arith.cmpi sgt, %jit3A_253, %sign3A_262 : i32
    %sign3A_264 = arith.extui %sign3A_263 : i1 to i32
    %sign3A_265 = arith.constant 0 : i32
    %sign3A_266 = arith.cmpi slt, %jit3A_253, %sign3A_265 : i32
    %sign3A_267 = arith.extui %sign3A_266 : i1 to i32
    %sign3A_268 = arith.subi %sign3A_264, %sign3A_267 : i32
    %ne3A_269 = arith.cmpi ne, %sign3A_261, %sign3A_268 : i32
    %rem3A_270 = arith.remsi %select_n3A_236, %jit3A_253 : i32
    %ne3A_271 = arith.constant 0 : i32
    %ne3A_272 = arith.cmpi ne, %rem3A_270, %ne3A_271 : i32
    %and3A_273 = arith.andi %ne3A_269, %ne3A_272 : i1
    %sub3A_274 = arith.constant 1 : i32
    %sub3A_275 = arith.subi %div3A_254, %sub3A_274 : i32
    %select_n3A_276 = arith.select %and3A_273, %sub3A_275, %div3A_254 : i32
    %mul3A_277 = arith.constant 32 : i32
    %mul3A_278 = arith.muli %select_n3A_252, %mul3A_277 : i32
    %jit3A_279 = arith.constant 8 : i32
    %eq3A_280 = arith.constant 0 : i32
    %eq3A_281 = arith.cmpi eq, %jit3A_279, %eq3A_280 : i32
    %jit3A_282 = arith.constant 1 : i32
    %select_n3A_283 = arith.select %eq3A_281, %jit3A_282, %jit3A_279 : i32
    %rem3A_284 = arith.remsi %select_n3A_236, %select_n3A_283 : i32
    %ne3A_285 = arith.constant 0 : i32
    %ne3A_286 = arith.cmpi ne, %rem3A_284, %ne3A_285 : i32
    %lt3A_287 = arith.constant 0 : i32
    %lt3A_288 = arith.cmpi slt, %rem3A_284, %lt3A_287 : i32
    %lt3A_289 = arith.constant 0 : i32
    %lt3A_290 = arith.cmpi slt, %select_n3A_283, %lt3A_289 : i32
    %ne3A_291 = arith.xori %lt3A_288, %lt3A_290 : i1
    %and3A_292 = arith.andi %ne3A_291, %ne3A_286 : i1
    %add3A_293 = arith.addi %rem3A_284, %select_n3A_283 : i32
    %select_n3A_294 = arith.select %and3A_292, %add3A_293, %rem3A_284 : i32
    %dma_start3A_295 = arith.constant 2 : i32
    %dma_start3A_296 = arith.constant 2 : i32
    %dma_start3A_297 = arith.constant 0 : i32
    %dma_start3A_298 = arith.constant 0 : i32
    %dma_start3A_299 = tpu.memref_slice %arg6[%dma_start3A_295, %dma_start3A_297, %dma_start3A_298] : memref<3x32x128xi32, #tpu.memory_space<vmem>> -> memref<1x32x128xi32, #tpu.memory_space<vmem>>
    %dma_start3A_300 = tpu.memref_squeeze %dma_start3A_299 : memref<1x32x128xi32, #tpu.memory_space<vmem>> -> memref<32x128xi32, #tpu.memory_space<vmem>>
    %dma_start3A_301 = arith.constant 0 : i32
    %dma_start3A_302 = tpu.memref_slice %arg2[%select_n3A_276, %mul3A_278, %select_n3A_294, %dma_start3A_301] : memref<25x128x8x128xi32, #tpu.memory_space<hbm>> -> memref<1x32x1x128xi32, #tpu.memory_space<hbm>>
    %dma_start3A_303 = tpu.memref_squeeze %dma_start3A_302 : memref<1x32x1x128xi32, #tpu.memory_space<hbm>> -> memref<32x128xi32, #tpu.memory_space<hbm>>
    %dma_start3A_304 = tpu.memref_slice %arg8[%dma_start3A_296] : memref<3x!tpu.dma_semaphore, #tpu.memory_space<semaphore_mem>> -> memref<1x!tpu.dma_semaphore, #tpu.memory_space<semaphore_mem>>
    %dma_start3A_305 = tpu.memref_squeeze %dma_start3A_304 : memref<1x!tpu.dma_semaphore, #tpu.memory_space<semaphore_mem>> -> memref<!tpu.dma_semaphore, #tpu.memory_space<semaphore_mem>>
    %dma_start3A_306 = arith.constant 0 : i32
    %dma_start3A_307 = arith.constant 0 : i32
    %dma_start3A_308 = tpu.memref_slice %arg6[%dma_start3A_295, %dma_start3A_306, %dma_start3A_307] : memref<3x32x128xi32, #tpu.memory_space<vmem>> -> memref<1x32x128xi32, #tpu.memory_space<vmem>>
    %dma_start3A_309 = tpu.memref_squeeze %dma_start3A_308 : memref<1x32x128xi32, #tpu.memory_space<vmem>> -> memref<32x128xi32, #tpu.memory_space<vmem>>
    %dma_start3A_310 = arith.constant 0 : i32
    %dma_start3A_311 = tpu.memref_slice %arg2[%select_n3A_276, %mul3A_278, %select_n3A_294, %dma_start3A_310] : memref<25x128x8x128xi32, #tpu.memory_space<hbm>> -> memref<1x32x1x128xi32, #tpu.memory_space<hbm>>
    %dma_start3A_312 = tpu.memref_squeeze %dma_start3A_311 : memref<1x32x1x128xi32, #tpu.memory_space<hbm>> -> memref<32x128xi32, #tpu.memory_space<hbm>>
    tpu.enqueue_dma source(%dma_start3A_312 : memref<32x128xi32, #tpu.memory_space<hbm>>) target(%dma_start3A_309 : memref<32x128xi32, #tpu.memory_space<vmem>>) target_semaphore(%dma_start3A_305 : memref<!tpu.dma_semaphore, #tpu.memory_space<semaphore_mem>>)
    %add3A_313 = arith.constant 0 : i32
    %add3A_314 = arith.addi %mul3A_2, %add3A_313 : i32
    %jit3A_315 = arith.constant 4 : i32
    %div3A_316 = arith.divsi %add3A_314, %jit3A_315 : i32
    %sign3A_317 = arith.constant 0 : i32
    %sign3A_318 = arith.cmpi sgt, %add3A_314, %sign3A_317 : i32
    %sign3A_319 = arith.extui %sign3A_318 : i1 to i32
    %sign3A_320 = arith.constant 0 : i32
    %sign3A_321 = arith.cmpi slt, %add3A_314, %sign3A_320 : i32
    %sign3A_322 = arith.extui %sign3A_321 : i1 to i32
    %sign3A_323 = arith.subi %sign3A_319, %sign3A_322 : i32
    %sign3A_324 = arith.constant 0 : i32
    %sign3A_325 = arith.cmpi sgt, %jit3A_315, %sign3A_324 : i32
    %sign3A_326 = arith.extui %sign3A_325 : i1 to i32
    %sign3A_327 = arith.constant 0 : i32
    %sign3A_328 = arith.cmpi slt, %jit3A_315, %sign3A_327 : i32
    %sign3A_329 = arith.extui %sign3A_328 : i1 to i32
    %sign3A_330 = arith.subi %sign3A_326, %sign3A_329 : i32
    %ne3A_331 = arith.cmpi ne, %sign3A_323, %sign3A_330 : i32
    %rem3A_332 = arith.remsi %add3A_314, %jit3A_315 : i32
    %ne3A_333 = arith.constant 0 : i32
    %ne3A_334 = arith.cmpi ne, %rem3A_332, %ne3A_333 : i32
    %and3A_335 = arith.andi %ne3A_331, %ne3A_334 : i1
    %sub3A_336 = arith.constant 1 : i32
    %sub3A_337 = arith.subi %div3A_316, %sub3A_336 : i32
    %select_n3A_338 = arith.select %and3A_335, %sub3A_337, %div3A_316 : i32
    %jit3A_339 = arith.constant 4 : i32
    %eq3A_340 = arith.constant 0 : i32
    %eq3A_341 = arith.cmpi eq, %jit3A_339, %eq3A_340 : i32
    %jit3A_342 = arith.constant 1 : i32
    %select_n3A_343 = arith.select %eq3A_341, %jit3A_342, %jit3A_339 : i32
    %rem3A_344 = arith.remsi %add3A_314, %select_n3A_343 : i32
    %ne3A_345 = arith.constant 0 : i32
    %ne3A_346 = arith.cmpi ne, %rem3A_344, %ne3A_345 : i32
    %lt3A_347 = arith.constant 0 : i32
    %lt3A_348 = arith.cmpi slt, %rem3A_344, %lt3A_347 : i32
    %lt3A_349 = arith.constant 0 : i32
    %lt3A_350 = arith.cmpi slt, %select_n3A_343, %lt3A_349 : i32
    %ne3A_351 = arith.xori %lt3A_348, %lt3A_350 : i1
    %and3A_352 = arith.andi %ne3A_351, %ne3A_346 : i1
    %add3A_353 = arith.addi %rem3A_344, %select_n3A_343 : i32
    %select_n3A_354 = arith.select %and3A_352, %add3A_353, %rem3A_344 : i32
    %jit3A_355 = arith.constant 8 : i32
    %div3A_356 = arith.divsi %select_n3A_338, %jit3A_355 : i32
    %sign3A_357 = arith.constant 0 : i32
    %sign3A_358 = arith.cmpi sgt, %select_n3A_338, %sign3A_357 : i32
    %sign3A_359 = arith.extui %sign3A_358 : i1 to i32
    %sign3A_360 = arith.constant 0 : i32
    %sign3A_361 = arith.cmpi slt, %select_n3A_338, %sign3A_360 : i32
    %sign3A_362 = arith.extui %sign3A_361 : i1 to i32
    %sign3A_363 = arith.subi %sign3A_359, %sign3A_362 : i32
    %sign3A_364 = arith.constant 0 : i32
    %sign3A_365 = arith.cmpi sgt, %jit3A_355, %sign3A_364 : i32
    %sign3A_366 = arith.extui %sign3A_365 : i1 to i32
    %sign3A_367 = arith.constant 0 : i32
    %sign3A_368 = arith.cmpi slt, %jit3A_355, %sign3A_367 : i32
    %sign3A_369 = arith.extui %sign3A_368 : i1 to i32
    %sign3A_370 = arith.subi %sign3A_366, %sign3A_369 : i32
    %ne3A_371 = arith.cmpi ne, %sign3A_363, %sign3A_370 : i32
    %rem3A_372 = arith.remsi %select_n3A_338, %jit3A_355 : i32
    %ne3A_373 = arith.constant 0 : i32
    %ne3A_374 = arith.cmpi ne, %rem3A_372, %ne3A_373 : i32
    %and3A_375 = arith.andi %ne3A_371, %ne3A_374 : i1
    %sub3A_376 = arith.constant 1 : i32
    %sub3A_377 = arith.subi %div3A_356, %sub3A_376 : i32
    %select_n3A_378 = arith.select %and3A_375, %sub3A_377, %div3A_356 : i32
    %mul3A_379 = arith.constant 32 : i32
    %mul3A_380 = arith.muli %select_n3A_354, %mul3A_379 : i32
    %jit3A_381 = arith.constant 8 : i32
    %eq3A_382 = arith.constant 0 : i32
    %eq3A_383 = arith.cmpi eq, %jit3A_381, %eq3A_382 : i32
    %jit3A_384 = arith.constant 1 : i32
    %select_n3A_385 = arith.select %eq3A_383, %jit3A_384, %jit3A_381 : i32
    %rem3A_386 = arith.remsi %select_n3A_338, %select_n3A_385 : i32
    %ne3A_387 = arith.constant 0 : i32
    %ne3A_388 = arith.cmpi ne, %rem3A_386, %ne3A_387 : i32
    %lt3A_389 = arith.constant 0 : i32
    %lt3A_390 = arith.cmpi slt, %rem3A_386, %lt3A_389 : i32
    %lt3A_391 = arith.constant 0 : i32
    %lt3A_392 = arith.cmpi slt, %select_n3A_385, %lt3A_391 : i32
    %ne3A_393 = arith.xori %lt3A_390, %lt3A_392 : i1
    %and3A_394 = arith.andi %ne3A_393, %ne3A_388 : i1
    %add3A_395 = arith.addi %rem3A_386, %select_n3A_385 : i32
    %select_n3A_396 = arith.select %and3A_394, %add3A_395, %rem3A_386 : i32
    %dma_wait3A = arith.constant 0 : i32
    %dma_wait3A_397 = arith.constant 0 : i32
    %dma_wait3A_398 = arith.constant 0 : i32
    %dma_wait3A_399 = arith.constant 0 : i32
    %dma_wait3A_400 = tpu.memref_slice %arg6[%dma_wait3A, %dma_wait3A_398, %dma_wait3A_399] : memref<3x32x128xi32, #tpu.memory_space<vmem>> -> memref<1x32x128xi32, #tpu.memory_space<vmem>>
    %dma_wait3A_401 = tpu.memref_squeeze %dma_wait3A_400 : memref<1x32x128xi32, #tpu.memory_space<vmem>> -> memref<32x128xi32, #tpu.memory_space<vmem>>
    %dma_wait3A_402 = arith.constant 0 : i32
    %dma_wait3A_403 = tpu.memref_slice %arg2[%select_n3A_378, %mul3A_380, %select_n3A_396, %dma_wait3A_402] : memref<25x128x8x128xi32, #tpu.memory_space<hbm>> -> memref<1x32x1x128xi32, #tpu.memory_space<hbm>>
    %dma_wait3A_404 = tpu.memref_squeeze %dma_wait3A_403 : memref<1x32x1x128xi32, #tpu.memory_space<hbm>> -> memref<32x128xi32, #tpu.memory_space<hbm>>
    %dma_wait3A_405 = tpu.memref_slice %arg8[%dma_wait3A_397] : memref<3x!tpu.dma_semaphore, #tpu.memory_space<semaphore_mem>> -> memref<1x!tpu.dma_semaphore, #tpu.memory_space<semaphore_mem>>
    %dma_wait3A_406 = tpu.memref_squeeze %dma_wait3A_405 : memref<1x!tpu.dma_semaphore, #tpu.memory_space<semaphore_mem>> -> memref<!tpu.dma_semaphore, #tpu.memory_space<semaphore_mem>>
    %dma_wait3A_407 = arith.constant 0 : i32
    %dma_wait3A_408 = arith.constant 0 : i32
    %dma_wait3A_409 = tpu.memref_slice %arg6[%dma_wait3A, %dma_wait3A_407, %dma_wait3A_408] : memref<3x32x128xi32, #tpu.memory_space<vmem>> -> memref<1x32x128xi32, #tpu.memory_space<vmem>>
    %dma_wait3A_410 = tpu.memref_squeeze %dma_wait3A_409 : memref<1x32x128xi32, #tpu.memory_space<vmem>> -> memref<32x128xi32, #tpu.memory_space<vmem>>
    %dma_wait3A_411 = arith.constant 0 : i32
    %dma_wait3A_412 = tpu.memref_slice %arg2[%select_n3A_378, %mul3A_380, %select_n3A_396, %dma_wait3A_411] : memref<25x128x8x128xi32, #tpu.memory_space<hbm>> -> memref<1x32x1x128xi32, #tpu.memory_space<hbm>>
    %dma_wait3A_413 = tpu.memref_squeeze %dma_wait3A_412 : memref<1x32x1x128xi32, #tpu.memory_space<hbm>> -> memref<32x128xi32, #tpu.memory_space<hbm>>
    tpu.wait_dma2 semaphore(%dma_wait3A_406 : memref<!tpu.dma_semaphore, #tpu.memory_space<semaphore_mem>>) src(%dma_wait3A_413 : memref<32x128xi32, #tpu.memory_space<hbm>>) dst(%dma_wait3A_410 : memref<32x128xi32, #tpu.memory_space<vmem>>)
    %parallel_loop3A = arith.constant 0 : i32
    %parallel_loop3A_414 = arith.constant 256 : i32
    %parallel_loop3A_415 = arith.constant 1 : i32
    scf.for %parallel_loop3A_1033 = %parallel_loop3A to %parallel_loop3A_414 step %parallel_loop3A_415  : i32 {
      %parallel_loop3A_1034 = arith.constant 8 : i32
      %parallel_loop3A_1035 = arith.divsi %parallel_loop3A_1033, %parallel_loop3A_1034 : i32
      %parallel_loop3A_1036 = arith.constant 0 : i32
      %parallel_loop3A_1037 = arith.cmpi sgt, %parallel_loop3A_1033, %parallel_loop3A_1036 : i32
      %parallel_loop3A_1038 = arith.extui %parallel_loop3A_1037 : i1 to i32
      %parallel_loop3A_1039 = arith.constant 0 : i32
      %parallel_loop3A_1040 = arith.cmpi slt, %parallel_loop3A_1033, %parallel_loop3A_1039 : i32
      %parallel_loop3A_1041 = arith.extui %parallel_loop3A_1040 : i1 to i32
      %parallel_loop3A_1042 = arith.subi %parallel_loop3A_1038, %parallel_loop3A_1041 : i32
      %parallel_loop3A_1043 = arith.constant 0 : i32
      %parallel_loop3A_1044 = arith.cmpi sgt, %parallel_loop3A_1034, %parallel_loop3A_1043 : i32
      %parallel_loop3A_1045 = arith.extui %parallel_loop3A_1044 : i1 to i32
      %parallel_loop3A_1046 = arith.constant 0 : i32
      %parallel_loop3A_1047 = arith.cmpi slt, %parallel_loop3A_1034, %parallel_loop3A_1046 : i32
      %parallel_loop3A_1048 = arith.extui %parallel_loop3A_1047 : i1 to i32
      %parallel_loop3A_1049 = arith.subi %parallel_loop3A_1045, %parallel_loop3A_1048 : i32
      %parallel_loop3A_1050 = arith.cmpi ne, %parallel_loop3A_1042, %parallel_loop3A_1049 : i32
      %parallel_loop3A_1051 = arith.remsi %parallel_loop3A_1033, %parallel_loop3A_1034 : i32
      %parallel_loop3A_1052 = arith.constant 0 : i32
      %parallel_loop3A_1053 = arith.cmpi ne, %parallel_loop3A_1051, %parallel_loop3A_1052 : i32
      %parallel_loop3A_1054 = arith.andi %parallel_loop3A_1050, %parallel_loop3A_1053 : i1
      %parallel_loop3A_1055 = arith.constant 1 : i32
      %parallel_loop3A_1056 = arith.subi %parallel_loop3A_1035, %parallel_loop3A_1055 : i32
      %parallel_loop3A_1057 = arith.select %parallel_loop3A_1054, %parallel_loop3A_1056, %parallel_loop3A_1035 : i32
      %parallel_loop3A_1058 = arith.constant 8 : i32
      %parallel_loop3A_1059 = arith.constant 0 : i32
      %parallel_loop3A_1060 = arith.cmpi eq, %parallel_loop3A_1058, %parallel_loop3A_1059 : i32
      %parallel_loop3A_1061 = arith.constant 1 : i32
      %parallel_loop3A_1062 = arith.select %parallel_loop3A_1060, %parallel_loop3A_1061, %parallel_loop3A_1058 : i32
      %parallel_loop3A_1063 = arith.remsi %parallel_loop3A_1033, %parallel_loop3A_1062 : i32
      %parallel_loop3A_1064 = arith.constant 0 : i32
      %parallel_loop3A_1065 = arith.cmpi ne, %parallel_loop3A_1063, %parallel_loop3A_1064 : i32
      %parallel_loop3A_1066 = arith.constant 0 : i32
      %parallel_loop3A_1067 = arith.cmpi slt, %parallel_loop3A_1063, %parallel_loop3A_1066 : i32
      %parallel_loop3A_1068 = arith.constant 0 : i32
      %parallel_loop3A_1069 = arith.cmpi slt, %parallel_loop3A_1062, %parallel_loop3A_1068 : i32
      %parallel_loop3A_1070 = arith.xori %parallel_loop3A_1067, %parallel_loop3A_1069 : i1
      %parallel_loop3A_1071 = arith.andi %parallel_loop3A_1070, %parallel_loop3A_1065 : i1
      %parallel_loop3A_1072 = arith.addi %parallel_loop3A_1063, %parallel_loop3A_1062 : i32
      %parallel_loop3A_1073 = arith.select %parallel_loop3A_1071, %parallel_loop3A_1072, %parallel_loop3A_1063 : i32
      %parallel_loop3A_1074 = arith.constant 16 : i32
      %parallel_loop3A_1075 = arith.muli %parallel_loop3A_1073, %parallel_loop3A_1074 : i32
      %parallel_loop3A_1076 = arith.constant 0 : i32
      %parallel_loop3A_1077 = arith.index_cast %parallel_loop3A_1076 : i32 to index
      %parallel_loop3A_1078 = arith.index_cast %parallel_loop3A_1057 : i32 to index
      %parallel_loop3A_1079 = arith.index_cast %parallel_loop3A_1075 : i32 to index
      %parallel_loop3A_1080 = tpu.vector_load %arg6[%parallel_loop3A_1077, %parallel_loop3A_1078, %parallel_loop3A_1079] {strides = array<i32>} : memref<3x32x128xi32, #tpu.memory_space<vmem>>, vector<16xi32>,
      %parallel_loop3A_1081 = arith.constant 16 : i32
      %parallel_loop3A_1082 = vector.broadcast %parallel_loop3A_1081 : i32 to vector<16xi32>
      %parallel_loop3A_1083 = arith.muli %parallel_loop3A_1080, %parallel_loop3A_1082 : vector<16xi32>
      %parallel_loop3A_1084 = arith.constant 8 : i32
      %parallel_loop3A_1085 = arith.divsi %parallel_loop3A_1033, %parallel_loop3A_1084 : i32
      %parallel_loop3A_1086 = arith.constant 0 : i32
      %parallel_loop3A_1087 = arith.cmpi sgt, %parallel_loop3A_1033, %parallel_loop3A_1086 : i32
      %parallel_loop3A_1088 = arith.extui %parallel_loop3A_1087 : i1 to i32
      %parallel_loop3A_1089 = arith.constant 0 : i32
      %parallel_loop3A_1090 = arith.cmpi slt, %parallel_loop3A_1033, %parallel_loop3A_1089 : i32
      %parallel_loop3A_1091 = arith.extui %parallel_loop3A_1090 : i1 to i32
      %parallel_loop3A_1092 = arith.subi %parallel_loop3A_1088, %parallel_loop3A_1091 : i32
      %parallel_loop3A_1093 = arith.constant 0 : i32
      %parallel_loop3A_1094 = arith.cmpi sgt, %parallel_loop3A_1084, %parallel_loop3A_1093 : i32
      %parallel_loop3A_1095 = arith.extui %parallel_loop3A_1094 : i1 to i32
      %parallel_loop3A_1096 = arith.constant 0 : i32
      %parallel_loop3A_1097 = arith.cmpi slt, %parallel_loop3A_1084, %parallel_loop3A_1096 : i32
      %parallel_loop3A_1098 = arith.extui %parallel_loop3A_1097 : i1 to i32
      %parallel_loop3A_1099 = arith.subi %parallel_loop3A_1095, %parallel_loop3A_1098 : i32
      %parallel_loop3A_1100 = arith.cmpi ne, %parallel_loop3A_1092, %parallel_loop3A_1099 : i32
      %parallel_loop3A_1101 = arith.remsi %parallel_loop3A_1033, %parallel_loop3A_1084 : i32
      %parallel_loop3A_1102 = arith.constant 0 : i32
      %parallel_loop3A_1103 = arith.cmpi ne, %parallel_loop3A_1101, %parallel_loop3A_1102 : i32
      %parallel_loop3A_1104 = arith.andi %parallel_loop3A_1100, %parallel_loop3A_1103 : i1
      %parallel_loop3A_1105 = arith.constant 1 : i32
      %parallel_loop3A_1106 = arith.subi %parallel_loop3A_1085, %parallel_loop3A_1105 : i32
      %parallel_loop3A_1107 = arith.select %parallel_loop3A_1104, %parallel_loop3A_1106, %parallel_loop3A_1085 : i32
      %parallel_loop3A_1108 = arith.constant 512 : i32
      %parallel_loop3A_1109 = arith.muli %parallel_loop3A_1107, %parallel_loop3A_1108 : i32
      %parallel_loop3A_1110 = arith.constant 8 : i32
      %parallel_loop3A_1111 = arith.constant 0 : i32
      %parallel_loop3A_1112 = arith.cmpi eq, %parallel_loop3A_1110, %parallel_loop3A_1111 : i32
      %parallel_loop3A_1113 = arith.constant 1 : i32
      %parallel_loop3A_1114 = arith.select %parallel_loop3A_1112, %parallel_loop3A_1113, %parallel_loop3A_1110 : i32
      %parallel_loop3A_1115 = arith.remsi %parallel_loop3A_1033, %parallel_loop3A_1114 : i32
      %parallel_loop3A_1116 = arith.constant 0 : i32
      %parallel_loop3A_1117 = arith.cmpi ne, %parallel_loop3A_1115, %parallel_loop3A_1116 : i32
      %parallel_loop3A_1118 = arith.constant 0 : i32
      %parallel_loop3A_1119 = arith.cmpi slt, %parallel_loop3A_1115, %parallel_loop3A_1118 : i32
      %parallel_loop3A_1120 = arith.constant 0 : i32
      %parallel_loop3A_1121 = arith.cmpi slt, %parallel_loop3A_1114, %parallel_loop3A_1120 : i32
      %parallel_loop3A_1122 = arith.xori %parallel_loop3A_1119, %parallel_loop3A_1121 : i1
      %parallel_loop3A_1123 = arith.andi %parallel_loop3A_1122, %parallel_loop3A_1117 : i1
      %parallel_loop3A_1124 = arith.addi %parallel_loop3A_1115, %parallel_loop3A_1114 : i32
      %parallel_loop3A_1125 = arith.select %parallel_loop3A_1123, %parallel_loop3A_1124, %parallel_loop3A_1115 : i32
      %parallel_loop3A_1126 = arith.constant 16 : i32
      %parallel_loop3A_1127 = arith.muli %parallel_loop3A_1125, %parallel_loop3A_1126 : i32
      %parallel_loop3A_1128 = arith.addi %parallel_loop3A_1109, %parallel_loop3A_1127 : i32
      %parallel_loop3A_1129 = arith.addi %parallel_loop3A_1083, %add3A_5 : vector<16xi32>
      %parallel_loop3A_1130 = tpu.vector_load_idx %arg5[%parallel_loop3A_1129] : memref<2048xf32, #tpu.memory_space<vmem>>[vector<16xi32>], vector<16xf32>,
      %parallel_loop3A_1131 = arith.constant 0 : i32
      %parallel_loop3A_1132 = arith.addi %parallel_loop3A_1131, %parallel_loop3A_1128 : i32
      %parallel_loop3A_1133 = arith.constant 0 : i32
      %parallel_loop3A_1134 = arith.addi %parallel_loop3A_1132, %parallel_loop3A_1133 : i32
      %parallel_loop3A_1135 = arith.index_cast %parallel_loop3A_1134 : i32 to index
      %parallel_loop3A_1136 = tpu.vector_load %arg7[%parallel_loop3A_1135] {strides = array<i32>} : memref<49152xf32, #tpu.memory_space<vmem>>, vector<16xf32>,
      tpu.vector_store %arg7[%parallel_loop3A_1135], %parallel_loop3A_1130 {strides = array<i32>} : memref<49152xf32, #tpu.memory_space<vmem>>, vector<16xf32>,
      %parallel_loop3A_1137 = arith.addi %parallel_loop3A_1083, %add3A_9 : vector<16xi32>
      %parallel_loop3A_1138 = tpu.vector_load_idx %arg5[%parallel_loop3A_1137] : memref<2048xf32, #tpu.memory_space<vmem>>[vector<16xi32>], vector<16xf32>,
      %parallel_loop3A_1139 = arith.constant 0 : i32
      %parallel_loop3A_1140 = arith.addi %parallel_loop3A_1139, %parallel_loop3A_1128 : i32
      %parallel_loop3A_1141 = arith.constant 128 : i32
      %parallel_loop3A_1142 = arith.addi %parallel_loop3A_1140, %parallel_loop3A_1141 : i32
      %parallel_loop3A_1143 = arith.index_cast %parallel_loop3A_1142 : i32 to index
      %parallel_loop3A_1144 = tpu.vector_load %arg7[%parallel_loop3A_1143] {strides = array<i32>} : memref<49152xf32, #tpu.memory_space<vmem>>, vector<16xf32>,
      tpu.vector_store %arg7[%parallel_loop3A_1143], %parallel_loop3A_1138 {strides = array<i32>} : memref<49152xf32, #tpu.memory_space<vmem>>, vector<16xf32>,
      %parallel_loop3A_1145 = arith.addi %parallel_loop3A_1083, %add3A_13 : vector<16xi32>
      %parallel_loop3A_1146 = tpu.vector_load_idx %arg5[%parallel_loop3A_1145] : memref<2048xf32, #tpu.memory_space<vmem>>[vector<16xi32>], vector<16xf32>,
      %parallel_loop3A_1147 = arith.constant 0 : i32
      %parallel_loop3A_1148 = arith.addi %parallel_loop3A_1147, %parallel_loop3A_1128 : i32
      %parallel_loop3A_1149 = arith.constant 256 : i32
      %parallel_loop3A_1150 = arith.addi %parallel_loop3A_1148, %parallel_loop3A_1149 : i32
      %parallel_loop3A_1151 = arith.index_cast %parallel_loop3A_1150 : i32 to index
      %parallel_loop3A_1152 = tpu.vector_load %arg7[%parallel_loop3A_1151] {strides = array<i32>} : memref<49152xf32, #tpu.memory_space<vmem>>, vector<16xf32>,
      tpu.vector_store %arg7[%parallel_loop3A_1151], %parallel_loop3A_1146 {strides = array<i32>} : memref<49152xf32, #tpu.memory_space<vmem>>, vector<16xf32>,
      %parallel_loop3A_1153 = arith.addi %parallel_loop3A_1083, %add3A_17 : vector<16xi32>
      %parallel_loop3A_1154 = tpu.vector_load_idx %arg5[%parallel_loop3A_1153] : memref<2048xf32, #tpu.memory_space<vmem>>[vector<16xi32>], vector<16xf32>,
      %parallel_loop3A_1155 = arith.constant 0 : i32
      %parallel_loop3A_1156 = arith.addi %parallel_loop3A_1155, %parallel_loop3A_1128 : i32
      %parallel_loop3A_1157 = arith.constant 384 : i32
      %parallel_loop3A_1158 = arith.addi %parallel_loop3A_1156, %parallel_loop3A_1157 : i32
      %parallel_loop3A_1159 = arith.index_cast %parallel_loop3A_1158 : i32 to index
      %parallel_loop3A_1160 = tpu.vector_load %arg7[%parallel_loop3A_1159] {strides = array<i32>} : memref<49152xf32, #tpu.memory_space<vmem>>, vector<16xf32>,
      tpu.vector_store %arg7[%parallel_loop3A_1159], %parallel_loop3A_1154 {strides = array<i32>} : memref<49152xf32, #tpu.memory_space<vmem>>, vector<16xf32>,
    } {sc.loop_unroll_factor = 8 : i64, sc.parallel_access}
    %add3A_416 = arith.constant 0 : i32
    %add3A_417 = arith.addi %mul3A_2, %add3A_416 : i32
    %mul3A_418 = arith.constant 4096 : i32
    %mul3A_419 = arith.muli %add3A_417, %mul3A_418 : i32
    %mul3A_420 = arith.constant 4 : i32
    %mul3A_421 = arith.muli %mul3A_419, %mul3A_420 : i32
    %dma_start3A_422 = arith.constant 0 : i32
    %dma_start3A_423 = arith.constant 0 : i32
    %dma_start3A_424 = tpu.memref_slice %arg7[%dma_start3A_423] : memref<49152xf32, #tpu.memory_space<vmem>> -> memref<16384xf32, #tpu.memory_space<vmem>>
    %dma_start3A_425 = tpu.memref_slice %arg4[%mul3A_421] : memref<13107200xf32, #tpu.memory_space<hbm>> -> memref<16384xf32, #tpu.memory_space<hbm>>
    %dma_start3A_426 = tpu.memref_slice %arg9[%dma_start3A_422] : memref<3x!tpu.dma_semaphore, #tpu.memory_space<semaphore_mem>> -> memref<1x!tpu.dma_semaphore, #tpu.memory_space<semaphore_mem>>
    %dma_start3A_427 = tpu.memref_squeeze %dma_start3A_426 : memref<1x!tpu.dma_semaphore, #tpu.memory_space<semaphore_mem>> -> memref<!tpu.dma_semaphore, #tpu.memory_space<semaphore_mem>>
    %dma_start3A_428 = tpu.memref_slice %arg4[%mul3A_421] : memref<13107200xf32, #tpu.memory_space<hbm>> -> memref<16384xf32, #tpu.memory_space<hbm>>
    %dma_start3A_429 = arith.constant 0 : i32
    %dma_start3A_430 = tpu.memref_slice %arg7[%dma_start3A_429] : memref<49152xf32, #tpu.memory_space<vmem>> -> memref<16384xf32, #tpu.memory_space<vmem>>
    tpu.enqueue_dma source(%dma_start3A_430 : memref<16384xf32, #tpu.memory_space<vmem>>) target(%dma_start3A_428 : memref<16384xf32, #tpu.memory_space<hbm>>) target_semaphore(%dma_start3A_427 : memref<!tpu.dma_semaphore, #tpu.memory_space<semaphore_mem>>)
    %add3A_431 = arith.constant 0 : i32
    %add3A_432 = arith.addi %mul3A_2, %add3A_431 : i32
    %add3A_433 = arith.constant 3 : i32
    %add3A_434 = arith.addi %add3A_432, %add3A_433 : i32
    %jit3A_435 = arith.constant 4 : i32
    %div3A_436 = arith.divsi %add3A_434, %jit3A_435 : i32
    %sign3A_437 = arith.constant 0 : i32
    %sign3A_438 = arith.cmpi sgt, %add3A_434, %sign3A_437 : i32
    %sign3A_439 = arith.extui %sign3A_438 : i1 to i32
    %sign3A_440 = arith.constant 0 : i32
    %sign3A_441 = arith.cmpi slt, %add3A_434, %sign3A_440 : i32
    %sign3A_442 = arith.extui %sign3A_441 : i1 to i32
    %sign3A_443 = arith.subi %sign3A_439, %sign3A_442 : i32
    %sign3A_444 = arith.constant 0 : i32
    %sign3A_445 = arith.cmpi sgt, %jit3A_435, %sign3A_444 : i32
    %sign3A_446 = arith.extui %sign3A_445 : i1 to i32
    %sign3A_447 = arith.constant 0 : i32
    %sign3A_448 = arith.cmpi slt, %jit3A_435, %sign3A_447 : i32
    %sign3A_449 = arith.extui %sign3A_448 : i1 to i32
    %sign3A_450 = arith.subi %sign3A_446, %sign3A_449 : i32
    %ne3A_451 = arith.cmpi ne, %sign3A_443, %sign3A_450 : i32
    %rem3A_452 = arith.remsi %add3A_434, %jit3A_435 : i32
    %ne3A_453 = arith.constant 0 : i32
    %ne3A_454 = arith.cmpi ne, %rem3A_452, %ne3A_453 : i32
    %and3A_455 = arith.andi %ne3A_451, %ne3A_454 : i1
    %sub3A_456 = arith.constant 1 : i32
    %sub3A_457 = arith.subi %div3A_436, %sub3A_456 : i32
    %select_n3A_458 = arith.select %and3A_455, %sub3A_457, %div3A_436 : i32
    %jit3A_459 = arith.constant 4 : i32
    %eq3A_460 = arith.constant 0 : i32
    %eq3A_461 = arith.cmpi eq, %jit3A_459, %eq3A_460 : i32
    %jit3A_462 = arith.constant 1 : i32
    %select_n3A_463 = arith.select %eq3A_461, %jit3A_462, %jit3A_459 : i32
    %rem3A_464 = arith.remsi %add3A_434, %select_n3A_463 : i32
    %ne3A_465 = arith.constant 0 : i32
    %ne3A_466 = arith.cmpi ne, %rem3A_464, %ne3A_465 : i32
    %lt3A_467 = arith.constant 0 : i32
    %lt3A_468 = arith.cmpi slt, %rem3A_464, %lt3A_467 : i32
    %lt3A_469 = arith.constant 0 : i32
    %lt3A_470 = arith.cmpi slt, %select_n3A_463, %lt3A_469 : i32
    %ne3A_471 = arith.xori %lt3A_468, %lt3A_470 : i1
    %and3A_472 = arith.andi %ne3A_471, %ne3A_466 : i1
    %add3A_473 = arith.addi %rem3A_464, %select_n3A_463 : i32
    %select_n3A_474 = arith.select %and3A_472, %add3A_473, %rem3A_464 : i32
    %jit3A_475 = arith.constant 8 : i32
    %div3A_476 = arith.divsi %select_n3A_458, %jit3A_475 : i32
    %sign3A_477 = arith.constant 0 : i32
    %sign3A_478 = arith.cmpi sgt, %select_n3A_458, %sign3A_477 : i32
    %sign3A_479 = arith.extui %sign3A_478 : i1 to i32
    %sign3A_480 = arith.constant 0 : i32
    %sign3A_481 = arith.cmpi slt, %select_n3A_458, %sign3A_480 : i32
    %sign3A_482 = arith.extui %sign3A_481 : i1 to i32
    %sign3A_483 = arith.subi %sign3A_479, %sign3A_482 : i32
    %sign3A_484 = arith.constant 0 : i32
    %sign3A_485 = arith.cmpi sgt, %jit3A_475, %sign3A_484 : i32
    %sign3A_486 = arith.extui %sign3A_485 : i1 to i32
    %sign3A_487 = arith.constant 0 : i32
    %sign3A_488 = arith.cmpi slt, %jit3A_475, %sign3A_487 : i32
    %sign3A_489 = arith.extui %sign3A_488 : i1 to i32
    %sign3A_490 = arith.subi %sign3A_486, %sign3A_489 : i32
    %ne3A_491 = arith.cmpi ne, %sign3A_483, %sign3A_490 : i32
    %rem3A_492 = arith.remsi %select_n3A_458, %jit3A_475 : i32
    %ne3A_493 = arith.constant 0 : i32
    %ne3A_494 = arith.cmpi ne, %rem3A_492, %ne3A_493 : i32
    %and3A_495 = arith.andi %ne3A_491, %ne3A_494 : i1
    %sub3A_496 = arith.constant 1 : i32
    %sub3A_497 = arith.subi %div3A_476, %sub3A_496 : i32
    %select_n3A_498 = arith.select %and3A_495, %sub3A_497, %div3A_476 : i32
    %mul3A_499 = arith.constant 32 : i32
    %mul3A_500 = arith.muli %select_n3A_474, %mul3A_499 : i32
    %jit3A_501 = arith.constant 8 : i32
    %eq3A_502 = arith.constant 0 : i32
    %eq3A_503 = arith.cmpi eq, %jit3A_501, %eq3A_502 : i32
    %jit3A_504 = arith.constant 1 : i32
    %select_n3A_505 = arith.select %eq3A_503, %jit3A_504, %jit3A_501 : i32
    %rem3A_506 = arith.remsi %select_n3A_458, %select_n3A_505 : i32
    %ne3A_507 = arith.constant 0 : i32
    %ne3A_508 = arith.cmpi ne, %rem3A_506, %ne3A_507 : i32
    %lt3A_509 = arith.constant 0 : i32
    %lt3A_510 = arith.cmpi slt, %rem3A_506, %lt3A_509 : i32
    %lt3A_511 = arith.constant 0 : i32
    %lt3A_512 = arith.cmpi slt, %select_n3A_505, %lt3A_511 : i32
    %ne3A_513 = arith.xori %lt3A_510, %lt3A_512 : i1
    %and3A_514 = arith.andi %ne3A_513, %ne3A_508 : i1
    %add3A_515 = arith.addi %rem3A_506, %select_n3A_505 : i32
    %select_n3A_516 = arith.select %and3A_514, %add3A_515, %rem3A_506 : i32
    %dma_start3A_517 = arith.constant 0 : i32
    %dma_start3A_518 = arith.constant 0 : i32
    %dma_start3A_519 = arith.constant 0 : i32
    %dma_start3A_520 = arith.constant 0 : i32
    %dma_start3A_521 = tpu.memref_slice %arg6[%dma_start3A_517, %dma_start3A_519, %dma_start3A_520] : memref<3x32x128xi32, #tpu.memory_space<vmem>> -> memref<1x32x128xi32, #tpu.memory_space<vmem>>
    %dma_start3A_522 = tpu.memref_squeeze %dma_start3A_521 : memref<1x32x128xi32, #tpu.memory_space<vmem>> -> memref<32x128xi32, #tpu.memory_space<vmem>>
    %dma_start3A_523 = arith.constant 0 : i32
    %dma_start3A_524 = tpu.memref_slice %arg2[%select_n3A_498, %mul3A_500, %select_n3A_516, %dma_start3A_523] : memref<25x128x8x128xi32, #tpu.memory_space<hbm>> -> memref<1x32x1x128xi32, #tpu.memory_space<hbm>>
    %dma_start3A_525 = tpu.memref_squeeze %dma_start3A_524 : memref<1x32x1x128xi32, #tpu.memory_space<hbm>> -> memref<32x128xi32, #tpu.memory_space<hbm>>
    %dma_start3A_526 = tpu.memref_slice %arg8[%dma_start3A_518] : memref<3x!tpu.dma_semaphore, #tpu.memory_space<semaphore_mem>> -> memref<1x!tpu.dma_semaphore, #tpu.memory_space<semaphore_mem>>
    %dma_start3A_527 = tpu.memref_squeeze %dma_start3A_526 : memref<1x!tpu.dma_semaphore, #tpu.memory_space<semaphore_mem>> -> memref<!tpu.dma_semaphore, #tpu.memory_space<semaphore_mem>>
    %dma_start3A_528 = arith.constant 0 : i32
    %dma_start3A_529 = arith.constant 0 : i32
    %dma_start3A_530 = tpu.memref_slice %arg6[%dma_start3A_517, %dma_start3A_528, %dma_start3A_529] : memref<3x32x128xi32, #tpu.memory_space<vmem>> -> memref<1x32x128xi32, #tpu.memory_space<vmem>>
    %dma_start3A_531 = tpu.memref_squeeze %dma_start3A_530 : memref<1x32x128xi32, #tpu.memory_space<vmem>> -> memref<32x128xi32, #tpu.memory_space<vmem>>
    %dma_start3A_532 = arith.constant 0 : i32
    %dma_start3A_533 = tpu.memref_slice %arg2[%select_n3A_498, %mul3A_500, %select_n3A_516, %dma_start3A_532] : memref<25x128x8x128xi32, #tpu.memory_space<hbm>> -> memref<1x32x1x128xi32, #tpu.memory_space<hbm>>
    %dma_start3A_534 = tpu.memref_squeeze %dma_start3A_533 : memref<1x32x1x128xi32, #tpu.memory_space<hbm>> -> memref<32x128xi32, #tpu.memory_space<hbm>>
    tpu.enqueue_dma source(%dma_start3A_534 : memref<32x128xi32, #tpu.memory_space<hbm>>) target(%dma_start3A_531 : memref<32x128xi32, #tpu.memory_space<vmem>>) target_semaphore(%dma_start3A_527 : memref<!tpu.dma_semaphore, #tpu.memory_space<semaphore_mem>>)
    %add3A_535 = arith.constant 1 : i32
    %add3A_536 = arith.addi %mul3A_2, %add3A_535 : i32
    %jit3A_537 = arith.constant 4 : i32
    %div3A_538 = arith.divsi %add3A_536, %jit3A_537 : i32
    %sign3A_539 = arith.constant 0 : i32
    %sign3A_540 = arith.cmpi sgt, %add3A_536, %sign3A_539 : i32
    %sign3A_541 = arith.extui %sign3A_540 : i1 to i32
    %sign3A_542 = arith.constant 0 : i32
    %sign3A_543 = arith.cmpi slt, %add3A_536, %sign3A_542 : i32
    %sign3A_544 = arith.extui %sign3A_543 : i1 to i32
    %sign3A_545 = arith.subi %sign3A_541, %sign3A_544 : i32
    %sign3A_546 = arith.constant 0 : i32
    %sign3A_547 = arith.cmpi sgt, %jit3A_537, %sign3A_546 : i32
    %sign3A_548 = arith.extui %sign3A_547 : i1 to i32
    %sign3A_549 = arith.constant 0 : i32
    %sign3A_550 = arith.cmpi slt, %jit3A_537, %sign3A_549 : i32
    %sign3A_551 = arith.extui %sign3A_550 : i1 to i32
    %sign3A_552 = arith.subi %sign3A_548, %sign3A_551 : i32
    %ne3A_553 = arith.cmpi ne, %sign3A_545, %sign3A_552 : i32
    %rem3A_554 = arith.remsi %add3A_536, %jit3A_537 : i32
    %ne3A_555 = arith.constant 0 : i32
    %ne3A_556 = arith.cmpi ne, %rem3A_554, %ne3A_555 : i32
    %and3A_557 = arith.andi %ne3A_553, %ne3A_556 : i1
    %sub3A_558 = arith.constant 1 : i32
    %sub3A_559 = arith.subi %div3A_538, %sub3A_558 : i32
    %select_n3A_560 = arith.select %and3A_557, %sub3A_559, %div3A_538 : i32
    %jit3A_561 = arith.constant 4 : i32
    %eq3A_562 = arith.constant 0 : i32
    %eq3A_563 = arith.cmpi eq, %jit3A_561, %eq3A_562 : i32
    %jit3A_564 = arith.constant 1 : i32
    %select_n3A_565 = arith.select %eq3A_563, %jit3A_564, %jit3A_561 : i32
    %rem3A_566 = arith.remsi %add3A_536, %select_n3A_565 : i32
    %ne3A_567 = arith.constant 0 : i32
    %ne3A_568 = arith.cmpi ne, %rem3A_566, %ne3A_567 : i32
    %lt3A_569 = arith.constant 0 : i32
    %lt3A_570 = arith.cmpi slt, %rem3A_566, %lt3A_569 : i32
    %lt3A_571 = arith.constant 0 : i32
    %lt3A_572 = arith.cmpi slt, %select_n3A_565, %lt3A_571 : i32
    %ne3A_573 = arith.xori %lt3A_570, %lt3A_572 : i1
    %and3A_574 = arith.andi %ne3A_573, %ne3A_568 : i1
    %add3A_575 = arith.addi %rem3A_566, %select_n3A_565 : i32
    %select_n3A_576 = arith.select %and3A_574, %add3A_575, %rem3A_566 : i32
    %jit3A_577 = arith.constant 8 : i32
    %div3A_578 = arith.divsi %select_n3A_560, %jit3A_577 : i32
    %sign3A_579 = arith.constant 0 : i32
    %sign3A_580 = arith.cmpi sgt, %select_n3A_560, %sign3A_579 : i32
    %sign3A_581 = arith.extui %sign3A_580 : i1 to i32
    %sign3A_582 = arith.constant 0 : i32
    %sign3A_583 = arith.cmpi slt, %select_n3A_560, %sign3A_582 : i32
    %sign3A_584 = arith.extui %sign3A_583 : i1 to i32
    %sign3A_585 = arith.subi %sign3A_581, %sign3A_584 : i32
    %sign3A_586 = arith.constant 0 : i32
    %sign3A_587 = arith.cmpi sgt, %jit3A_577, %sign3A_586 : i32
    %sign3A_588 = arith.extui %sign3A_587 : i1 to i32
    %sign3A_589 = arith.constant 0 : i32
    %sign3A_590 = arith.cmpi slt, %jit3A_577, %sign3A_589 : i32
    %sign3A_591 = arith.extui %sign3A_590 : i1 to i32
    %sign3A_592 = arith.subi %sign3A_588, %sign3A_591 : i32
    %ne3A_593 = arith.cmpi ne, %sign3A_585, %sign3A_592 : i32
    %rem3A_594 = arith.remsi %select_n3A_560, %jit3A_577 : i32
    %ne3A_595 = arith.constant 0 : i32
    %ne3A_596 = arith.cmpi ne, %rem3A_594, %ne3A_595 : i32
    %and3A_597 = arith.andi %ne3A_593, %ne3A_596 : i1
    %sub3A_598 = arith.constant 1 : i32
    %sub3A_599 = arith.subi %div3A_578, %sub3A_598 : i32
    %select_n3A_600 = arith.select %and3A_597, %sub3A_599, %div3A_578 : i32
    %mul3A_601 = arith.constant 32 : i32
    %mul3A_602 = arith.muli %select_n3A_576, %mul3A_601 : i32
    %jit3A_603 = arith.constant 8 : i32
    %eq3A_604 = arith.constant 0 : i32
    %eq3A_605 = arith.cmpi eq, %jit3A_603, %eq3A_604 : i32
    %jit3A_606 = arith.constant 1 : i32
    %select_n3A_607 = arith.select %eq3A_605, %jit3A_606, %jit3A_603 : i32
    %rem3A_608 = arith.remsi %select_n3A_560, %select_n3A_607 : i32
    %ne3A_609 = arith.constant 0 : i32
    %ne3A_610 = arith.cmpi ne, %rem3A_608, %ne3A_609 : i32
    %lt3A_611 = arith.constant 0 : i32
    %lt3A_612 = arith.cmpi slt, %rem3A_608, %lt3A_611 : i32
    %lt3A_613 = arith.constant 0 : i32
    %lt3A_614 = arith.cmpi slt, %select_n3A_607, %lt3A_613 : i32
    %ne3A_615 = arith.xori %lt3A_612, %lt3A_614 : i1
    %and3A_616 = arith.andi %ne3A_615, %ne3A_610 : i1
    %add3A_617 = arith.addi %rem3A_608, %select_n3A_607 : i32
    %select_n3A_618 = arith.select %and3A_616, %add3A_617, %rem3A_608 : i32
    %dma_wait3A_619 = arith.constant 1 : i32
    %dma_wait3A_620 = arith.constant 1 : i32
    %dma_wait3A_621 = arith.constant 0 : i32
    %dma_wait3A_622 = arith.constant 0 : i32
    %dma_wait3A_623 = tpu.memref_slice %arg6[%dma_wait3A_619, %dma_wait3A_621, %dma_wait3A_622] : memref<3x32x128xi32, #tpu.memory_space<vmem>> -> memref<1x32x128xi32, #tpu.memory_space<vmem>>
    %dma_wait3A_624 = tpu.memref_squeeze %dma_wait3A_623 : memref<1x32x128xi32, #tpu.memory_space<vmem>> -> memref<32x128xi32, #tpu.memory_space<vmem>>
    %dma_wait3A_625 = arith.constant 0 : i32
    %dma_wait3A_626 = tpu.memref_slice %arg2[%select_n3A_600, %mul3A_602, %select_n3A_618, %dma_wait3A_625] : memref<25x128x8x128xi32, #tpu.memory_space<hbm>> -> memref<1x32x1x128xi32, #tpu.memory_space<hbm>>
    %dma_wait3A_627 = tpu.memref_squeeze %dma_wait3A_626 : memref<1x32x1x128xi32, #tpu.memory_space<hbm>> -> memref<32x128xi32, #tpu.memory_space<hbm>>
    %dma_wait3A_628 = tpu.memref_slice %arg8[%dma_wait3A_620] : memref<3x!tpu.dma_semaphore, #tpu.memory_space<semaphore_mem>> -> memref<1x!tpu.dma_semaphore, #tpu.memory_space<semaphore_mem>>
    %dma_wait3A_629 = tpu.memref_squeeze %dma_wait3A_628 : memref<1x!tpu.dma_semaphore, #tpu.memory_space<semaphore_mem>> -> memref<!tpu.dma_semaphore, #tpu.memory_space<semaphore_mem>>
    %dma_wait3A_630 = arith.constant 0 : i32
    %dma_wait3A_631 = arith.constant 0 : i32
    %dma_wait3A_632 = tpu.memref_slice %arg6[%dma_wait3A_619, %dma_wait3A_630, %dma_wait3A_631] : memref<3x32x128xi32, #tpu.memory_space<vmem>> -> memref<1x32x128xi32, #tpu.memory_space<vmem>>
    %dma_wait3A_633 = tpu.memref_squeeze %dma_wait3A_632 : memref<1x32x128xi32, #tpu.memory_space<vmem>> -> memref<32x128xi32, #tpu.memory_space<vmem>>
    %dma_wait3A_634 = arith.constant 0 : i32
    %dma_wait3A_635 = tpu.memref_slice %arg2[%select_n3A_600, %mul3A_602, %select_n3A_618, %dma_wait3A_634] : memref<25x128x8x128xi32, #tpu.memory_space<hbm>> -> memref<1x32x1x128xi32, #tpu.memory_space<hbm>>
    %dma_wait3A_636 = tpu.memref_squeeze %dma_wait3A_635 : memref<1x32x1x128xi32, #tpu.memory_space<hbm>> -> memref<32x128xi32, #tpu.memory_space<hbm>>
    tpu.wait_dma2 semaphore(%dma_wait3A_629 : memref<!tpu.dma_semaphore, #tpu.memory_space<semaphore_mem>>) src(%dma_wait3A_636 : memref<32x128xi32, #tpu.memory_space<hbm>>) dst(%dma_wait3A_633 : memref<32x128xi32, #tpu.memory_space<vmem>>)
    %parallel_loop3A_637 = arith.constant 0 : i32
    %parallel_loop3A_638 = arith.constant 256 : i32
    %parallel_loop3A_639 = arith.constant 1 : i32
    scf.for %parallel_loop3A_1033 = %parallel_loop3A_637 to %parallel_loop3A_638 step %parallel_loop3A_639  : i32 {
      %parallel_loop3A_1034 = arith.constant 8 : i32
      %parallel_loop3A_1035 = arith.divsi %parallel_loop3A_1033, %parallel_loop3A_1034 : i32
      %parallel_loop3A_1036 = arith.constant 0 : i32
      %parallel_loop3A_1037 = arith.cmpi sgt, %parallel_loop3A_1033, %parallel_loop3A_1036 : i32
      %parallel_loop3A_1038 = arith.extui %parallel_loop3A_1037 : i1 to i32
      %parallel_loop3A_1039 = arith.constant 0 : i32
      %parallel_loop3A_1040 = arith.cmpi slt, %parallel_loop3A_1033, %parallel_loop3A_1039 : i32
      %parallel_loop3A_1041 = arith.extui %parallel_loop3A_1040 : i1 to i32
      %parallel_loop3A_1042 = arith.subi %parallel_loop3A_1038, %parallel_loop3A_1041 : i32
      %parallel_loop3A_1043 = arith.constant 0 : i32
      %parallel_loop3A_1044 = arith.cmpi sgt, %parallel_loop3A_1034, %parallel_loop3A_1043 : i32
      %parallel_loop3A_1045 = arith.extui %parallel_loop3A_1044 : i1 to i32
      %parallel_loop3A_1046 = arith.constant 0 : i32
      %parallel_loop3A_1047 = arith.cmpi slt, %parallel_loop3A_1034, %parallel_loop3A_1046 : i32
      %parallel_loop3A_1048 = arith.extui %parallel_loop3A_1047 : i1 to i32
      %parallel_loop3A_1049 = arith.subi %parallel_loop3A_1045, %parallel_loop3A_1048 : i32
      %parallel_loop3A_1050 = arith.cmpi ne, %parallel_loop3A_1042, %parallel_loop3A_1049 : i32
      %parallel_loop3A_1051 = arith.remsi %parallel_loop3A_1033, %parallel_loop3A_1034 : i32
      %parallel_loop3A_1052 = arith.constant 0 : i32
      %parallel_loop3A_1053 = arith.cmpi ne, %parallel_loop3A_1051, %parallel_loop3A_1052 : i32
      %parallel_loop3A_1054 = arith.andi %parallel_loop3A_1050, %parallel_loop3A_1053 : i1
      %parallel_loop3A_1055 = arith.constant 1 : i32
      %parallel_loop3A_1056 = arith.subi %parallel_loop3A_1035, %parallel_loop3A_1055 : i32
      %parallel_loop3A_1057 = arith.select %parallel_loop3A_1054, %parallel_loop3A_1056, %parallel_loop3A_1035 : i32
      %parallel_loop3A_1058 = arith.constant 8 : i32
      %parallel_loop3A_1059 = arith.constant 0 : i32
      %parallel_loop3A_1060 = arith.cmpi eq, %parallel_loop3A_1058, %parallel_loop3A_1059 : i32
      %parallel_loop3A_1061 = arith.constant 1 : i32
      %parallel_loop3A_1062 = arith.select %parallel_loop3A_1060, %parallel_loop3A_1061, %parallel_loop3A_1058 : i32
      %parallel_loop3A_1063 = arith.remsi %parallel_loop3A_1033, %parallel_loop3A_1062 : i32
      %parallel_loop3A_1064 = arith.constant 0 : i32
      %parallel_loop3A_1065 = arith.cmpi ne, %parallel_loop3A_1063, %parallel_loop3A_1064 : i32
      %parallel_loop3A_1066 = arith.constant 0 : i32
      %parallel_loop3A_1067 = arith.cmpi slt, %parallel_loop3A_1063, %parallel_loop3A_1066 : i32
      %parallel_loop3A_1068 = arith.constant 0 : i32
      %parallel_loop3A_1069 = arith.cmpi slt, %parallel_loop3A_1062, %parallel_loop3A_1068 : i32
      %parallel_loop3A_1070 = arith.xori %parallel_loop3A_1067, %parallel_loop3A_1069 : i1
      %parallel_loop3A_1071 = arith.andi %parallel_loop3A_1070, %parallel_loop3A_1065 : i1
      %parallel_loop3A_1072 = arith.addi %parallel_loop3A_1063, %parallel_loop3A_1062 : i32
      %parallel_loop3A_1073 = arith.select %parallel_loop3A_1071, %parallel_loop3A_1072, %parallel_loop3A_1063 : i32
      %parallel_loop3A_1074 = arith.constant 16 : i32
      %parallel_loop3A_1075 = arith.muli %parallel_loop3A_1073, %parallel_loop3A_1074 : i32
      %parallel_loop3A_1076 = arith.constant 1 : i32
      %parallel_loop3A_1077 = arith.index_cast %parallel_loop3A_1076 : i32 to index
      %parallel_loop3A_1078 = arith.index_cast %parallel_loop3A_1057 : i32 to index
      %parallel_loop3A_1079 = arith.index_cast %parallel_loop3A_1075 : i32 to index
      %parallel_loop3A_1080 = tpu.vector_load %arg6[%parallel_loop3A_1077, %parallel_loop3A_1078, %parallel_loop3A_1079] {strides = array<i32>} : memref<3x32x128xi32, #tpu.memory_space<vmem>>, vector<16xi32>,
      %parallel_loop3A_1081 = arith.constant 16 : i32
      %parallel_loop3A_1082 = vector.broadcast %parallel_loop3A_1081 : i32 to vector<16xi32>
      %parallel_loop3A_1083 = arith.muli %parallel_loop3A_1080, %parallel_loop3A_1082 : vector<16xi32>
      %parallel_loop3A_1084 = arith.constant 8 : i32
      %parallel_loop3A_1085 = arith.divsi %parallel_loop3A_1033, %parallel_loop3A_1084 : i32
      %parallel_loop3A_1086 = arith.constant 0 : i32
      %parallel_loop3A_1087 = arith.cmpi sgt, %parallel_loop3A_1033, %parallel_loop3A_1086 : i32
      %parallel_loop3A_1088 = arith.extui %parallel_loop3A_1087 : i1 to i32
      %parallel_loop3A_1089 = arith.constant 0 : i32
      %parallel_loop3A_1090 = arith.cmpi slt, %parallel_loop3A_1033, %parallel_loop3A_1089 : i32
      %parallel_loop3A_1091 = arith.extui %parallel_loop3A_1090 : i1 to i32
      %parallel_loop3A_1092 = arith.subi %parallel_loop3A_1088, %parallel_loop3A_1091 : i32
      %parallel_loop3A_1093 = arith.constant 0 : i32
      %parallel_loop3A_1094 = arith.cmpi sgt, %parallel_loop3A_1084, %parallel_loop3A_1093 : i32
      %parallel_loop3A_1095 = arith.extui %parallel_loop3A_1094 : i1 to i32
      %parallel_loop3A_1096 = arith.constant 0 : i32
      %parallel_loop3A_1097 = arith.cmpi slt, %parallel_loop3A_1084, %parallel_loop3A_1096 : i32
      %parallel_loop3A_1098 = arith.extui %parallel_loop3A_1097 : i1 to i32
      %parallel_loop3A_1099 = arith.subi %parallel_loop3A_1095, %parallel_loop3A_1098 : i32
      %parallel_loop3A_1100 = arith.cmpi ne, %parallel_loop3A_1092, %parallel_loop3A_1099 : i32
      %parallel_loop3A_1101 = arith.remsi %parallel_loop3A_1033, %parallel_loop3A_1084 : i32
      %parallel_loop3A_1102 = arith.constant 0 : i32
      %parallel_loop3A_1103 = arith.cmpi ne, %parallel_loop3A_1101, %parallel_loop3A_1102 : i32
      %parallel_loop3A_1104 = arith.andi %parallel_loop3A_1100, %parallel_loop3A_1103 : i1
      %parallel_loop3A_1105 = arith.constant 1 : i32
      %parallel_loop3A_1106 = arith.subi %parallel_loop3A_1085, %parallel_loop3A_1105 : i32
      %parallel_loop3A_1107 = arith.select %parallel_loop3A_1104, %parallel_loop3A_1106, %parallel_loop3A_1085 : i32
      %parallel_loop3A_1108 = arith.constant 512 : i32
      %parallel_loop3A_1109 = arith.muli %parallel_loop3A_1107, %parallel_loop3A_1108 : i32
      %parallel_loop3A_1110 = arith.constant 8 : i32
      %parallel_loop3A_1111 = arith.constant 0 : i32
      %parallel_loop3A_1112 = arith.cmpi eq, %parallel_loop3A_1110, %parallel_loop3A_1111 : i32
      %parallel_loop3A_1113 = arith.constant 1 : i32
      %parallel_loop3A_1114 = arith.select %parallel_loop3A_1112, %parallel_loop3A_1113, %parallel_loop3A_1110 : i32
      %parallel_loop3A_1115 = arith.remsi %parallel_loop3A_1033, %parallel_loop3A_1114 : i32
      %parallel_loop3A_1116 = arith.constant 0 : i32
      %parallel_loop3A_1117 = arith.cmpi ne, %parallel_loop3A_1115, %parallel_loop3A_1116 : i32
      %parallel_loop3A_1118 = arith.constant 0 : i32
      %parallel_loop3A_1119 = arith.cmpi slt, %parallel_loop3A_1115, %parallel_loop3A_1118 : i32
      %parallel_loop3A_1120 = arith.constant 0 : i32
      %parallel_loop3A_1121 = arith.cmpi slt, %parallel_loop3A_1114, %parallel_loop3A_1120 : i32
      %parallel_loop3A_1122 = arith.xori %parallel_loop3A_1119, %parallel_loop3A_1121 : i1
      %parallel_loop3A_1123 = arith.andi %parallel_loop3A_1122, %parallel_loop3A_1117 : i1
      %parallel_loop3A_1124 = arith.addi %parallel_loop3A_1115, %parallel_loop3A_1114 : i32
      %parallel_loop3A_1125 = arith.select %parallel_loop3A_1123, %parallel_loop3A_1124, %parallel_loop3A_1115 : i32
      %parallel_loop3A_1126 = arith.constant 16 : i32
      %parallel_loop3A_1127 = arith.muli %parallel_loop3A_1125, %parallel_loop3A_1126 : i32
      %parallel_loop3A_1128 = arith.addi %parallel_loop3A_1109, %parallel_loop3A_1127 : i32
      %parallel_loop3A_1129 = arith.addi %parallel_loop3A_1083, %add3A_5 : vector<16xi32>
      %parallel_loop3A_1130 = tpu.vector_load_idx %arg5[%parallel_loop3A_1129] : memref<2048xf32, #tpu.memory_space<vmem>>[vector<16xi32>], vector<16xf32>,
      %parallel_loop3A_1131 = arith.constant 16384 : i32
      %parallel_loop3A_1132 = arith.addi %parallel_loop3A_1131, %parallel_loop3A_1128 : i32
      %parallel_loop3A_1133 = arith.constant 0 : i32
      %parallel_loop3A_1134 = arith.addi %parallel_loop3A_1132, %parallel_loop3A_1133 : i32
      %parallel_loop3A_1135 = arith.index_cast %parallel_loop3A_1134 : i32 to index
      %parallel_loop3A_1136 = tpu.vector_load %arg7[%parallel_loop3A_1135] {strides = array<i32>} : memref<49152xf32, #tpu.memory_space<vmem>>, vector<16xf32>,
      tpu.vector_store %arg7[%parallel_loop3A_1135], %parallel_loop3A_1130 {strides = array<i32>} : memref<49152xf32, #tpu.memory_space<vmem>>, vector<16xf32>,
      %parallel_loop3A_1137 = arith.addi %parallel_loop3A_1083, %add3A_9 : vector<16xi32>
      %parallel_loop3A_1138 = tpu.vector_load_idx %arg5[%parallel_loop3A_1137] : memref<2048xf32, #tpu.memory_space<vmem>>[vector<16xi32>], vector<16xf32>,
      %parallel_loop3A_1139 = arith.constant 16384 : i32
      %parallel_loop3A_1140 = arith.addi %parallel_loop3A_1139, %parallel_loop3A_1128 : i32
      %parallel_loop3A_1141 = arith.constant 128 : i32
      %parallel_loop3A_1142 = arith.addi %parallel_loop3A_1140, %parallel_loop3A_1141 : i32
      %parallel_loop3A_1143 = arith.index_cast %parallel_loop3A_1142 : i32 to index
      %parallel_loop3A_1144 = tpu.vector_load %arg7[%parallel_loop3A_1143] {strides = array<i32>} : memref<49152xf32, #tpu.memory_space<vmem>>, vector<16xf32>,
      tpu.vector_store %arg7[%parallel_loop3A_1143], %parallel_loop3A_1138 {strides = array<i32>} : memref<49152xf32, #tpu.memory_space<vmem>>, vector<16xf32>,
      %parallel_loop3A_1145 = arith.addi %parallel_loop3A_1083, %add3A_13 : vector<16xi32>
      %parallel_loop3A_1146 = tpu.vector_load_idx %arg5[%parallel_loop3A_1145] : memref<2048xf32, #tpu.memory_space<vmem>>[vector<16xi32>], vector<16xf32>,
      %parallel_loop3A_1147 = arith.constant 16384 : i32
      %parallel_loop3A_1148 = arith.addi %parallel_loop3A_1147, %parallel_loop3A_1128 : i32
      %parallel_loop3A_1149 = arith.constant 256 : i32
      %parallel_loop3A_1150 = arith.addi %parallel_loop3A_1148, %parallel_loop3A_1149 : i32
      %parallel_loop3A_1151 = arith.index_cast %parallel_loop3A_1150 : i32 to index
      %parallel_loop3A_1152 = tpu.vector_load %arg7[%parallel_loop3A_1151] {strides = array<i32>} : memref<49152xf32, #tpu.memory_space<vmem>>, vector<16xf32>,
      tpu.vector_store %arg7[%parallel_loop3A_1151], %parallel_loop3A_1146 {strides = array<i32>} : memref<49152xf32, #tpu.memory_space<vmem>>, vector<16xf32>,
      %parallel_loop3A_1153 = arith.addi %parallel_loop3A_1083, %add3A_17 : vector<16xi32>
      %parallel_loop3A_1154 = tpu.vector_load_idx %arg5[%parallel_loop3A_1153] : memref<2048xf32, #tpu.memory_space<vmem>>[vector<16xi32>], vector<16xf32>,
      %parallel_loop3A_1155 = arith.constant 16384 : i32
      %parallel_loop3A_1156 = arith.addi %parallel_loop3A_1155, %parallel_loop3A_1128 : i32
      %parallel_loop3A_1157 = arith.constant 384 : i32
      %parallel_loop3A_1158 = arith.addi %parallel_loop3A_1156, %parallel_loop3A_1157 : i32
      %parallel_loop3A_1159 = arith.index_cast %parallel_loop3A_1158 : i32 to index
      %parallel_loop3A_1160 = tpu.vector_load %arg7[%parallel_loop3A_1159] {strides = array<i32>} : memref<49152xf32, #tpu.memory_space<vmem>>, vector<16xf32>,
      tpu.vector_store %arg7[%parallel_loop3A_1159], %parallel_loop3A_1154 {strides = array<i32>} : memref<49152xf32, #tpu.memory_space<vmem>>, vector<16xf32>,
    } {sc.loop_unroll_factor = 8 : i64, sc.parallel_access}
    %add3A_640 = arith.constant 1 : i32
    %add3A_641 = arith.addi %mul3A_2, %add3A_640 : i32
    %mul3A_642 = arith.constant 4096 : i32
    %mul3A_643 = arith.muli %add3A_641, %mul3A_642 : i32
    %mul3A_644 = arith.constant 4 : i32
    %mul3A_645 = arith.muli %mul3A_643, %mul3A_644 : i32
    %dma_start3A_646 = arith.constant 1 : i32
    %dma_start3A_647 = arith.constant 16384 : i32
    %dma_start3A_648 = tpu.memref_slice %arg7[%dma_start3A_647] : memref<49152xf32, #tpu.memory_space<vmem>> -> memref<16384xf32, #tpu.memory_space<vmem>>
    %dma_start3A_649 = tpu.memref_slice %arg4[%mul3A_645] : memref<13107200xf32, #tpu.memory_space<hbm>> -> memref<16384xf32, #tpu.memory_space<hbm>>
    %dma_start3A_650 = tpu.memref_slice %arg9[%dma_start3A_646] : memref<3x!tpu.dma_semaphore, #tpu.memory_space<semaphore_mem>> -> memref<1x!tpu.dma_semaphore, #tpu.memory_space<semaphore_mem>>
    %dma_start3A_651 = tpu.memref_squeeze %dma_start3A_650 : memref<1x!tpu.dma_semaphore, #tpu.memory_space<semaphore_mem>> -> memref<!tpu.dma_semaphore, #tpu.memory_space<semaphore_mem>>
    %dma_start3A_652 = tpu.memref_slice %arg4[%mul3A_645] : memref<13107200xf32, #tpu.memory_space<hbm>> -> memref<16384xf32, #tpu.memory_space<hbm>>
    %dma_start3A_653 = arith.constant 16384 : i32
    %dma_start3A_654 = tpu.memref_slice %arg7[%dma_start3A_653] : memref<49152xf32, #tpu.memory_space<vmem>> -> memref<16384xf32, #tpu.memory_space<vmem>>
    tpu.enqueue_dma source(%dma_start3A_654 : memref<16384xf32, #tpu.memory_space<vmem>>) target(%dma_start3A_652 : memref<16384xf32, #tpu.memory_space<hbm>>) target_semaphore(%dma_start3A_651 : memref<!tpu.dma_semaphore, #tpu.memory_space<semaphore_mem>>)
    %add3A_655 = arith.constant 1 : i32
    %add3A_656 = arith.addi %mul3A_2, %add3A_655 : i32
    %add3A_657 = arith.constant 3 : i32
    %add3A_658 = arith.addi %add3A_656, %add3A_657 : i32
    %jit3A_659 = arith.constant 4 : i32
    %div3A_660 = arith.divsi %add3A_658, %jit3A_659 : i32
    %sign3A_661 = arith.constant 0 : i32
    %sign3A_662 = arith.cmpi sgt, %add3A_658, %sign3A_661 : i32
    %sign3A_663 = arith.extui %sign3A_662 : i1 to i32
    %sign3A_664 = arith.constant 0 : i32
    %sign3A_665 = arith.cmpi slt, %add3A_658, %sign3A_664 : i32
    %sign3A_666 = arith.extui %sign3A_665 : i1 to i32
    %sign3A_667 = arith.subi %sign3A_663, %sign3A_666 : i32
    %sign3A_668 = arith.constant 0 : i32
    %sign3A_669 = arith.cmpi sgt, %jit3A_659, %sign3A_668 : i32
    %sign3A_670 = arith.extui %sign3A_669 : i1 to i32
    %sign3A_671 = arith.constant 0 : i32
    %sign3A_672 = arith.cmpi slt, %jit3A_659, %sign3A_671 : i32
    %sign3A_673 = arith.extui %sign3A_672 : i1 to i32
    %sign3A_674 = arith.subi %sign3A_670, %sign3A_673 : i32
    %ne3A_675 = arith.cmpi ne, %sign3A_667, %sign3A_674 : i32
    %rem3A_676 = arith.remsi %add3A_658, %jit3A_659 : i32
    %ne3A_677 = arith.constant 0 : i32
    %ne3A_678 = arith.cmpi ne, %rem3A_676, %ne3A_677 : i32
    %and3A_679 = arith.andi %ne3A_675, %ne3A_678 : i1
    %sub3A_680 = arith.constant 1 : i32
    %sub3A_681 = arith.subi %div3A_660, %sub3A_680 : i32
    %select_n3A_682 = arith.select %and3A_679, %sub3A_681, %div3A_660 : i32
    %jit3A_683 = arith.constant 4 : i32
    %eq3A_684 = arith.constant 0 : i32
    %eq3A_685 = arith.cmpi eq, %jit3A_683, %eq3A_684 : i32
    %jit3A_686 = arith.constant 1 : i32
    %select_n3A_687 = arith.select %eq3A_685, %jit3A_686, %jit3A_683 : i32
    %rem3A_688 = arith.remsi %add3A_658, %select_n3A_687 : i32
    %ne3A_689 = arith.constant 0 : i32
    %ne3A_690 = arith.cmpi ne, %rem3A_688, %ne3A_689 : i32
    %lt3A_691 = arith.constant 0 : i32
    %lt3A_692 = arith.cmpi slt, %rem3A_688, %lt3A_691 : i32
    %lt3A_693 = arith.constant 0 : i32
    %lt3A_694 = arith.cmpi slt, %select_n3A_687, %lt3A_693 : i32
    %ne3A_695 = arith.xori %lt3A_692, %lt3A_694 : i1
    %and3A_696 = arith.andi %ne3A_695, %ne3A_690 : i1
    %add3A_697 = arith.addi %rem3A_688, %select_n3A_687 : i32
    %select_n3A_698 = arith.select %and3A_696, %add3A_697, %rem3A_688 : i32
    %jit3A_699 = arith.constant 8 : i32
    %div3A_700 = arith.divsi %select_n3A_682, %jit3A_699 : i32
    %sign3A_701 = arith.constant 0 : i32
    %sign3A_702 = arith.cmpi sgt, %select_n3A_682, %sign3A_701 : i32
    %sign3A_703 = arith.extui %sign3A_702 : i1 to i32
    %sign3A_704 = arith.constant 0 : i32
    %sign3A_705 = arith.cmpi slt, %select_n3A_682, %sign3A_704 : i32
    %sign3A_706 = arith.extui %sign3A_705 : i1 to i32
    %sign3A_707 = arith.subi %sign3A_703, %sign3A_706 : i32
    %sign3A_708 = arith.constant 0 : i32
    %sign3A_709 = arith.cmpi sgt, %jit3A_699, %sign3A_708 : i32
    %sign3A_710 = arith.extui %sign3A_709 : i1 to i32
    %sign3A_711 = arith.constant 0 : i32
    %sign3A_712 = arith.cmpi slt, %jit3A_699, %sign3A_711 : i32
    %sign3A_713 = arith.extui %sign3A_712 : i1 to i32
    %sign3A_714 = arith.subi %sign3A_710, %sign3A_713 : i32
    %ne3A_715 = arith.cmpi ne, %sign3A_707, %sign3A_714 : i32
    %rem3A_716 = arith.remsi %select_n3A_682, %jit3A_699 : i32
    %ne3A_717 = arith.constant 0 : i32
    %ne3A_718 = arith.cmpi ne, %rem3A_716, %ne3A_717 : i32
    %and3A_719 = arith.andi %ne3A_715, %ne3A_718 : i1
    %sub3A_720 = arith.constant 1 : i32
    %sub3A_721 = arith.subi %div3A_700, %sub3A_720 : i32
    %select_n3A_722 = arith.select %and3A_719, %sub3A_721, %div3A_700 : i32
    %mul3A_723 = arith.constant 32 : i32
    %mul3A_724 = arith.muli %select_n3A_698, %mul3A_723 : i32
    %jit3A_725 = arith.constant 8 : i32
    %eq3A_726 = arith.constant 0 : i32
    %eq3A_727 = arith.cmpi eq, %jit3A_725, %eq3A_726 : i32
    %jit3A_728 = arith.constant 1 : i32
    %select_n3A_729 = arith.select %eq3A_727, %jit3A_728, %jit3A_725 : i32
    %rem3A_730 = arith.remsi %select_n3A_682, %select_n3A_729 : i32
    %ne3A_731 = arith.constant 0 : i32
    %ne3A_732 = arith.cmpi ne, %rem3A_730, %ne3A_731 : i32
    %lt3A_733 = arith.constant 0 : i32
    %lt3A_734 = arith.cmpi slt, %rem3A_730, %lt3A_733 : i32
    %lt3A_735 = arith.constant 0 : i32
    %lt3A_736 = arith.cmpi slt, %select_n3A_729, %lt3A_735 : i32
    %ne3A_737 = arith.xori %lt3A_734, %lt3A_736 : i1
    %and3A_738 = arith.andi %ne3A_737, %ne3A_732 : i1
    %add3A_739 = arith.addi %rem3A_730, %select_n3A_729 : i32
    %select_n3A_740 = arith.select %and3A_738, %add3A_739, %rem3A_730 : i32
    %dma_start3A_741 = arith.constant 1 : i32
    %dma_start3A_742 = arith.constant 1 : i32
    %dma_start3A_743 = arith.constant 0 : i32
    %dma_start3A_744 = arith.constant 0 : i32
    %dma_start3A_745 = tpu.memref_slice %arg6[%dma_start3A_741, %dma_start3A_743, %dma_start3A_744] : memref<3x32x128xi32, #tpu.memory_space<vmem>> -> memref<1x32x128xi32, #tpu.memory_space<vmem>>
    %dma_start3A_746 = tpu.memref_squeeze %dma_start3A_745 : memref<1x32x128xi32, #tpu.memory_space<vmem>> -> memref<32x128xi32, #tpu.memory_space<vmem>>
    %dma_start3A_747 = arith.constant 0 : i32
    %dma_start3A_748 = tpu.memref_slice %arg2[%select_n3A_722, %mul3A_724, %select_n3A_740, %dma_start3A_747] : memref<25x128x8x128xi32, #tpu.memory_space<hbm>> -> memref<1x32x1x128xi32, #tpu.memory_space<hbm>>
    %dma_start3A_749 = tpu.memref_squeeze %dma_start3A_748 : memref<1x32x1x128xi32, #tpu.memory_space<hbm>> -> memref<32x128xi32, #tpu.memory_space<hbm>>
    %dma_start3A_750 = tpu.memref_slice %arg8[%dma_start3A_742] : memref<3x!tpu.dma_semaphore, #tpu.memory_space<semaphore_mem>> -> memref<1x!tpu.dma_semaphore, #tpu.memory_space<semaphore_mem>>
    %dma_start3A_751 = tpu.memref_squeeze %dma_start3A_750 : memref<1x!tpu.dma_semaphore, #tpu.memory_space<semaphore_mem>> -> memref<!tpu.dma_semaphore, #tpu.memory_space<semaphore_mem>>
    %dma_start3A_752 = arith.constant 0 : i32
    %dma_start3A_753 = arith.constant 0 : i32
    %dma_start3A_754 = tpu.memref_slice %arg6[%dma_start3A_741, %dma_start3A_752, %dma_start3A_753] : memref<3x32x128xi32, #tpu.memory_space<vmem>> -> memref<1x32x128xi32, #tpu.memory_space<vmem>>
    %dma_start3A_755 = tpu.memref_squeeze %dma_start3A_754 : memref<1x32x128xi32, #tpu.memory_space<vmem>> -> memref<32x128xi32, #tpu.memory_space<vmem>>
    %dma_start3A_756 = arith.constant 0 : i32
    %dma_start3A_757 = tpu.memref_slice %arg2[%select_n3A_722, %mul3A_724, %select_n3A_740, %dma_start3A_756] : memref<25x128x8x128xi32, #tpu.memory_space<hbm>> -> memref<1x32x1x128xi32, #tpu.memory_space<hbm>>
    %dma_start3A_758 = tpu.memref_squeeze %dma_start3A_757 : memref<1x32x1x128xi32, #tpu.memory_space<hbm>> -> memref<32x128xi32, #tpu.memory_space<hbm>>
    tpu.enqueue_dma source(%dma_start3A_758 : memref<32x128xi32, #tpu.memory_space<hbm>>) target(%dma_start3A_755 : memref<32x128xi32, #tpu.memory_space<vmem>>) target_semaphore(%dma_start3A_751 : memref<!tpu.dma_semaphore, #tpu.memory_space<semaphore_mem>>)
    %add3A_759 = arith.constant 2 : i32
    %add3A_760 = arith.addi %mul3A_2, %add3A_759 : i32
    %jit3A_761 = arith.constant 4 : i32
    %div3A_762 = arith.divsi %add3A_760, %jit3A_761 : i32
    %sign3A_763 = arith.constant 0 : i32
    %sign3A_764 = arith.cmpi sgt, %add3A_760, %sign3A_763 : i32
    %sign3A_765 = arith.extui %sign3A_764 : i1 to i32
    %sign3A_766 = arith.constant 0 : i32
    %sign3A_767 = arith.cmpi slt, %add3A_760, %sign3A_766 : i32
    %sign3A_768 = arith.extui %sign3A_767 : i1 to i32
    %sign3A_769 = arith.subi %sign3A_765, %sign3A_768 : i32
    %sign3A_770 = arith.constant 0 : i32
    %sign3A_771 = arith.cmpi sgt, %jit3A_761, %sign3A_770 : i32
    %sign3A_772 = arith.extui %sign3A_771 : i1 to i32
    %sign3A_773 = arith.constant 0 : i32
    %sign3A_774 = arith.cmpi slt, %jit3A_761, %sign3A_773 : i32
    %sign3A_775 = arith.extui %sign3A_774 : i1 to i32
    %sign3A_776 = arith.subi %sign3A_772, %sign3A_775 : i32
    %ne3A_777 = arith.cmpi ne, %sign3A_769, %sign3A_776 : i32
    %rem3A_778 = arith.remsi %add3A_760, %jit3A_761 : i32
    %ne3A_779 = arith.constant 0 : i32
    %ne3A_780 = arith.cmpi ne, %rem3A_778, %ne3A_779 : i32
    %and3A_781 = arith.andi %ne3A_777, %ne3A_780 : i1
    %sub3A_782 = arith.constant 1 : i32
    %sub3A_783 = arith.subi %div3A_762, %sub3A_782 : i32
    %select_n3A_784 = arith.select %and3A_781, %sub3A_783, %div3A_762 : i32
    %jit3A_785 = arith.constant 4 : i32
    %eq3A_786 = arith.constant 0 : i32
    %eq3A_787 = arith.cmpi eq, %jit3A_785, %eq3A_786 : i32
    %jit3A_788 = arith.constant 1 : i32
    %select_n3A_789 = arith.select %eq3A_787, %jit3A_788, %jit3A_785 : i32
    %rem3A_790 = arith.remsi %add3A_760, %select_n3A_789 : i32
    %ne3A_791 = arith.constant 0 : i32
    %ne3A_792 = arith.cmpi ne, %rem3A_790, %ne3A_791 : i32
    %lt3A_793 = arith.constant 0 : i32
    %lt3A_794 = arith.cmpi slt, %rem3A_790, %lt3A_793 : i32
    %lt3A_795 = arith.constant 0 : i32
    %lt3A_796 = arith.cmpi slt, %select_n3A_789, %lt3A_795 : i32
    %ne3A_797 = arith.xori %lt3A_794, %lt3A_796 : i1
    %and3A_798 = arith.andi %ne3A_797, %ne3A_792 : i1
    %add3A_799 = arith.addi %rem3A_790, %select_n3A_789 : i32
    %select_n3A_800 = arith.select %and3A_798, %add3A_799, %rem3A_790 : i32
    %jit3A_801 = arith.constant 8 : i32
    %div3A_802 = arith.divsi %select_n3A_784, %jit3A_801 : i32
    %sign3A_803 = arith.constant 0 : i32
    %sign3A_804 = arith.cmpi sgt, %select_n3A_784, %sign3A_803 : i32
    %sign3A_805 = arith.extui %sign3A_804 : i1 to i32
    %sign3A_806 = arith.constant 0 : i32
    %sign3A_807 = arith.cmpi slt, %select_n3A_784, %sign3A_806 : i32
    %sign3A_808 = arith.extui %sign3A_807 : i1 to i32
    %sign3A_809 = arith.subi %sign3A_805, %sign3A_808 : i32
    %sign3A_810 = arith.constant 0 : i32
    %sign3A_811 = arith.cmpi sgt, %jit3A_801, %sign3A_810 : i32
    %sign3A_812 = arith.extui %sign3A_811 : i1 to i32
    %sign3A_813 = arith.constant 0 : i32
    %sign3A_814 = arith.cmpi slt, %jit3A_801, %sign3A_813 : i32
    %sign3A_815 = arith.extui %sign3A_814 : i1 to i32
    %sign3A_816 = arith.subi %sign3A_812, %sign3A_815 : i32
    %ne3A_817 = arith.cmpi ne, %sign3A_809, %sign3A_816 : i32
    %rem3A_818 = arith.remsi %select_n3A_784, %jit3A_801 : i32
    %ne3A_819 = arith.constant 0 : i32
    %ne3A_820 = arith.cmpi ne, %rem3A_818, %ne3A_819 : i32
    %and3A_821 = arith.andi %ne3A_817, %ne3A_820 : i1
    %sub3A_822 = arith.constant 1 : i32
    %sub3A_823 = arith.subi %div3A_802, %sub3A_822 : i32
    %select_n3A_824 = arith.select %and3A_821, %sub3A_823, %div3A_802 : i32
    %mul3A_825 = arith.constant 32 : i32
    %mul3A_826 = arith.muli %select_n3A_800, %mul3A_825 : i32
    %jit3A_827 = arith.constant 8 : i32
    %eq3A_828 = arith.constant 0 : i32
    %eq3A_829 = arith.cmpi eq, %jit3A_827, %eq3A_828 : i32
    %jit3A_830 = arith.constant 1 : i32
    %select_n3A_831 = arith.select %eq3A_829, %jit3A_830, %jit3A_827 : i32
    %rem3A_832 = arith.remsi %select_n3A_784, %select_n3A_831 : i32
    %ne3A_833 = arith.constant 0 : i32
    %ne3A_834 = arith.cmpi ne, %rem3A_832, %ne3A_833 : i32
    %lt3A_835 = arith.constant 0 : i32
    %lt3A_836 = arith.cmpi slt, %rem3A_832, %lt3A_835 : i32
    %lt3A_837 = arith.constant 0 : i32
    %lt3A_838 = arith.cmpi slt, %select_n3A_831, %lt3A_837 : i32
    %ne3A_839 = arith.xori %lt3A_836, %lt3A_838 : i1
    %and3A_840 = arith.andi %ne3A_839, %ne3A_834 : i1
    %add3A_841 = arith.addi %rem3A_832, %select_n3A_831 : i32
    %select_n3A_842 = arith.select %and3A_840, %add3A_841, %rem3A_832 : i32
    %dma_wait3A_843 = arith.constant 2 : i32
    %dma_wait3A_844 = arith.constant 2 : i32
    %dma_wait3A_845 = arith.constant 0 : i32
    %dma_wait3A_846 = arith.constant 0 : i32
    %dma_wait3A_847 = tpu.memref_slice %arg6[%dma_wait3A_843, %dma_wait3A_845, %dma_wait3A_846] : memref<3x32x128xi32, #tpu.memory_space<vmem>> -> memref<1x32x128xi32, #tpu.memory_space<vmem>>
    %dma_wait3A_848 = tpu.memref_squeeze %dma_wait3A_847 : memref<1x32x128xi32, #tpu.memory_space<vmem>> -> memref<32x128xi32, #tpu.memory_space<vmem>>
    %dma_wait3A_849 = arith.constant 0 : i32
    %dma_wait3A_850 = tpu.memref_slice %arg2[%select_n3A_824, %mul3A_826, %select_n3A_842, %dma_wait3A_849] : memref<25x128x8x128xi32, #tpu.memory_space<hbm>> -> memref<1x32x1x128xi32, #tpu.memory_space<hbm>>
    %dma_wait3A_851 = tpu.memref_squeeze %dma_wait3A_850 : memref<1x32x1x128xi32, #tpu.memory_space<hbm>> -> memref<32x128xi32, #tpu.memory_space<hbm>>
    %dma_wait3A_852 = tpu.memref_slice %arg8[%dma_wait3A_844] : memref<3x!tpu.dma_semaphore, #tpu.memory_space<semaphore_mem>> -> memref<1x!tpu.dma_semaphore, #tpu.memory_space<semaphore_mem>>
    %dma_wait3A_853 = tpu.memref_squeeze %dma_wait3A_852 : memref<1x!tpu.dma_semaphore, #tpu.memory_space<semaphore_mem>> -> memref<!tpu.dma_semaphore, #tpu.memory_space<semaphore_mem>>
    %dma_wait3A_854 = arith.constant 0 : i32
    %dma_wait3A_855 = arith.constant 0 : i32
    %dma_wait3A_856 = tpu.memref_slice %arg6[%dma_wait3A_843, %dma_wait3A_854, %dma_wait3A_855] : memref<3x32x128xi32, #tpu.memory_space<vmem>> -> memref<1x32x128xi32, #tpu.memory_space<vmem>>
    %dma_wait3A_857 = tpu.memref_squeeze %dma_wait3A_856 : memref<1x32x128xi32, #tpu.memory_space<vmem>> -> memref<32x128xi32, #tpu.memory_space<vmem>>
    %dma_wait3A_858 = arith.constant 0 : i32
    %dma_wait3A_859 = tpu.memref_slice %arg2[%select_n3A_824, %mul3A_826, %select_n3A_842, %dma_wait3A_858] : memref<25x128x8x128xi32, #tpu.memory_space<hbm>> -> memref<1x32x1x128xi32, #tpu.memory_space<hbm>>
    %dma_wait3A_860 = tpu.memref_squeeze %dma_wait3A_859 : memref<1x32x1x128xi32, #tpu.memory_space<hbm>> -> memref<32x128xi32, #tpu.memory_space<hbm>>
    tpu.wait_dma2 semaphore(%dma_wait3A_853 : memref<!tpu.dma_semaphore, #tpu.memory_space<semaphore_mem>>) src(%dma_wait3A_860 : memref<32x128xi32, #tpu.memory_space<hbm>>) dst(%dma_wait3A_857 : memref<32x128xi32, #tpu.memory_space<vmem>>)
    %parallel_loop3A_861 = arith.constant 0 : i32
    %parallel_loop3A_862 = arith.constant 256 : i32
    %parallel_loop3A_863 = arith.constant 1 : i32
    scf.for %parallel_loop3A_1033 = %parallel_loop3A_861 to %parallel_loop3A_862 step %parallel_loop3A_863  : i32 {
      %parallel_loop3A_1034 = arith.constant 8 : i32
      %parallel_loop3A_1035 = arith.divsi %parallel_loop3A_1033, %parallel_loop3A_1034 : i32
      %parallel_loop3A_1036 = arith.constant 0 : i32
      %parallel_loop3A_1037 = arith.cmpi sgt, %parallel_loop3A_1033, %parallel_loop3A_1036 : i32
      %parallel_loop3A_1038 = arith.extui %parallel_loop3A_1037 : i1 to i32
      %parallel_loop3A_1039 = arith.constant 0 : i32
      %parallel_loop3A_1040 = arith.cmpi slt, %parallel_loop3A_1033, %parallel_loop3A_1039 : i32
      %parallel_loop3A_1041 = arith.extui %parallel_loop3A_1040 : i1 to i32
      %parallel_loop3A_1042 = arith.subi %parallel_loop3A_1038, %parallel_loop3A_1041 : i32
      %parallel_loop3A_1043 = arith.constant 0 : i32
      %parallel_loop3A_1044 = arith.cmpi sgt, %parallel_loop3A_1034, %parallel_loop3A_1043 : i32
      %parallel_loop3A_1045 = arith.extui %parallel_loop3A_1044 : i1 to i32
      %parallel_loop3A_1046 = arith.constant 0 : i32
      %parallel_loop3A_1047 = arith.cmpi slt, %parallel_loop3A_1034, %parallel_loop3A_1046 : i32
      %parallel_loop3A_1048 = arith.extui %parallel_loop3A_1047 : i1 to i32
      %parallel_loop3A_1049 = arith.subi %parallel_loop3A_1045, %parallel_loop3A_1048 : i32
      %parallel_loop3A_1050 = arith.cmpi ne, %parallel_loop3A_1042, %parallel_loop3A_1049 : i32
      %parallel_loop3A_1051 = arith.remsi %parallel_loop3A_1033, %parallel_loop3A_1034 : i32
      %parallel_loop3A_1052 = arith.constant 0 : i32
      %parallel_loop3A_1053 = arith.cmpi ne, %parallel_loop3A_1051, %parallel_loop3A_1052 : i32
      %parallel_loop3A_1054 = arith.andi %parallel_loop3A_1050, %parallel_loop3A_1053 : i1
      %parallel_loop3A_1055 = arith.constant 1 : i32
      %parallel_loop3A_1056 = arith.subi %parallel_loop3A_1035, %parallel_loop3A_1055 : i32
      %parallel_loop3A_1057 = arith.select %parallel_loop3A_1054, %parallel_loop3A_1056, %parallel_loop3A_1035 : i32
      %parallel_loop3A_1058 = arith.constant 8 : i32
      %parallel_loop3A_1059 = arith.constant 0 : i32
      %parallel_loop3A_1060 = arith.cmpi eq, %parallel_loop3A_1058, %parallel_loop3A_1059 : i32
      %parallel_loop3A_1061 = arith.constant 1 : i32
      %parallel_loop3A_1062 = arith.select %parallel_loop3A_1060, %parallel_loop3A_1061, %parallel_loop3A_1058 : i32
      %parallel_loop3A_1063 = arith.remsi %parallel_loop3A_1033, %parallel_loop3A_1062 : i32
      %parallel_loop3A_1064 = arith.constant 0 : i32
      %parallel_loop3A_1065 = arith.cmpi ne, %parallel_loop3A_1063, %parallel_loop3A_1064 : i32
      %parallel_loop3A_1066 = arith.constant 0 : i32
      %parallel_loop3A_1067 = arith.cmpi slt, %parallel_loop3A_1063, %parallel_loop3A_1066 : i32
      %parallel_loop3A_1068 = arith.constant 0 : i32
      %parallel_loop3A_1069 = arith.cmpi slt, %parallel_loop3A_1062, %parallel_loop3A_1068 : i32
      %parallel_loop3A_1070 = arith.xori %parallel_loop3A_1067, %parallel_loop3A_1069 : i1
      %parallel_loop3A_1071 = arith.andi %parallel_loop3A_1070, %parallel_loop3A_1065 : i1
      %parallel_loop3A_1072 = arith.addi %parallel_loop3A_1063, %parallel_loop3A_1062 : i32
      %parallel_loop3A_1073 = arith.select %parallel_loop3A_1071, %parallel_loop3A_1072, %parallel_loop3A_1063 : i32
      %parallel_loop3A_1074 = arith.constant 16 : i32
      %parallel_loop3A_1075 = arith.muli %parallel_loop3A_1073, %parallel_loop3A_1074 : i32
      %parallel_loop3A_1076 = arith.constant 2 : i32
      %parallel_loop3A_1077 = arith.index_cast %parallel_loop3A_1076 : i32 to index
      %parallel_loop3A_1078 = arith.index_cast %parallel_loop3A_1057 : i32 to index
      %parallel_loop3A_1079 = arith.index_cast %parallel_loop3A_1075 : i32 to index
      %parallel_loop3A_1080 = tpu.vector_load %arg6[%parallel_loop3A_1077, %parallel_loop3A_1078, %parallel_loop3A_1079] {strides = array<i32>} : memref<3x32x128xi32, #tpu.memory_space<vmem>>, vector<16xi32>,
      %parallel_loop3A_1081 = arith.constant 16 : i32
      %parallel_loop3A_1082 = vector.broadcast %parallel_loop3A_1081 : i32 to vector<16xi32>
      %parallel_loop3A_1083 = arith.muli %parallel_loop3A_1080, %parallel_loop3A_1082 : vector<16xi32>
      %parallel_loop3A_1084 = arith.constant 8 : i32
      %parallel_loop3A_1085 = arith.divsi %parallel_loop3A_1033, %parallel_loop3A_1084 : i32
      %parallel_loop3A_1086 = arith.constant 0 : i32
      %parallel_loop3A_1087 = arith.cmpi sgt, %parallel_loop3A_1033, %parallel_loop3A_1086 : i32
      %parallel_loop3A_1088 = arith.extui %parallel_loop3A_1087 : i1 to i32
      %parallel_loop3A_1089 = arith.constant 0 : i32
      %parallel_loop3A_1090 = arith.cmpi slt, %parallel_loop3A_1033, %parallel_loop3A_1089 : i32
      %parallel_loop3A_1091 = arith.extui %parallel_loop3A_1090 : i1 to i32
      %parallel_loop3A_1092 = arith.subi %parallel_loop3A_1088, %parallel_loop3A_1091 : i32
      %parallel_loop3A_1093 = arith.constant 0 : i32
      %parallel_loop3A_1094 = arith.cmpi sgt, %parallel_loop3A_1084, %parallel_loop3A_1093 : i32
      %parallel_loop3A_1095 = arith.extui %parallel_loop3A_1094 : i1 to i32
      %parallel_loop3A_1096 = arith.constant 0 : i32
      %parallel_loop3A_1097 = arith.cmpi slt, %parallel_loop3A_1084, %parallel_loop3A_1096 : i32
      %parallel_loop3A_1098 = arith.extui %parallel_loop3A_1097 : i1 to i32
      %parallel_loop3A_1099 = arith.subi %parallel_loop3A_1095, %parallel_loop3A_1098 : i32
      %parallel_loop3A_1100 = arith.cmpi ne, %parallel_loop3A_1092, %parallel_loop3A_1099 : i32
      %parallel_loop3A_1101 = arith.remsi %parallel_loop3A_1033, %parallel_loop3A_1084 : i32
      %parallel_loop3A_1102 = arith.constant 0 : i32
      %parallel_loop3A_1103 = arith.cmpi ne, %parallel_loop3A_1101, %parallel_loop3A_1102 : i32
      %parallel_loop3A_1104 = arith.andi %parallel_loop3A_1100, %parallel_loop3A_1103 : i1
      %parallel_loop3A_1105 = arith.constant 1 : i32
      %parallel_loop3A_1106 = arith.subi %parallel_loop3A_1085, %parallel_loop3A_1105 : i32
      %parallel_loop3A_1107 = arith.select %parallel_loop3A_1104, %parallel_loop3A_1106, %parallel_loop3A_1085 : i32
      %parallel_loop3A_1108 = arith.constant 512 : i32
      %parallel_loop3A_1109 = arith.muli %parallel_loop3A_1107, %parallel_loop3A_1108 : i32
      %parallel_loop3A_1110 = arith.constant 8 : i32
      %parallel_loop3A_1111 = arith.constant 0 : i32
      %parallel_loop3A_1112 = arith.cmpi eq, %parallel_loop3A_1110, %parallel_loop3A_1111 : i32
      %parallel_loop3A_1113 = arith.constant 1 : i32
      %parallel_loop3A_1114 = arith.select %parallel_loop3A_1112, %parallel_loop3A_1113, %parallel_loop3A_1110 : i32
      %parallel_loop3A_1115 = arith.remsi %parallel_loop3A_1033, %parallel_loop3A_1114 : i32
      %parallel_loop3A_1116 = arith.constant 0 : i32
      %parallel_loop3A_1117 = arith.cmpi ne, %parallel_loop3A_1115, %parallel_loop3A_1116 : i32
      %parallel_loop3A_1118 = arith.constant 0 : i32
      %parallel_loop3A_1119 = arith.cmpi slt, %parallel_loop3A_1115, %parallel_loop3A_1118 : i32
      %parallel_loop3A_1120 = arith.constant 0 : i32
      %parallel_loop3A_1121 = arith.cmpi slt, %parallel_loop3A_1114, %parallel_loop3A_1120 : i32
      %parallel_loop3A_1122 = arith.xori %parallel_loop3A_1119, %parallel_loop3A_1121 : i1
      %parallel_loop3A_1123 = arith.andi %parallel_loop3A_1122, %parallel_loop3A_1117 : i1
      %parallel_loop3A_1124 = arith.addi %parallel_loop3A_1115, %parallel_loop3A_1114 : i32
      %parallel_loop3A_1125 = arith.select %parallel_loop3A_1123, %parallel_loop3A_1124, %parallel_loop3A_1115 : i32
      %parallel_loop3A_1126 = arith.constant 16 : i32
      %parallel_loop3A_1127 = arith.muli %parallel_loop3A_1125, %parallel_loop3A_1126 : i32
      %parallel_loop3A_1128 = arith.addi %parallel_loop3A_1109, %parallel_loop3A_1127 : i32
      %parallel_loop3A_1129 = arith.addi %parallel_loop3A_1083, %add3A_5 : vector<16xi32>
      %parallel_loop3A_1130 = tpu.vector_load_idx %arg5[%parallel_loop3A_1129] : memref<2048xf32, #tpu.memory_space<vmem>>[vector<16xi32>], vector<16xf32>,
      %parallel_loop3A_1131 = arith.constant 32768 : i32
      %parallel_loop3A_1132 = arith.addi %parallel_loop3A_1131, %parallel_loop3A_1128 : i32
      %parallel_loop3A_1133 = arith.constant 0 : i32
      %parallel_loop3A_1134 = arith.addi %parallel_loop3A_1132, %parallel_loop3A_1133 : i32
      %parallel_loop3A_1135 = arith.index_cast %parallel_loop3A_1134 : i32 to index
      %parallel_loop3A_1136 = tpu.vector_load %arg7[%parallel_loop3A_1135] {strides = array<i32>} : memref<49152xf32, #tpu.memory_space<vmem>>, vector<16xf32>,
      tpu.vector_store %arg7[%parallel_loop3A_1135], %parallel_loop3A_1130 {strides = array<i32>} : memref<49152xf32, #tpu.memory_space<vmem>>, vector<16xf32>,
      %parallel_loop3A_1137 = arith.addi %parallel_loop3A_1083, %add3A_9 : vector<16xi32>
      %parallel_loop3A_1138 = tpu.vector_load_idx %arg5[%parallel_loop3A_1137] : memref<2048xf32, #tpu.memory_space<vmem>>[vector<16xi32>], vector<16xf32>,
      %parallel_loop3A_1139 = arith.constant 32768 : i32
      %parallel_loop3A_1140 = arith.addi %parallel_loop3A_1139, %parallel_loop3A_1128 : i32
      %parallel_loop3A_1141 = arith.constant 128 : i32
      %parallel_loop3A_1142 = arith.addi %parallel_loop3A_1140, %parallel_loop3A_1141 : i32
      %parallel_loop3A_1143 = arith.index_cast %parallel_loop3A_1142 : i32 to index
      %parallel_loop3A_1144 = tpu.vector_load %arg7[%parallel_loop3A_1143] {strides = array<i32>} : memref<49152xf32, #tpu.memory_space<vmem>>, vector<16xf32>,
      tpu.vector_store %arg7[%parallel_loop3A_1143], %parallel_loop3A_1138 {strides = array<i32>} : memref<49152xf32, #tpu.memory_space<vmem>>, vector<16xf32>,
      %parallel_loop3A_1145 = arith.addi %parallel_loop3A_1083, %add3A_13 : vector<16xi32>
      %parallel_loop3A_1146 = tpu.vector_load_idx %arg5[%parallel_loop3A_1145] : memref<2048xf32, #tpu.memory_space<vmem>>[vector<16xi32>], vector<16xf32>,
      %parallel_loop3A_1147 = arith.constant 32768 : i32
      %parallel_loop3A_1148 = arith.addi %parallel_loop3A_1147, %parallel_loop3A_1128 : i32
      %parallel_loop3A_1149 = arith.constant 256 : i32
      %parallel_loop3A_1150 = arith.addi %parallel_loop3A_1148, %parallel_loop3A_1149 : i32
      %parallel_loop3A_1151 = arith.index_cast %parallel_loop3A_1150 : i32 to index
      %parallel_loop3A_1152 = tpu.vector_load %arg7[%parallel_loop3A_1151] {strides = array<i32>} : memref<49152xf32, #tpu.memory_space<vmem>>, vector<16xf32>,
      tpu.vector_store %arg7[%parallel_loop3A_1151], %parallel_loop3A_1146 {strides = array<i32>} : memref<49152xf32, #tpu.memory_space<vmem>>, vector<16xf32>,
      %parallel_loop3A_1153 = arith.addi %parallel_loop3A_1083, %add3A_17 : vector<16xi32>
      %parallel_loop3A_1154 = tpu.vector_load_idx %arg5[%parallel_loop3A_1153] : memref<2048xf32, #tpu.memory_space<vmem>>[vector<16xi32>], vector<16xf32>,
      %parallel_loop3A_1155 = arith.constant 32768 : i32
      %parallel_loop3A_1156 = arith.addi %parallel_loop3A_1155, %parallel_loop3A_1128 : i32
      %parallel_loop3A_1157 = arith.constant 384 : i32
      %parallel_loop3A_1158 = arith.addi %parallel_loop3A_1156, %parallel_loop3A_1157 : i32
      %parallel_loop3A_1159 = arith.index_cast %parallel_loop3A_1158 : i32 to index
      %parallel_loop3A_1160 = tpu.vector_load %arg7[%parallel_loop3A_1159] {strides = array<i32>} : memref<49152xf32, #tpu.memory_space<vmem>>, vector<16xf32>,
      tpu.vector_store %arg7[%parallel_loop3A_1159], %parallel_loop3A_1154 {strides = array<i32>} : memref<49152xf32, #tpu.memory_space<vmem>>, vector<16xf32>,
    } {sc.loop_unroll_factor = 8 : i64, sc.parallel_access}
    %add3A_864 = arith.constant 2 : i32
    %add3A_865 = arith.addi %mul3A_2, %add3A_864 : i32
    %mul3A_866 = arith.constant 4096 : i32
    %mul3A_867 = arith.muli %add3A_865, %mul3A_866 : i32
    %mul3A_868 = arith.constant 4 : i32
    %mul3A_869 = arith.muli %mul3A_867, %mul3A_868 : i32
    %dma_start3A_870 = arith.constant 2 : i32
    %dma_start3A_871 = arith.constant 32768 : i32
    %dma_start3A_872 = tpu.memref_slice %arg7[%dma_start3A_871] : memref<49152xf32, #tpu.memory_space<vmem>> -> memref<16384xf32, #tpu.memory_space<vmem>>
    %dma_start3A_873 = tpu.memref_slice %arg4[%mul3A_869] : memref<13107200xf32, #tpu.memory_space<hbm>> -> memref<16384xf32, #tpu.memory_space<hbm>>
    %dma_start3A_874 = tpu.memref_slice %arg9[%dma_start3A_870] : memref<3x!tpu.dma_semaphore, #tpu.memory_space<semaphore_mem>> -> memref<1x!tpu.dma_semaphore, #tpu.memory_space<semaphore_mem>>
    %dma_start3A_875 = tpu.memref_squeeze %dma_start3A_874 : memref<1x!tpu.dma_semaphore, #tpu.memory_space<semaphore_mem>> -> memref<!tpu.dma_semaphore, #tpu.memory_space<semaphore_mem>>
    %dma_start3A_876 = tpu.memref_slice %arg4[%mul3A_869] : memref<13107200xf32, #tpu.memory_space<hbm>> -> memref<16384xf32, #tpu.memory_space<hbm>>
    %dma_start3A_877 = arith.constant 32768 : i32
    %dma_start3A_878 = tpu.memref_slice %arg7[%dma_start3A_877] : memref<49152xf32, #tpu.memory_space<vmem>> -> memref<16384xf32, #tpu.memory_space<vmem>>
    tpu.enqueue_dma source(%dma_start3A_878 : memref<16384xf32, #tpu.memory_space<vmem>>) target(%dma_start3A_876 : memref<16384xf32, #tpu.memory_space<hbm>>) target_semaphore(%dma_start3A_875 : memref<!tpu.dma_semaphore, #tpu.memory_space<semaphore_mem>>)
    %add3A_879 = arith.constant 2 : i32
    %add3A_880 = arith.addi %mul3A_2, %add3A_879 : i32
    %add3A_881 = arith.constant 3 : i32
    %add3A_882 = arith.addi %add3A_880, %add3A_881 : i32
    %jit3A_883 = arith.constant 4 : i32
    %div3A_884 = arith.divsi %add3A_882, %jit3A_883 : i32
    %sign3A_885 = arith.constant 0 : i32
    %sign3A_886 = arith.cmpi sgt, %add3A_882, %sign3A_885 : i32
    %sign3A_887 = arith.extui %sign3A_886 : i1 to i32
    %sign3A_888 = arith.constant 0 : i32
    %sign3A_889 = arith.cmpi slt, %add3A_882, %sign3A_888 : i32
    %sign3A_890 = arith.extui %sign3A_889 : i1 to i32
    %sign3A_891 = arith.subi %sign3A_887, %sign3A_890 : i32
    %sign3A_892 = arith.constant 0 : i32
    %sign3A_893 = arith.cmpi sgt, %jit3A_883, %sign3A_892 : i32
    %sign3A_894 = arith.extui %sign3A_893 : i1 to i32
    %sign3A_895 = arith.constant 0 : i32
    %sign3A_896 = arith.cmpi slt, %jit3A_883, %sign3A_895 : i32
    %sign3A_897 = arith.extui %sign3A_896 : i1 to i32
    %sign3A_898 = arith.subi %sign3A_894, %sign3A_897 : i32
    %ne3A_899 = arith.cmpi ne, %sign3A_891, %sign3A_898 : i32
    %rem3A_900 = arith.remsi %add3A_882, %jit3A_883 : i32
    %ne3A_901 = arith.constant 0 : i32
    %ne3A_902 = arith.cmpi ne, %rem3A_900, %ne3A_901 : i32
    %and3A_903 = arith.andi %ne3A_899, %ne3A_902 : i1
    %sub3A_904 = arith.constant 1 : i32
    %sub3A_905 = arith.subi %div3A_884, %sub3A_904 : i32
    %select_n3A_906 = arith.select %and3A_903, %sub3A_905, %div3A_884 : i32
    %jit3A_907 = arith.constant 4 : i32
    %eq3A_908 = arith.constant 0 : i32
    %eq3A_909 = arith.cmpi eq, %jit3A_907, %eq3A_908 : i32
    %jit3A_910 = arith.constant 1 : i32
    %select_n3A_911 = arith.select %eq3A_909, %jit3A_910, %jit3A_907 : i32
    %rem3A_912 = arith.remsi %add3A_882, %select_n3A_911 : i32
    %ne3A_913 = arith.constant 0 : i32
    %ne3A_914 = arith.cmpi ne, %rem3A_912, %ne3A_913 : i32
    %lt3A_915 = arith.constant 0 : i32
    %lt3A_916 = arith.cmpi slt, %rem3A_912, %lt3A_915 : i32
    %lt3A_917 = arith.constant 0 : i32
    %lt3A_918 = arith.cmpi slt, %select_n3A_911, %lt3A_917 : i32
    %ne3A_919 = arith.xori %lt3A_916, %lt3A_918 : i1
    %and3A_920 = arith.andi %ne3A_919, %ne3A_914 : i1
    %add3A_921 = arith.addi %rem3A_912, %select_n3A_911 : i32
    %select_n3A_922 = arith.select %and3A_920, %add3A_921, %rem3A_912 : i32
    %jit3A_923 = arith.constant 8 : i32
    %div3A_924 = arith.divsi %select_n3A_906, %jit3A_923 : i32
    %sign3A_925 = arith.constant 0 : i32
    %sign3A_926 = arith.cmpi sgt, %select_n3A_906, %sign3A_925 : i32
    %sign3A_927 = arith.extui %sign3A_926 : i1 to i32
    %sign3A_928 = arith.constant 0 : i32
    %sign3A_929 = arith.cmpi slt, %select_n3A_906, %sign3A_928 : i32
    %sign3A_930 = arith.extui %sign3A_929 : i1 to i32
    %sign3A_931 = arith.subi %sign3A_927, %sign3A_930 : i32
    %sign3A_932 = arith.constant 0 : i32
    %sign3A_933 = arith.cmpi sgt, %jit3A_923, %sign3A_932 : i32
    %sign3A_934 = arith.extui %sign3A_933 : i1 to i32
    %sign3A_935 = arith.constant 0 : i32
    %sign3A_936 = arith.cmpi slt, %jit3A_923, %sign3A_935 : i32
    %sign3A_937 = arith.extui %sign3A_936 : i1 to i32
    %sign3A_938 = arith.subi %sign3A_934, %sign3A_937 : i32
    %ne3A_939 = arith.cmpi ne, %sign3A_931, %sign3A_938 : i32
    %rem3A_940 = arith.remsi %select_n3A_906, %jit3A_923 : i32
    %ne3A_941 = arith.constant 0 : i32
    %ne3A_942 = arith.cmpi ne, %rem3A_940, %ne3A_941 : i32
    %and3A_943 = arith.andi %ne3A_939, %ne3A_942 : i1
    %sub3A_944 = arith.constant 1 : i32
    %sub3A_945 = arith.subi %div3A_924, %sub3A_944 : i32
    %select_n3A_946 = arith.select %and3A_943, %sub3A_945, %div3A_924 : i32
    %mul3A_947 = arith.constant 32 : i32
    %mul3A_948 = arith.muli %select_n3A_922, %mul3A_947 : i32
    %jit3A_949 = arith.constant 8 : i32
    %eq3A_950 = arith.constant 0 : i32
    %eq3A_951 = arith.cmpi eq, %jit3A_949, %eq3A_950 : i32
    %jit3A_952 = arith.constant 1 : i32
    %select_n3A_953 = arith.select %eq3A_951, %jit3A_952, %jit3A_949 : i32
    %rem3A_954 = arith.remsi %select_n3A_906, %select_n3A_953 : i32
    %ne3A_955 = arith.constant 0 : i32
    %ne3A_956 = arith.cmpi ne, %rem3A_954, %ne3A_955 : i32
    %lt3A_957 = arith.constant 0 : i32
    %lt3A_958 = arith.cmpi slt, %rem3A_954, %lt3A_957 : i32
    %lt3A_959 = arith.constant 0 : i32
    %lt3A_960 = arith.cmpi slt, %select_n3A_953, %lt3A_959 : i32
    %ne3A_961 = arith.xori %lt3A_958, %lt3A_960 : i1
    %and3A_962 = arith.andi %ne3A_961, %ne3A_956 : i1
    %add3A_963 = arith.addi %rem3A_954, %select_n3A_953 : i32
    %select_n3A_964 = arith.select %and3A_962, %add3A_963, %rem3A_954 : i32
    %dma_start3A_965 = arith.constant 2 : i32
    %dma_start3A_966 = arith.constant 2 : i32
    %dma_start3A_967 = arith.constant 0 : i32
    %dma_start3A_968 = arith.constant 0 : i32
    %dma_start3A_969 = tpu.memref_slice %arg6[%dma_start3A_965, %dma_start3A_967, %dma_start3A_968] : memref<3x32x128xi32, #tpu.memory_space<vmem>> -> memref<1x32x128xi32, #tpu.memory_space<vmem>>
    %dma_start3A_970 = tpu.memref_squeeze %dma_start3A_969 : memref<1x32x128xi32, #tpu.memory_space<vmem>> -> memref<32x128xi32, #tpu.memory_space<vmem>>
    %dma_start3A_971 = arith.constant 0 : i32
    %dma_start3A_972 = tpu.memref_slice %arg2[%select_n3A_946, %mul3A_948, %select_n3A_964, %dma_start3A_971] : memref<25x128x8x128xi32, #tpu.memory_space<hbm>> -> memref<1x32x1x128xi32, #tpu.memory_space<hbm>>
    %dma_start3A_973 = tpu.memref_squeeze %dma_start3A_972 : memref<1x32x1x128xi32, #tpu.memory_space<hbm>> -> memref<32x128xi32, #tpu.memory_space<hbm>>
    %dma_start3A_974 = tpu.memref_slice %arg8[%dma_start3A_966] : memref<3x!tpu.dma_semaphore, #tpu.memory_space<semaphore_mem>> -> memref<1x!tpu.dma_semaphore, #tpu.memory_space<semaphore_mem>>
    %dma_start3A_975 = tpu.memref_squeeze %dma_start3A_974 : memref<1x!tpu.dma_semaphore, #tpu.memory_space<semaphore_mem>> -> memref<!tpu.dma_semaphore, #tpu.memory_space<semaphore_mem>>
    %dma_start3A_976 = arith.constant 0 : i32
    %dma_start3A_977 = arith.constant 0 : i32
    %dma_start3A_978 = tpu.memref_slice %arg6[%dma_start3A_965, %dma_start3A_976, %dma_start3A_977] : memref<3x32x128xi32, #tpu.memory_space<vmem>> -> memref<1x32x128xi32, #tpu.memory_space<vmem>>
    %dma_start3A_979 = tpu.memref_squeeze %dma_start3A_978 : memref<1x32x128xi32, #tpu.memory_space<vmem>> -> memref<32x128xi32, #tpu.memory_space<vmem>>
    %dma_start3A_980 = arith.constant 0 : i32
    %dma_start3A_981 = tpu.memref_slice %arg2[%select_n3A_946, %mul3A_948, %select_n3A_964, %dma_start3A_980] : memref<25x128x8x128xi32, #tpu.memory_space<hbm>> -> memref<1x32x1x128xi32, #tpu.memory_space<hbm>>
    %dma_start3A_982 = tpu.memref_squeeze %dma_start3A_981 : memref<1x32x1x128xi32, #tpu.memory_space<hbm>> -> memref<32x128xi32, #tpu.memory_space<hbm>>
    tpu.enqueue_dma source(%dma_start3A_982 : memref<32x128xi32, #tpu.memory_space<hbm>>) target(%dma_start3A_979 : memref<32x128xi32, #tpu.memory_space<vmem>>) target_semaphore(%dma_start3A_975 : memref<!tpu.dma_semaphore, #tpu.memory_space<semaphore_mem>>)
    %scan3A = arith.constant 0 : i32
    %scan3A_983 = arith.constant 3 : i32
    %scan3A_984 = arith.constant 22 : i32
    %scan3A_985 = arith.addi %scan3A_983, %scan3A_984 : i32
    %scan3A_986 = arith.constant 1 : i32
    scf.for %scan3A_1033 = %scan3A_983 to %scan3A_985 step %scan3A_986  : i32 {
      %add3A_1034 = arith.addi %mul3A_2, %scan3A_1033 : i32
      %jit3A_1035 = arith.constant 3 : i32
      %eq3A_1036 = arith.constant 0 : i32
      %eq3A_1037 = arith.cmpi eq, %jit3A_1035, %eq3A_1036 : i32
      %jit3A_1038 = arith.constant 1 : i32
      %select_n3A_1039 = arith.select %eq3A_1037, %jit3A_1038, %jit3A_1035 : i32
      %rem3A_1040 = arith.remsi %scan3A_1033, %select_n3A_1039 : i32
      %ne3A_1041 = arith.constant 0 : i32
      %ne3A_1042 = arith.cmpi ne, %rem3A_1040, %ne3A_1041 : i32
      %lt3A_1043 = arith.constant 0 : i32
      %lt3A_1044 = arith.cmpi slt, %rem3A_1040, %lt3A_1043 : i32
      %lt3A_1045 = arith.constant 0 : i32
      %lt3A_1046 = arith.cmpi slt, %select_n3A_1039, %lt3A_1045 : i32
      %ne3A_1047 = arith.xori %lt3A_1044, %lt3A_1046 : i1
      %and3A_1048 = arith.andi %ne3A_1047, %ne3A_1042 : i1
      %add3A_1049 = arith.addi %rem3A_1040, %select_n3A_1039 : i32
      %select_n3A_1050 = arith.select %and3A_1048, %add3A_1049, %rem3A_1040 : i32
      %sub3A_1051 = arith.constant 3 : i32
      %sub3A_1052 = arith.subi %add3A_1034, %sub3A_1051 : i32
      %mul3A_1053 = arith.constant 4096 : i32
      %mul3A_1054 = arith.muli %select_n3A_1050, %mul3A_1053 : i32
      %mul3A_1055 = arith.constant 4 : i32
      %mul3A_1056 = arith.muli %mul3A_1054, %mul3A_1055 : i32
      %mul3A_1057 = arith.constant 4096 : i32
      %mul3A_1058 = arith.muli %sub3A_1052, %mul3A_1057 : i32
      %mul3A_1059 = arith.constant 4 : i32
      %mul3A_1060 = arith.muli %mul3A_1058, %mul3A_1059 : i32
      %dma_wait3A_1061 = tpu.memref_slice %arg7[%mul3A_1056] : memref<49152xf32, #tpu.memory_space<vmem>> -> memref<16384xf32, #tpu.memory_space<vmem>>
      %dma_wait3A_1062 = tpu.memref_slice %arg4[%mul3A_1060] : memref<13107200xf32, #tpu.memory_space<hbm>> -> memref<16384xf32, #tpu.memory_space<hbm>>
      %dma_wait3A_1063 = tpu.memref_slice %arg9[%select_n3A_1050] : memref<3x!tpu.dma_semaphore, #tpu.memory_space<semaphore_mem>> -> memref<1x!tpu.dma_semaphore, #tpu.memory_space<semaphore_mem>>
      %dma_wait3A_1064 = tpu.memref_squeeze %dma_wait3A_1063 : memref<1x!tpu.dma_semaphore, #tpu.memory_space<semaphore_mem>> -> memref<!tpu.dma_semaphore, #tpu.memory_space<semaphore_mem>>
      %dma_wait3A_1065 = tpu.memref_slice %arg4[%mul3A_1060] : memref<13107200xf32, #tpu.memory_space<hbm>> -> memref<16384xf32, #tpu.memory_space<hbm>>
      %dma_wait3A_1066 = tpu.memref_slice %arg7[%mul3A_1056] : memref<49152xf32, #tpu.memory_space<vmem>> -> memref<16384xf32, #tpu.memory_space<vmem>>
      tpu.wait_dma2 semaphore(%dma_wait3A_1064 : memref<!tpu.dma_semaphore, #tpu.memory_space<semaphore_mem>>) src(%dma_wait3A_1066 : memref<16384xf32, #tpu.memory_space<vmem>>) dst(%dma_wait3A_1065 : memref<16384xf32, #tpu.memory_space<hbm>>)
      %jit3A_1067 = arith.constant 4 : i32
      %div3A_1068 = arith.divsi %add3A_1034, %jit3A_1067 : i32
      %sign3A_1069 = arith.constant 0 : i32
      %sign3A_1070 = arith.cmpi sgt, %add3A_1034, %sign3A_1069 : i32
      %sign3A_1071 = arith.extui %sign3A_1070 : i1 to i32
      %sign3A_1072 = arith.constant 0 : i32
      %sign3A_1073 = arith.cmpi slt, %add3A_1034, %sign3A_1072 : i32
      %sign3A_1074 = arith.extui %sign3A_1073 : i1 to i32
      %sign3A_1075 = arith.subi %sign3A_1071, %sign3A_1074 : i32
      %sign3A_1076 = arith.constant 0 : i32
      %sign3A_1077 = arith.cmpi sgt, %jit3A_1067, %sign3A_1076 : i32
      %sign3A_1078 = arith.extui %sign3A_1077 : i1 to i32
      %sign3A_1079 = arith.constant 0 : i32
      %sign3A_1080 = arith.cmpi slt, %jit3A_1067, %sign3A_1079 : i32
      %sign3A_1081 = arith.extui %sign3A_1080 : i1 to i32
      %sign3A_1082 = arith.subi %sign3A_1078, %sign3A_1081 : i32
      %ne3A_1083 = arith.cmpi ne, %sign3A_1075, %sign3A_1082 : i32
      %rem3A_1084 = arith.remsi %add3A_1034, %jit3A_1067 : i32
      %ne3A_1085 = arith.constant 0 : i32
      %ne3A_1086 = arith.cmpi ne, %rem3A_1084, %ne3A_1085 : i32
      %and3A_1087 = arith.andi %ne3A_1083, %ne3A_1086 : i1
      %sub3A_1088 = arith.constant 1 : i32
      %sub3A_1089 = arith.subi %div3A_1068, %sub3A_1088 : i32
      %select_n3A_1090 = arith.select %and3A_1087, %sub3A_1089, %div3A_1068 : i32
      %jit3A_1091 = arith.constant 4 : i32
      %eq3A_1092 = arith.constant 0 : i32
      %eq3A_1093 = arith.cmpi eq, %jit3A_1091, %eq3A_1092 : i32
      %jit3A_1094 = arith.constant 1 : i32
      %select_n3A_1095 = arith.select %eq3A_1093, %jit3A_1094, %jit3A_1091 : i32
      %rem3A_1096 = arith.remsi %add3A_1034, %select_n3A_1095 : i32
      %ne3A_1097 = arith.constant 0 : i32
      %ne3A_1098 = arith.cmpi ne, %rem3A_1096, %ne3A_1097 : i32
      %lt3A_1099 = arith.constant 0 : i32
      %lt3A_1100 = arith.cmpi slt, %rem3A_1096, %lt3A_1099 : i32
      %lt3A_1101 = arith.constant 0 : i32
      %lt3A_1102 = arith.cmpi slt, %select_n3A_1095, %lt3A_1101 : i32
      %ne3A_1103 = arith.xori %lt3A_1100, %lt3A_1102 : i1
      %and3A_1104 = arith.andi %ne3A_1103, %ne3A_1098 : i1
      %add3A_1105 = arith.addi %rem3A_1096, %select_n3A_1095 : i32
      %select_n3A_1106 = arith.select %and3A_1104, %add3A_1105, %rem3A_1096 : i32
      %jit3A_1107 = arith.constant 8 : i32
      %div3A_1108 = arith.divsi %select_n3A_1090, %jit3A_1107 : i32
      %sign3A_1109 = arith.constant 0 : i32
      %sign3A_1110 = arith.cmpi sgt, %select_n3A_1090, %sign3A_1109 : i32
      %sign3A_1111 = arith.extui %sign3A_1110 : i1 to i32
      %sign3A_1112 = arith.constant 0 : i32
      %sign3A_1113 = arith.cmpi slt, %select_n3A_1090, %sign3A_1112 : i32
      %sign3A_1114 = arith.extui %sign3A_1113 : i1 to i32
      %sign3A_1115 = arith.subi %sign3A_1111, %sign3A_1114 : i32
      %sign3A_1116 = arith.constant 0 : i32
      %sign3A_1117 = arith.cmpi sgt, %jit3A_1107, %sign3A_1116 : i32
      %sign3A_1118 = arith.extui %sign3A_1117 : i1 to i32
      %sign3A_1119 = arith.constant 0 : i32
      %sign3A_1120 = arith.cmpi slt, %jit3A_1107, %sign3A_1119 : i32
      %sign3A_1121 = arith.extui %sign3A_1120 : i1 to i32
      %sign3A_1122 = arith.subi %sign3A_1118, %sign3A_1121 : i32
      %ne3A_1123 = arith.cmpi ne, %sign3A_1115, %sign3A_1122 : i32
      %rem3A_1124 = arith.remsi %select_n3A_1090, %jit3A_1107 : i32
      %ne3A_1125 = arith.constant 0 : i32
      %ne3A_1126 = arith.cmpi ne, %rem3A_1124, %ne3A_1125 : i32
      %and3A_1127 = arith.andi %ne3A_1123, %ne3A_1126 : i1
      %sub3A_1128 = arith.constant 1 : i32
      %sub3A_1129 = arith.subi %div3A_1108, %sub3A_1128 : i32
      %select_n3A_1130 = arith.select %and3A_1127, %sub3A_1129, %div3A_1108 : i32
      %mul3A_1131 = arith.constant 32 : i32
      %mul3A_1132 = arith.muli %select_n3A_1106, %mul3A_1131 : i32
      %jit3A_1133 = arith.constant 8 : i32
      %eq3A_1134 = arith.constant 0 : i32
      %eq3A_1135 = arith.cmpi eq, %jit3A_1133, %eq3A_1134 : i32
      %jit3A_1136 = arith.constant 1 : i32
      %select_n3A_1137 = arith.select %eq3A_1135, %jit3A_1136, %jit3A_1133 : i32
      %rem3A_1138 = arith.remsi %select_n3A_1090, %select_n3A_1137 : i32
      %ne3A_1139 = arith.constant 0 : i32
      %ne3A_1140 = arith.cmpi ne, %rem3A_1138, %ne3A_1139 : i32
      %lt3A_1141 = arith.constant 0 : i32
      %lt3A_1142 = arith.cmpi slt, %rem3A_1138, %lt3A_1141 : i32
      %lt3A_1143 = arith.constant 0 : i32
      %lt3A_1144 = arith.cmpi slt, %select_n3A_1137, %lt3A_1143 : i32
      %ne3A_1145 = arith.xori %lt3A_1142, %lt3A_1144 : i1
      %and3A_1146 = arith.andi %ne3A_1145, %ne3A_1140 : i1
      %add3A_1147 = arith.addi %rem3A_1138, %select_n3A_1137 : i32
      %select_n3A_1148 = arith.select %and3A_1146, %add3A_1147, %rem3A_1138 : i32
      %dma_wait3A_1149 = arith.constant 0 : i32
      %dma_wait3A_1150 = arith.constant 0 : i32
      %dma_wait3A_1151 = tpu.memref_slice %arg6[%select_n3A_1050, %dma_wait3A_1149, %dma_wait3A_1150] : memref<3x32x128xi32, #tpu.memory_space<vmem>> -> memref<1x32x128xi32, #tpu.memory_space<vmem>>
      %dma_wait3A_1152 = tpu.memref_squeeze %dma_wait3A_1151 : memref<1x32x128xi32, #tpu.memory_space<vmem>> -> memref<32x128xi32, #tpu.memory_space<vmem>>
      %dma_wait3A_1153 = arith.constant 0 : i32
      %dma_wait3A_1154 = tpu.memref_slice %arg2[%select_n3A_1130, %mul3A_1132, %select_n3A_1148, %dma_wait3A_1153] : memref<25x128x8x128xi32, #tpu.memory_space<hbm>> -> memref<1x32x1x128xi32, #tpu.memory_space<hbm>>
      %dma_wait3A_1155 = tpu.memref_squeeze %dma_wait3A_1154 : memref<1x32x1x128xi32, #tpu.memory_space<hbm>> -> memref<32x128xi32, #tpu.memory_space<hbm>>
      %dma_wait3A_1156 = tpu.memref_slice %arg8[%select_n3A_1050] : memref<3x!tpu.dma_semaphore, #tpu.memory_space<semaphore_mem>> -> memref<1x!tpu.dma_semaphore, #tpu.memory_space<semaphore_mem>>
      %dma_wait3A_1157 = tpu.memref_squeeze %dma_wait3A_1156 : memref<1x!tpu.dma_semaphore, #tpu.memory_space<semaphore_mem>> -> memref<!tpu.dma_semaphore, #tpu.memory_space<semaphore_mem>>
      %dma_wait3A_1158 = arith.constant 0 : i32
      %dma_wait3A_1159 = arith.constant 0 : i32
      %dma_wait3A_1160 = tpu.memref_slice %arg6[%select_n3A_1050, %dma_wait3A_1158, %dma_wait3A_1159] : memref<3x32x128xi32, #tpu.memory_space<vmem>> -> memref<1x32x128xi32, #tpu.memory_space<vmem>>
      %dma_wait3A_1161 = tpu.memref_squeeze %dma_wait3A_1160 : memref<1x32x128xi32, #tpu.memory_space<vmem>> -> memref<32x128xi32, #tpu.memory_space<vmem>>
      %dma_wait3A_1162 = arith.constant 0 : i32
      %dma_wait3A_1163 = tpu.memref_slice %arg2[%select_n3A_1130, %mul3A_1132, %select_n3A_1148, %dma_wait3A_1162] : memref<25x128x8x128xi32, #tpu.memory_space<hbm>> -> memref<1x32x1x128xi32, #tpu.memory_space<hbm>>
      %dma_wait3A_1164 = tpu.memref_squeeze %dma_wait3A_1163 : memref<1x32x1x128xi32, #tpu.memory_space<hbm>> -> memref<32x128xi32, #tpu.memory_space<hbm>>
      tpu.wait_dma2 semaphore(%dma_wait3A_1157 : memref<!tpu.dma_semaphore, #tpu.memory_space<semaphore_mem>>) src(%dma_wait3A_1164 : memref<32x128xi32, #tpu.memory_space<hbm>>) dst(%dma_wait3A_1161 : memref<32x128xi32, #tpu.memory_space<vmem>>)
      %parallel_loop3A_1165 = arith.constant 0 : i32
      %parallel_loop3A_1166 = arith.constant 256 : i32
      %parallel_loop3A_1167 = arith.constant 1 : i32
      scf.for %parallel_loop3A_1187 = %parallel_loop3A_1165 to %parallel_loop3A_1166 step %parallel_loop3A_1167  : i32 {
        %parallel_loop3A_1188 = arith.constant 8 : i32
        %parallel_loop3A_1189 = arith.divsi %parallel_loop3A_1187, %parallel_loop3A_1188 : i32
        %parallel_loop3A_1190 = arith.constant 0 : i32
        %parallel_loop3A_1191 = arith.cmpi sgt, %parallel_loop3A_1187, %parallel_loop3A_1190 : i32
        %parallel_loop3A_1192 = arith.extui %parallel_loop3A_1191 : i1 to i32
        %parallel_loop3A_1193 = arith.constant 0 : i32
        %parallel_loop3A_1194 = arith.cmpi slt, %parallel_loop3A_1187, %parallel_loop3A_1193 : i32
        %parallel_loop3A_1195 = arith.extui %parallel_loop3A_1194 : i1 to i32
        %parallel_loop3A_1196 = arith.subi %parallel_loop3A_1192, %parallel_loop3A_1195 : i32
        %parallel_loop3A_1197 = arith.constant 0 : i32
        %parallel_loop3A_1198 = arith.cmpi sgt, %parallel_loop3A_1188, %parallel_loop3A_1197 : i32
        %parallel_loop3A_1199 = arith.extui %parallel_loop3A_1198 : i1 to i32
        %parallel_loop3A_1200 = arith.constant 0 : i32
        %parallel_loop3A_1201 = arith.cmpi slt, %parallel_loop3A_1188, %parallel_loop3A_1200 : i32
        %parallel_loop3A_1202 = arith.extui %parallel_loop3A_1201 : i1 to i32
        %parallel_loop3A_1203 = arith.subi %parallel_loop3A_1199, %parallel_loop3A_1202 : i32
        %parallel_loop3A_1204 = arith.cmpi ne, %parallel_loop3A_1196, %parallel_loop3A_1203 : i32
        %parallel_loop3A_1205 = arith.remsi %parallel_loop3A_1187, %parallel_loop3A_1188 : i32
        %parallel_loop3A_1206 = arith.constant 0 : i32
        %parallel_loop3A_1207 = arith.cmpi ne, %parallel_loop3A_1205, %parallel_loop3A_1206 : i32
        %parallel_loop3A_1208 = arith.andi %parallel_loop3A_1204, %parallel_loop3A_1207 : i1
        %parallel_loop3A_1209 = arith.constant 1 : i32
        %parallel_loop3A_1210 = arith.subi %parallel_loop3A_1189, %parallel_loop3A_1209 : i32
        %parallel_loop3A_1211 = arith.select %parallel_loop3A_1208, %parallel_loop3A_1210, %parallel_loop3A_1189 : i32
        %parallel_loop3A_1212 = arith.constant 8 : i32
        %parallel_loop3A_1213 = arith.constant 0 : i32
        %parallel_loop3A_1214 = arith.cmpi eq, %parallel_loop3A_1212, %parallel_loop3A_1213 : i32
        %parallel_loop3A_1215 = arith.constant 1 : i32
        %parallel_loop3A_1216 = arith.select %parallel_loop3A_1214, %parallel_loop3A_1215, %parallel_loop3A_1212 : i32
        %parallel_loop3A_1217 = arith.remsi %parallel_loop3A_1187, %parallel_loop3A_1216 : i32
        %parallel_loop3A_1218 = arith.constant 0 : i32
        %parallel_loop3A_1219 = arith.cmpi ne, %parallel_loop3A_1217, %parallel_loop3A_1218 : i32
        %parallel_loop3A_1220 = arith.constant 0 : i32
        %parallel_loop3A_1221 = arith.cmpi slt, %parallel_loop3A_1217, %parallel_loop3A_1220 : i32
        %parallel_loop3A_1222 = arith.constant 0 : i32
        %parallel_loop3A_1223 = arith.cmpi slt, %parallel_loop3A_1216, %parallel_loop3A_1222 : i32
        %parallel_loop3A_1224 = arith.xori %parallel_loop3A_1221, %parallel_loop3A_1223 : i1
        %parallel_loop3A_1225 = arith.andi %parallel_loop3A_1224, %parallel_loop3A_1219 : i1
        %parallel_loop3A_1226 = arith.addi %parallel_loop3A_1217, %parallel_loop3A_1216 : i32
        %parallel_loop3A_1227 = arith.select %parallel_loop3A_1225, %parallel_loop3A_1226, %parallel_loop3A_1217 : i32
        %parallel_loop3A_1228 = arith.constant 16 : i32
        %parallel_loop3A_1229 = arith.muli %parallel_loop3A_1227, %parallel_loop3A_1228 : i32
        %parallel_loop3A_1230 = arith.index_cast %select_n3A_1050 : i32 to index
        %parallel_loop3A_1231 = arith.index_cast %parallel_loop3A_1211 : i32 to index
        %parallel_loop3A_1232 = arith.index_cast %parallel_loop3A_1229 : i32 to index
        %parallel_loop3A_1233 = tpu.vector_load %arg6[%parallel_loop3A_1230, %parallel_loop3A_1231, %parallel_loop3A_1232] {strides = array<i32>} : memref<3x32x128xi32, #tpu.memory_space<vmem>>, vector<16xi32>,
        %parallel_loop3A_1234 = arith.constant 16 : i32
        %parallel_loop3A_1235 = vector.broadcast %parallel_loop3A_1234 : i32 to vector<16xi32>
        %parallel_loop3A_1236 = arith.muli %parallel_loop3A_1233, %parallel_loop3A_1235 : vector<16xi32>
        %parallel_loop3A_1237 = arith.constant 8 : i32
        %parallel_loop3A_1238 = arith.divsi %parallel_loop3A_1187, %parallel_loop3A_1237 : i32
        %parallel_loop3A_1239 = arith.constant 0 : i32
        %parallel_loop3A_1240 = arith.cmpi sgt, %parallel_loop3A_1187, %parallel_loop3A_1239 : i32
        %parallel_loop3A_1241 = arith.extui %parallel_loop3A_1240 : i1 to i32
        %parallel_loop3A_1242 = arith.constant 0 : i32
        %parallel_loop3A_1243 = arith.cmpi slt, %parallel_loop3A_1187, %parallel_loop3A_1242 : i32
        %parallel_loop3A_1244 = arith.extui %parallel_loop3A_1243 : i1 to i32
        %parallel_loop3A_1245 = arith.subi %parallel_loop3A_1241, %parallel_loop3A_1244 : i32
        %parallel_loop3A_1246 = arith.constant 0 : i32
        %parallel_loop3A_1247 = arith.cmpi sgt, %parallel_loop3A_1237, %parallel_loop3A_1246 : i32
        %parallel_loop3A_1248 = arith.extui %parallel_loop3A_1247 : i1 to i32
        %parallel_loop3A_1249 = arith.constant 0 : i32
        %parallel_loop3A_1250 = arith.cmpi slt, %parallel_loop3A_1237, %parallel_loop3A_1249 : i32
        %parallel_loop3A_1251 = arith.extui %parallel_loop3A_1250 : i1 to i32
        %parallel_loop3A_1252 = arith.subi %parallel_loop3A_1248, %parallel_loop3A_1251 : i32
        %parallel_loop3A_1253 = arith.cmpi ne, %parallel_loop3A_1245, %parallel_loop3A_1252 : i32
        %parallel_loop3A_1254 = arith.remsi %parallel_loop3A_1187, %parallel_loop3A_1237 : i32
        %parallel_loop3A_1255 = arith.constant 0 : i32
        %parallel_loop3A_1256 = arith.cmpi ne, %parallel_loop3A_1254, %parallel_loop3A_1255 : i32
        %parallel_loop3A_1257 = arith.andi %parallel_loop3A_1253, %parallel_loop3A_1256 : i1
        %parallel_loop3A_1258 = arith.constant 1 : i32
        %parallel_loop3A_1259 = arith.subi %parallel_loop3A_1238, %parallel_loop3A_1258 : i32
        %parallel_loop3A_1260 = arith.select %parallel_loop3A_1257, %parallel_loop3A_1259, %parallel_loop3A_1238 : i32
        %parallel_loop3A_1261 = arith.constant 512 : i32
        %parallel_loop3A_1262 = arith.muli %parallel_loop3A_1260, %parallel_loop3A_1261 : i32
        %parallel_loop3A_1263 = arith.constant 8 : i32
        %parallel_loop3A_1264 = arith.constant 0 : i32
        %parallel_loop3A_1265 = arith.cmpi eq, %parallel_loop3A_1263, %parallel_loop3A_1264 : i32
        %parallel_loop3A_1266 = arith.constant 1 : i32
        %parallel_loop3A_1267 = arith.select %parallel_loop3A_1265, %parallel_loop3A_1266, %parallel_loop3A_1263 : i32
        %parallel_loop3A_1268 = arith.remsi %parallel_loop3A_1187, %parallel_loop3A_1267 : i32
        %parallel_loop3A_1269 = arith.constant 0 : i32
        %parallel_loop3A_1270 = arith.cmpi ne, %parallel_loop3A_1268, %parallel_loop3A_1269 : i32
        %parallel_loop3A_1271 = arith.constant 0 : i32
        %parallel_loop3A_1272 = arith.cmpi slt, %parallel_loop3A_1268, %parallel_loop3A_1271 : i32
        %parallel_loop3A_1273 = arith.constant 0 : i32
        %parallel_loop3A_1274 = arith.cmpi slt, %parallel_loop3A_1267, %parallel_loop3A_1273 : i32
        %parallel_loop3A_1275 = arith.xori %parallel_loop3A_1272, %parallel_loop3A_1274 : i1
        %parallel_loop3A_1276 = arith.andi %parallel_loop3A_1275, %parallel_loop3A_1270 : i1
        %parallel_loop3A_1277 = arith.addi %parallel_loop3A_1268, %parallel_loop3A_1267 : i32
        %parallel_loop3A_1278 = arith.select %parallel_loop3A_1276, %parallel_loop3A_1277, %parallel_loop3A_1268 : i32
        %parallel_loop3A_1279 = arith.constant 16 : i32
        %parallel_loop3A_1280 = arith.muli %parallel_loop3A_1278, %parallel_loop3A_1279 : i32
        %parallel_loop3A_1281 = arith.addi %parallel_loop3A_1262, %parallel_loop3A_1280 : i32
        %parallel_loop3A_1282 = arith.addi %parallel_loop3A_1236, %add3A_5 : vector<16xi32>
        %parallel_loop3A_1283 = tpu.vector_load_idx %arg5[%parallel_loop3A_1282] : memref<2048xf32, #tpu.memory_space<vmem>>[vector<16xi32>], vector<16xf32>,
        %parallel_loop3A_1284 = arith.constant 4096 : i32
        %parallel_loop3A_1285 = arith.muli %select_n3A_1050, %parallel_loop3A_1284 : i32
        %parallel_loop3A_1286 = arith.constant 4 : i32
        %parallel_loop3A_1287 = arith.muli %parallel_loop3A_1285, %parallel_loop3A_1286 : i32
        %parallel_loop3A_1288 = arith.addi %parallel_loop3A_1287, %parallel_loop3A_1281 : i32
        %parallel_loop3A_1289 = arith.constant 0 : i32
        %parallel_loop3A_1290 = arith.addi %parallel_loop3A_1288, %parallel_loop3A_1289 : i32
        %parallel_loop3A_1291 = arith.index_cast %parallel_loop3A_1290 : i32 to index
        %parallel_loop3A_1292 = tpu.vector_load %arg7[%parallel_loop3A_1291] {strides = array<i32>} : memref<49152xf32, #tpu.memory_space<vmem>>, vector<16xf32>,
        tpu.vector_store %arg7[%parallel_loop3A_1291], %parallel_loop3A_1283 {strides = array<i32>} : memref<49152xf32, #tpu.memory_space<vmem>>, vector<16xf32>,
        %parallel_loop3A_1293 = arith.addi %parallel_loop3A_1236, %add3A_9 : vector<16xi32>
        %parallel_loop3A_1294 = tpu.vector_load_idx %arg5[%parallel_loop3A_1293] : memref<2048xf32, #tpu.memory_space<vmem>>[vector<16xi32>], vector<16xf32>,
        %parallel_loop3A_1295 = arith.constant 4096 : i32
        %parallel_loop3A_1296 = arith.muli %select_n3A_1050, %parallel_loop3A_1295 : i32
        %parallel_loop3A_1297 = arith.constant 4 : i32
        %parallel_loop3A_1298 = arith.muli %parallel_loop3A_1296, %parallel_loop3A_1297 : i32
        %parallel_loop3A_1299 = arith.addi %parallel_loop3A_1298, %parallel_loop3A_1281 : i32
        %parallel_loop3A_1300 = arith.constant 128 : i32
        %parallel_loop3A_1301 = arith.addi %parallel_loop3A_1299, %parallel_loop3A_1300 : i32
        %parallel_loop3A_1302 = arith.index_cast %parallel_loop3A_1301 : i32 to index
        %parallel_loop3A_1303 = tpu.vector_load %arg7[%parallel_loop3A_1302] {strides = array<i32>} : memref<49152xf32, #tpu.memory_space<vmem>>, vector<16xf32>,
        tpu.vector_store %arg7[%parallel_loop3A_1302], %parallel_loop3A_1294 {strides = array<i32>} : memref<49152xf32, #tpu.memory_space<vmem>>, vector<16xf32>,
        %parallel_loop3A_1304 = arith.addi %parallel_loop3A_1236, %add3A_13 : vector<16xi32>
        %parallel_loop3A_1305 = tpu.vector_load_idx %arg5[%parallel_loop3A_1304] : memref<2048xf32, #tpu.memory_space<vmem>>[vector<16xi32>], vector<16xf32>,
        %parallel_loop3A_1306 = arith.constant 4096 : i32
        %parallel_loop3A_1307 = arith.muli %select_n3A_1050, %parallel_loop3A_1306 : i32
        %parallel_loop3A_1308 = arith.constant 4 : i32
        %parallel_loop3A_1309 = arith.muli %parallel_loop3A_1307, %parallel_loop3A_1308 : i32
        %parallel_loop3A_1310 = arith.addi %parallel_loop3A_1309, %parallel_loop3A_1281 : i32
        %parallel_loop3A_1311 = arith.constant 256 : i32
        %parallel_loop3A_1312 = arith.addi %parallel_loop3A_1310, %parallel_loop3A_1311 : i32
        %parallel_loop3A_1313 = arith.index_cast %parallel_loop3A_1312 : i32 to index
        %parallel_loop3A_1314 = tpu.vector_load %arg7[%parallel_loop3A_1313] {strides = array<i32>} : memref<49152xf32, #tpu.memory_space<vmem>>, vector<16xf32>,
        tpu.vector_store %arg7[%parallel_loop3A_1313], %parallel_loop3A_1305 {strides = array<i32>} : memref<49152xf32, #tpu.memory_space<vmem>>, vector<16xf32>,
        %parallel_loop3A_1315 = arith.addi %parallel_loop3A_1236, %add3A_17 : vector<16xi32>
        %parallel_loop3A_1316 = tpu.vector_load_idx %arg5[%parallel_loop3A_1315] : memref<2048xf32, #tpu.memory_space<vmem>>[vector<16xi32>], vector<16xf32>,
        %parallel_loop3A_1317 = arith.constant 4096 : i32
        %parallel_loop3A_1318 = arith.muli %select_n3A_1050, %parallel_loop3A_1317 : i32
        %parallel_loop3A_1319 = arith.constant 4 : i32
        %parallel_loop3A_1320 = arith.muli %parallel_loop3A_1318, %parallel_loop3A_1319 : i32
        %parallel_loop3A_1321 = arith.addi %parallel_loop3A_1320, %parallel_loop3A_1281 : i32
        %parallel_loop3A_1322 = arith.constant 384 : i32
        %parallel_loop3A_1323 = arith.addi %parallel_loop3A_1321, %parallel_loop3A_1322 : i32
        %parallel_loop3A_1324 = arith.index_cast %parallel_loop3A_1323 : i32 to index
        %parallel_loop3A_1325 = tpu.vector_load %arg7[%parallel_loop3A_1324] {strides = array<i32>} : memref<49152xf32, #tpu.memory_space<vmem>>, vector<16xf32>,
        tpu.vector_store %arg7[%parallel_loop3A_1324], %parallel_loop3A_1316 {strides = array<i32>} : memref<49152xf32, #tpu.memory_space<vmem>>, vector<16xf32>,
      } {sc.loop_unroll_factor = 8 : i64, sc.parallel_access}
      %mul3A_1168 = arith.constant 4096 : i32
      %mul3A_1169 = arith.muli %select_n3A_1050, %mul3A_1168 : i32
      %mul3A_1170 = arith.constant 4 : i32
      %mul3A_1171 = arith.muli %mul3A_1169, %mul3A_1170 : i32
      %mul3A_1172 = arith.constant 4096 : i32
      %mul3A_1173 = arith.muli %add3A_1034, %mul3A_1172 : i32
      %mul3A_1174 = arith.constant 4 : i32
      %mul3A_1175 = arith.muli %mul3A_1173, %mul3A_1174 : i32
      %dma_start3A_1176 = tpu.memref_slice %arg7[%mul3A_1171] : memref<49152xf32, #tpu.memory_space<vmem>> -> memref<16384xf32, #tpu.memory_space<vmem>>
      %dma_start3A_1177 = tpu.memref_slice %arg4[%mul3A_1175] : memref<13107200xf32, #tpu.memory_space<hbm>> -> memref<16384xf32, #tpu.memory_space<hbm>>
      %dma_start3A_1178 = tpu.memref_slice %arg9[%select_n3A_1050] : memref<3x!tpu.dma_semaphore, #tpu.memory_space<semaphore_mem>> -> memref<1x!tpu.dma_semaphore, #tpu.memory_space<semaphore_mem>>
      %dma_start3A_1179 = tpu.memref_squeeze %dma_start3A_1178 : memref<1x!tpu.dma_semaphore, #tpu.memory_space<semaphore_mem>> -> memref<!tpu.dma_semaphore, #tpu.memory_space<semaphore_mem>>
      %dma_start3A_1180 = tpu.memref_slice %arg4[%mul3A_1175] : memref<13107200xf32, #tpu.memory_space<hbm>> -> memref<16384xf32, #tpu.memory_space<hbm>>
      %dma_start3A_1181 = tpu.memref_slice %arg7[%mul3A_1171] : memref<49152xf32, #tpu.memory_space<vmem>> -> memref<16384xf32, #tpu.memory_space<vmem>>
      tpu.enqueue_dma source(%dma_start3A_1181 : memref<16384xf32, #tpu.memory_space<vmem>>) target(%dma_start3A_1180 : memref<16384xf32, #tpu.memory_space<hbm>>) target_semaphore(%dma_start3A_1179 : memref<!tpu.dma_semaphore, #tpu.memory_space<semaphore_mem>>)
      %add3A_1182 = arith.constant 3 : i32
      %add3A_1183 = arith.addi %scan3A_1033, %add3A_1182 : i32
      %lt3A_1184 = arith.constant 25 : i32
      %lt3A_1185 = arith.cmpi slt, %add3A_1183, %lt3A_1184 : i32
      %convert_element_type3A = arith.extui %lt3A_1185 : i1 to i32
      %cond3A = arith.constant 0 : i32
      %cond3A_1186 = arith.cmpi ne, %convert_element_type3A, %cond3A : i32
      scf.if %cond3A_1186 {
        %add3A_1187 = arith.constant 3 : i32
        %add3A_1188 = arith.addi %add3A_1034, %add3A_1187 : i32
        %jit3A_1189 = arith.constant 4 : i32
        %div3A_1190 = arith.divsi %add3A_1188, %jit3A_1189 : i32
        %sign3A_1191 = arith.constant 0 : i32
        %sign3A_1192 = arith.cmpi sgt, %add3A_1188, %sign3A_1191 : i32
        %sign3A_1193 = arith.extui %sign3A_1192 : i1 to i32
        %sign3A_1194 = arith.constant 0 : i32
        %sign3A_1195 = arith.cmpi slt, %add3A_1188, %sign3A_1194 : i32
        %sign3A_1196 = arith.extui %sign3A_1195 : i1 to i32
        %sign3A_1197 = arith.subi %sign3A_1193, %sign3A_1196 : i32
        %sign3A_1198 = arith.constant 0 : i32
        %sign3A_1199 = arith.cmpi sgt, %jit3A_1189, %sign3A_1198 : i32
        %sign3A_1200 = arith.extui %sign3A_1199 : i1 to i32
        %sign3A_1201 = arith.constant 0 : i32
        %sign3A_1202 = arith.cmpi slt, %jit3A_1189, %sign3A_1201 : i32
        %sign3A_1203 = arith.extui %sign3A_1202 : i1 to i32
        %sign3A_1204 = arith.subi %sign3A_1200, %sign3A_1203 : i32
        %ne3A_1205 = arith.cmpi ne, %sign3A_1197, %sign3A_1204 : i32
        %rem3A_1206 = arith.remsi %add3A_1188, %jit3A_1189 : i32
        %ne3A_1207 = arith.constant 0 : i32
        %ne3A_1208 = arith.cmpi ne, %rem3A_1206, %ne3A_1207 : i32
        %and3A_1209 = arith.andi %ne3A_1205, %ne3A_1208 : i1
        %sub3A_1210 = arith.constant 1 : i32
        %sub3A_1211 = arith.subi %div3A_1190, %sub3A_1210 : i32
        %select_n3A_1212 = arith.select %and3A_1209, %sub3A_1211, %div3A_1190 : i32
        %jit3A_1213 = arith.constant 4 : i32
        %eq3A_1214 = arith.constant 0 : i32
        %eq3A_1215 = arith.cmpi eq, %jit3A_1213, %eq3A_1214 : i32
        %jit3A_1216 = arith.constant 1 : i32
        %select_n3A_1217 = arith.select %eq3A_1215, %jit3A_1216, %jit3A_1213 : i32
        %rem3A_1218 = arith.remsi %add3A_1188, %select_n3A_1217 : i32
        %ne3A_1219 = arith.constant 0 : i32
        %ne3A_1220 = arith.cmpi ne, %rem3A_1218, %ne3A_1219 : i32
        %lt3A_1221 = arith.constant 0 : i32
        %lt3A_1222 = arith.cmpi slt, %rem3A_1218, %lt3A_1221 : i32
        %lt3A_1223 = arith.constant 0 : i32
        %lt3A_1224 = arith.cmpi slt, %select_n3A_1217, %lt3A_1223 : i32
        %ne3A_1225 = arith.xori %lt3A_1222, %lt3A_1224 : i1
        %and3A_1226 = arith.andi %ne3A_1225, %ne3A_1220 : i1
        %add3A_1227 = arith.addi %rem3A_1218, %select_n3A_1217 : i32
        %select_n3A_1228 = arith.select %and3A_1226, %add3A_1227, %rem3A_1218 : i32
        %jit3A_1229 = arith.constant 8 : i32
        %div3A_1230 = arith.divsi %select_n3A_1212, %jit3A_1229 : i32
        %sign3A_1231 = arith.constant 0 : i32
        %sign3A_1232 = arith.cmpi sgt, %select_n3A_1212, %sign3A_1231 : i32
        %sign3A_1233 = arith.extui %sign3A_1232 : i1 to i32
        %sign3A_1234 = arith.constant 0 : i32
        %sign3A_1235 = arith.cmpi slt, %select_n3A_1212, %sign3A_1234 : i32
        %sign3A_1236 = arith.extui %sign3A_1235 : i1 to i32
        %sign3A_1237 = arith.subi %sign3A_1233, %sign3A_1236 : i32
        %sign3A_1238 = arith.constant 0 : i32
        %sign3A_1239 = arith.cmpi sgt, %jit3A_1229, %sign3A_1238 : i32
        %sign3A_1240 = arith.extui %sign3A_1239 : i1 to i32
        %sign3A_1241 = arith.constant 0 : i32
        %sign3A_1242 = arith.cmpi slt, %jit3A_1229, %sign3A_1241 : i32
        %sign3A_1243 = arith.extui %sign3A_1242 : i1 to i32
        %sign3A_1244 = arith.subi %sign3A_1240, %sign3A_1243 : i32
        %ne3A_1245 = arith.cmpi ne, %sign3A_1237, %sign3A_1244 : i32
        %rem3A_1246 = arith.remsi %select_n3A_1212, %jit3A_1229 : i32
        %ne3A_1247 = arith.constant 0 : i32
        %ne3A_1248 = arith.cmpi ne, %rem3A_1246, %ne3A_1247 : i32
        %and3A_1249 = arith.andi %ne3A_1245, %ne3A_1248 : i1
        %sub3A_1250 = arith.constant 1 : i32
        %sub3A_1251 = arith.subi %div3A_1230, %sub3A_1250 : i32
        %select_n3A_1252 = arith.select %and3A_1249, %sub3A_1251, %div3A_1230 : i32
        %mul3A_1253 = arith.constant 32 : i32
        %mul3A_1254 = arith.muli %select_n3A_1228, %mul3A_1253 : i32
        %jit3A_1255 = arith.constant 8 : i32
        %eq3A_1256 = arith.constant 0 : i32
        %eq3A_1257 = arith.cmpi eq, %jit3A_1255, %eq3A_1256 : i32
        %jit3A_1258 = arith.constant 1 : i32
        %select_n3A_1259 = arith.select %eq3A_1257, %jit3A_1258, %jit3A_1255 : i32
        %rem3A_1260 = arith.remsi %select_n3A_1212, %select_n3A_1259 : i32
        %ne3A_1261 = arith.constant 0 : i32
        %ne3A_1262 = arith.cmpi ne, %rem3A_1260, %ne3A_1261 : i32
        %lt3A_1263 = arith.constant 0 : i32
        %lt3A_1264 = arith.cmpi slt, %rem3A_1260, %lt3A_1263 : i32
        %lt3A_1265 = arith.constant 0 : i32
        %lt3A_1266 = arith.cmpi slt, %select_n3A_1259, %lt3A_1265 : i32
        %ne3A_1267 = arith.xori %lt3A_1264, %lt3A_1266 : i1
        %and3A_1268 = arith.andi %ne3A_1267, %ne3A_1262 : i1
        %add3A_1269 = arith.addi %rem3A_1260, %select_n3A_1259 : i32
        %select_n3A_1270 = arith.select %and3A_1268, %add3A_1269, %rem3A_1260 : i32
        %dma_start3A_1271 = arith.constant 0 : i32
        %dma_start3A_1272 = arith.constant 0 : i32
        %dma_start3A_1273 = tpu.memref_slice %arg6[%select_n3A_1050, %dma_start3A_1271, %dma_start3A_1272] : memref<3x32x128xi32, #tpu.memory_space<vmem>> -> memref<1x32x128xi32, #tpu.memory_space<vmem>>
        %dma_start3A_1274 = tpu.memref_squeeze %dma_start3A_1273 : memref<1x32x128xi32, #tpu.memory_space<vmem>> -> memref<32x128xi32, #tpu.memory_space<vmem>>
        %dma_start3A_1275 = arith.constant 0 : i32
        %dma_start3A_1276 = tpu.memref_slice %arg2[%select_n3A_1252, %mul3A_1254, %select_n3A_1270, %dma_start3A_1275] : memref<25x128x8x128xi32, #tpu.memory_space<hbm>> -> memref<1x32x1x128xi32, #tpu.memory_space<hbm>>
        %dma_start3A_1277 = tpu.memref_squeeze %dma_start3A_1276 : memref<1x32x1x128xi32, #tpu.memory_space<hbm>> -> memref<32x128xi32, #tpu.memory_space<hbm>>
        %dma_start3A_1278 = tpu.memref_slice %arg8[%select_n3A_1050] : memref<3x!tpu.dma_semaphore, #tpu.memory_space<semaphore_mem>> -> memref<1x!tpu.dma_semaphore, #tpu.memory_space<semaphore_mem>>
        %dma_start3A_1279 = tpu.memref_squeeze %dma_start3A_1278 : memref<1x!tpu.dma_semaphore, #tpu.memory_space<semaphore_mem>> -> memref<!tpu.dma_semaphore, #tpu.memory_space<semaphore_mem>>
        %dma_start3A_1280 = arith.constant 0 : i32
        %dma_start3A_1281 = arith.constant 0 : i32
        %dma_start3A_1282 = tpu.memref_slice %arg6[%select_n3A_1050, %dma_start3A_1280, %dma_start3A_1281] : memref<3x32x128xi32, #tpu.memory_space<vmem>> -> memref<1x32x128xi32, #tpu.memory_space<vmem>>
        %dma_start3A_1283 = tpu.memref_squeeze %dma_start3A_1282 : memref<1x32x128xi32, #tpu.memory_space<vmem>> -> memref<32x128xi32, #tpu.memory_space<vmem>>
        %dma_start3A_1284 = arith.constant 0 : i32
        %dma_start3A_1285 = tpu.memref_slice %arg2[%select_n3A_1252, %mul3A_1254, %select_n3A_1270, %dma_start3A_1284] : memref<25x128x8x128xi32, #tpu.memory_space<hbm>> -> memref<1x32x1x128xi32, #tpu.memory_space<hbm>>
        %dma_start3A_1286 = tpu.memref_squeeze %dma_start3A_1285 : memref<1x32x1x128xi32, #tpu.memory_space<hbm>> -> memref<32x128xi32, #tpu.memory_space<hbm>>
        tpu.enqueue_dma source(%dma_start3A_1286 : memref<32x128xi32, #tpu.memory_space<hbm>>) target(%dma_start3A_1283 : memref<32x128xi32, #tpu.memory_space<vmem>>) target_semaphore(%dma_start3A_1279 : memref<!tpu.dma_semaphore, #tpu.memory_space<semaphore_mem>>)
      } else {
      }
    }
    %scan3A_987 = arith.constant 22 : i32
    %add3A_988 = arith.constant 22 : i32
    %add3A_989 = arith.addi %mul3A_2, %add3A_988 : i32
    %mul3A_990 = arith.constant 4096 : i32
    %mul3A_991 = arith.muli %add3A_989, %mul3A_990 : i32
    %mul3A_992 = arith.constant 4 : i32
    %mul3A_993 = arith.muli %mul3A_991, %mul3A_992 : i32
    %dma_wait3A_994 = arith.constant 1 : i32
    %dma_wait3A_995 = arith.constant 16384 : i32
    %dma_wait3A_996 = tpu.memref_slice %arg7[%dma_wait3A_995] : memref<49152xf32, #tpu.memory_space<vmem>> -> memref<16384xf32, #tpu.memory_space<vmem>>
    %dma_wait3A_997 = tpu.memref_slice %arg4[%mul3A_993] : memref<13107200xf32, #tpu.memory_space<hbm>> -> memref<16384xf32, #tpu.memory_space<hbm>>
    %dma_wait3A_998 = tpu.memref_slice %arg9[%dma_wait3A_994] : memref<3x!tpu.dma_semaphore, #tpu.memory_space<semaphore_mem>> -> memref<1x!tpu.dma_semaphore, #tpu.memory_space<semaphore_mem>>
    %dma_wait3A_999 = tpu.memref_squeeze %dma_wait3A_998 : memref<1x!tpu.dma_semaphore, #tpu.memory_space<semaphore_mem>> -> memref<!tpu.dma_semaphore, #tpu.memory_space<semaphore_mem>>
    %dma_wait3A_1000 = tpu.memref_slice %arg4[%mul3A_993] : memref<13107200xf32, #tpu.memory_space<hbm>> -> memref<16384xf32, #tpu.memory_space<hbm>>
    %dma_wait3A_1001 = arith.constant 16384 : i32
    %dma_wait3A_1002 = tpu.memref_slice %arg7[%dma_wait3A_1001] : memref<49152xf32, #tpu.memory_space<vmem>> -> memref<16384xf32, #tpu.memory_space<vmem>>
    tpu.wait_dma2 semaphore(%dma_wait3A_999 : memref<!tpu.dma_semaphore, #tpu.memory_space<semaphore_mem>>) src(%dma_wait3A_1002 : memref<16384xf32, #tpu.memory_space<vmem>>) dst(%dma_wait3A_1000 : memref<16384xf32, #tpu.memory_space<hbm>>)
    %add3A_1003 = arith.constant 23 : i32
    %add3A_1004 = arith.addi %mul3A_2, %add3A_1003 : i32
    %mul3A_1005 = arith.constant 4096 : i32
    %mul3A_1006 = arith.muli %add3A_1004, %mul3A_1005 : i32
    %mul3A_1007 = arith.constant 4 : i32
    %mul3A_1008 = arith.muli %mul3A_1006, %mul3A_1007 : i32
    %dma_wait3A_1009 = arith.constant 2 : i32
    %dma_wait3A_1010 = arith.constant 32768 : i32
    %dma_wait3A_1011 = tpu.memref_slice %arg7[%dma_wait3A_1010] : memref<49152xf32, #tpu.memory_space<vmem>> -> memref<16384xf32, #tpu.memory_space<vmem>>
    %dma_wait3A_1012 = tpu.memref_slice %arg4[%mul3A_1008] : memref<13107200xf32, #tpu.memory_space<hbm>> -> memref<16384xf32, #tpu.memory_space<hbm>>
    %dma_wait3A_1013 = tpu.memref_slice %arg9[%dma_wait3A_1009] : memref<3x!tpu.dma_semaphore, #tpu.memory_space<semaphore_mem>> -> memref<1x!tpu.dma_semaphore, #tpu.memory_space<semaphore_mem>>
    %dma_wait3A_1014 = tpu.memref_squeeze %dma_wait3A_1013 : memref<1x!tpu.dma_semaphore, #tpu.memory_space<semaphore_mem>> -> memref<!tpu.dma_semaphore, #tpu.memory_space<semaphore_mem>>
    %dma_wait3A_1015 = tpu.memref_slice %arg4[%mul3A_1008] : memref<13107200xf32, #tpu.memory_space<hbm>> -> memref<16384xf32, #tpu.memory_space<hbm>>
    %dma_wait3A_1016 = arith.constant 32768 : i32
    %dma_wait3A_1017 = tpu.memref_slice %arg7[%dma_wait3A_1016] : memref<49152xf32, #tpu.memory_space<vmem>> -> memref<16384xf32, #tpu.memory_space<vmem>>
    tpu.wait_dma2 semaphore(%dma_wait3A_1014 : memref<!tpu.dma_semaphore, #tpu.memory_space<semaphore_mem>>) src(%dma_wait3A_1017 : memref<16384xf32, #tpu.memory_space<vmem>>) dst(%dma_wait3A_1015 : memref<16384xf32, #tpu.memory_space<hbm>>)
    %add3A_1018 = arith.constant 24 : i32
    %add3A_1019 = arith.addi %mul3A_2, %add3A_1018 : i32
    %mul3A_1020 = arith.constant 4096 : i32
    %mul3A_1021 = arith.muli %add3A_1019, %mul3A_1020 : i32
    %mul3A_1022 = arith.constant 4 : i32
    %mul3A_1023 = arith.muli %mul3A_1021, %mul3A_1022 : i32
    %dma_wait3A_1024 = arith.constant 0 : i32
    %dma_wait3A_1025 = arith.constant 0 : i32
    %dma_wait3A_1026 = tpu.memref_slice %arg7[%dma_wait3A_1025] : memref<49152xf32, #tpu.memory_space<vmem>> -> memref<16384xf32, #tpu.memory_space<vmem>>
    %dma_wait3A_1027 = tpu.memref_slice %arg4[%mul3A_1023] : memref<13107200xf32, #tpu.memory_space<hbm>> -> memref<16384xf32, #tpu.memory_space<hbm>>
    %dma_wait3A_1028 = tpu.memref_slice %arg9[%dma_wait3A_1024] : memref<3x!tpu.dma_semaphore, #tpu.memory_space<semaphore_mem>> -> memref<1x!tpu.dma_semaphore, #tpu.memory_space<semaphore_mem>>
    %dma_wait3A_1029 = tpu.memref_squeeze %dma_wait3A_1028 : memref<1x!tpu.dma_semaphore, #tpu.memory_space<semaphore_mem>> -> memref<!tpu.dma_semaphore, #tpu.memory_space<semaphore_mem>>
    %dma_wait3A_1030 = tpu.memref_slice %arg4[%mul3A_1023] : memref<13107200xf32, #tpu.memory_space<hbm>> -> memref<16384xf32, #tpu.memory_space<hbm>>
    %dma_wait3A_1031 = arith.constant 0 : i32
    %dma_wait3A_1032 = tpu.memref_slice %arg7[%dma_wait3A_1031] : memref<49152xf32, #tpu.memory_space<vmem>> -> memref<16384xf32, #tpu.memory_space<vmem>>
    tpu.wait_dma2 semaphore(%dma_wait3A_1029 : memref<!tpu.dma_semaphore, #tpu.memory_space<semaphore_mem>>) src(%dma_wait3A_1032 : memref<16384xf32, #tpu.memory_space<vmem>>) dst(%dma_wait3A_1030 : memref<16384xf32, #tpu.memory_space<hbm>>)
    return
  }
}

</mosaic_0001>

<sc_bundles>
// kernel: kernel.3.cloned.1.call-start
scs
__scs_entry_jumppad:
0x0: {  	(pc) =	sbr.rel $0x88, $3  }
0x1: {  	(tag) =	ssettag $0x0;
	lr =	simm.s32 $0x1  }
0x2: {  	[smem:$0x3F9F] =	sst lr;
	_ =	strace $0xD0000000  }
0x3: {  	_ = 	snop  }
0x4: {  	_ = 	snop  }
0x5: {  	_ = 	snop  }
0x6: {  	_ = 	snop  }
0x7: {  	_ = 	snop  }
__scs_overlays_trampoline_lowered:
0x8: {  	[smem:$0x3FAE] =	sst s0  }
0x9: {  	[smem:$0x3FAF] =	sst s1  }
0xa: {  	[smem:$0x3FB0] =	sst s2  }
0xb: {  	[smem:$0x3FB1] =	sst s3  }
0xc: {  	[smem:$0x3FB2] =	sst s4  }
0xd: {  	[smem:$0x3FB3] =	sst s5  }
0xe: {  	[smem:$0x3FB4] =	sst s6  }
0xf: {  	[smem:$0x3FB5] =	sst s7  }
0x10: {  	[smem:$0x3FB6] =	sst s8  }
0x11: {  	[smem:$0x3FB7] =	sst s9;
	s0 =	simm.s32 @!p0 $0x0  }
0x12: {  	s1 =	sld [smem:$0x3F9D];
	s0 =	simm.s32 @p0 $0x1  }
0x13: {  	[smem:$0x3FB8] =	sst s0;
	s0 =	simm.s32 @!p1 $0x0  }
0x14: {  	s2 =	sld [smem:$0x3F9C];
	s0 =	simm.s32 @p1 $0x1  }
0x15: {  	[smem:$0x3FB9] =	sst s0;
	s0 =	simm.s32 @!p2 $0x0  }
0x16: {  	s3 =	sld [smem:$0x3FDB];
	s0 =	simm.s32 @p2 $0x1  }
0x17: {  	s4 =	simm.s32 $0x1BF5;
	[smem:$0x3FBB] =	sst s0  }
0x18: {  	s0 =	sld [smem:$0x3F9E];
	_ =	swait.ge [sflag:s4], $0x0  }
0x19: {  	s7 =	sld [smem:$0x3F9F]  }
0x1a: {  	s8 =	sadd.s32 $0xFFFFE003, lr  }
0x1b: {  	s9 =	sadd.s32 $0xFFFFFEF7, lr;
	s5 =	simm.s32 $0xFFFFFFFF;
	p2 =	slt.u32 s8, $0xFFFFF086  }
0x1c: {  	p1 =	slt.u32 s9, $0xF7A;
	s5 =	simm.s32 @!p2 $0x0  }
0x1d: {  	s5 =	simm.s32 @p1 $0x1;
	p0 =	seq.s32 s7, s2  }
0x1e: {  	s7 =	smul.u32 @!p0 $0xF7A, s2;
	p2 =	seq.s32 @!p0 s5, $0x0  }
0x1f: {  	s9 =	smul.u32 $0xF7A, s1;
	s8 =	simm.s32 @!p0 $0x1BF5;
	p2 =	por !p2, p0  }
0x20: {  	[sflag:s8] =	ssyncset.s32 @!p0 $0xFFFFF086;
	s6 =	sadd.s32 @!p0 s3, s7;
	s7 =	simm.s32 @!p0 $0x108  }
0x21: {  	s3 =	sadd.s32 s3, s9;
	s6 =	sadd.s32 @!p0 $0x88, s6;
	s7 =	simm.s32 @p2 $0x1082  }
0x22: {  	[simem:s7], [sflag:s8] =	dma.local @!p0 [hbm:s6], $0xF7A  }
0x23: {  	s9 =	sor.u32 $0xD0000000, s2;
	s6 =	simm.s32 $0x108;
	_ =	swait.ge @!p0 [sflag:s8], $0x0  }
0x24: {  	s3 =	sadd.s32 $0x88, s3;
	s6 =	simm.s32 @!p1 $0x1082;
	[sflag:s4] =	ssyncset.s32 $0xFFFFF086  }
0x25: {  	[simem:s6], [sflag:s4] =	dma.local [hbm:s3], $0xF7A  }
0x26: {  	[smem:$0x3F9F] =	sst s1;
	(tag) =	ssettag s2;
	_ =	strace s9  }
0x27: {  	s1 =	sld [smem:$0x3FAF]  }
0x28: {  	s2 =	sld [smem:$0x3FB0]  }
0x29: {  	s4 =	sld [smem:$0x3FB2]  }
0x2a: {  	p0 =	seq.s32 s5, $0x0;
	s5 =	sld [smem:$0x3FB3]  }
0x2b: {  	s6 =	sld [smem:$0x3FB4]  }
0x2c: {  	s7 =	sld [smem:$0x3FB5]  }
0x2d: {  	s3 =	simm.s32 $0x108;
	s8 =	sld [smem:$0x3FB6]  }
0x2e: {  	s3 =	simm.s32 @!p0 $0x1082;
	s9 =	sld [smem:$0x3FB7]  }
0x2f: {  	lr =	sadd.s32 s0, s3;
	s0 =	sld [smem:$0x3FAE]  }
0x30: {  	s3 =	sld [smem:$0x3FB1]  }
0x31: {  	[smem:$0x3FBA] =	sst s10  }
0x32: {  	s10 =	sld [smem:$0x3FB8];
	_ =	sdelay $0x3  }
0x33: {  	p0 =	seq.s32 s10, $0x1;
	s10 =	sld [smem:$0x3FBA];
	_ =	sdelay $0x3  }
0x34: {  	[smem:$0x3FBA] =	sst s10  }
0x35: {  	s10 =	sld [smem:$0x3FB9];
	_ =	sdelay $0x3  }
0x36: {  	p1 =	seq.s32 s10, $0x1;
	s10 =	sld [smem:$0x3FBA];
	_ =	sdelay $0x3  }
0x37: {  	[smem:$0x3FBA] =	sst s10  }
0x38: {  	s10 =	sld [smem:$0x3FBB]  }
0x39: {  	_ = 	snop;
	(pc) =	sbr.ind lr, $3  }
0x3a: {  	_ = 	snop  }
0x3b: {  	_ = 	snop  }
0x3c: {  	p2 =	seq.s32 s10, $0x1;
	s10 =	sld [smem:$0x3FBA]  }
0x3d: {  	_ =	shalt  }
0x3e: {  	_ =	shalt  }
0x3f: {  	_ =	shalt  }
0x40: {  	_ =	shalt  }
0x41: {  	_ =	shalt  }
0x42: {  	_ =	shalt  }
0x43: {  	_ =	shalt  }
0x44: {  	_ =	shalt  }
0x45: {  	_ =	shalt  }
0x46: {  	_ =	shalt  }
0x47: {  	_ =	shalt  }
0x48: {  	_ =	shalt  }
0x49: {  	_ =	shalt  }
0x4a: {  	_ =	shalt  }
0x4b: {  	_ =	shalt  }
0x4c: {  	_ =	shalt  }
0x4d: {  	_ =	shalt  }
0x4e: {  	_ =	shalt  }
0x4f: {  	_ =	shalt  }
0x50: {  	_ =	shalt  }
0x51: {  	_ =	shalt  }
0x52: {  	_ =	shalt  }
0x53: {  	_ =	shalt  }
0x54: {  	_ =	shalt  }
0x55: {  	_ =	shalt  }
0x56: {  	_ =	shalt  }
0x57: {  	_ =	shalt  }
0x58: {  	_ =	shalt  }
0x59: {  	_ =	shalt  }
0x5a: {  	_ =	shalt  }
0x5b: {  	_ =	shalt  }
0x5c: {  	_ =	shalt  }
0x5d: {  	_ =	shalt  }
0x5e: {  	_ =	shalt  }
0x5f: {  	_ =	shalt  }
0x60: {  	_ =	shalt  }
0x61: {  	_ =	shalt  }
0x62: {  	_ =	shalt  }
0x63: {  	_ =	shalt  }
0x64: {  	_ =	shalt  }
0x65: {  	_ =	shalt  }
0x66: {  	_ =	shalt  }
0x67: {  	_ =	shalt  }
0x68: {  	_ =	shalt  }
0x69: {  	_ =	shalt  }
0x6a: {  	_ =	shalt  }
0x6b: {  	_ =	shalt  }
0x6c: {  	_ =	shalt  }
0x6d: {  	_ =	shalt  }
0x6e: {  	_ =	shalt  }
0x6f: {  	_ =	shalt  }
0x70: {  	_ =	shalt  }
0x71: {  	_ =	shalt  }
0x72: {  	_ =	shalt  }
0x73: {  	_ =	shalt  }
0x74: {  	_ =	shalt  }
0x75: {  	_ =	shalt  }
0x76: {  	_ =	shalt  }
0x77: {  	_ =	shalt  }
0x78: {  	_ =	shalt  }
0x79: {  	_ =	shalt  }
0x7a: {  	_ =	shalt  }
0x7b: {  	_ =	shalt  }
0x7c: {  	_ =	shalt  }
0x7d: {  	_ =	shalt  }
0x7e: {  	_ =	shalt  }
0x7f: {  	_ =	shalt  }
0x80: {  	_ =	shalt  }
0x81: {  	_ =	shalt  }
0x82: {  	_ =	shalt  }
0x83: {  	_ =	shalt  }
0x84: {  	_ =	shalt  }
0x85: {  	_ =	shalt  }
0x86: {  	_ =	shalt  }
0x87: {  	_ =	shalt  }
.Lfunc_end0:
.L_simem_size_0:
called_computation_lowered:
.L_overlay_start_0:
0x88: {  	s2 =	sld [smem:$0x3FD9]  }
0x89: {  	s3 =	sld [smem:$0x3FFE];
	_ =	sdelay $0x1  }
0x8a: {  	s1 =	srdreg.scid  }
0x8b: {  	s0 =	sand.u32 $0x1, s1  }
0x8c: {  	s17 =	sshll.u32 s0, $0xA;
	s2 =	sadd.s32 s3, s2  }
0x8d: {  	s2 =	sadd.s32 s2, s17  }
0x8e: {  	[smem:$0x3FC6] =	sst s2  }
0x8f: {  	_ = 	snop  }
0x90: {  	s2 =	sld [smem:$0x3FC9]  }
0x91: {  	s18 =	sld [smem:$0x3FD0];
	(tm) =	ssettm $0x1  }
0x92: {  	s4 =	sld [smem:$0x3FFB];
	_ =	sdelay $0x3  }
0x93: {  	_ =	strace s4  }
0x94: {  	s4 =	sld [smem:$0x3FFC];
	_ =	sdelay $0x3  }
0x95: {  	_ =	strace s4  }
0x96: {  	s4 =	sld [smem:$0x3FFD];
	_ =	sdelay $0x3  }
0x97: {  	_ =	strace s4  }
0x98: {  	_ =	strace $0x8FFFFFFF  }
0x99: {  	s19 =	sld [smem:$0x3FDB];
	_ =	sdelay $0x1  }
0x9a: {  	s5 =	simm.s32 $_scs_section_size  }
0x9b: {  	s6 =	simm.s32 $_size__tile_overlayer_lowered;
	s7 =	simm.s32 $_tile_overlayer_lowered  }
0x9c: {  	s22 =	simm.s32 $0x1BFF;
	s21 =	sshll.u32 s7, $0x1;
	s4 =	sadd.s32 s5, s19  }
0x9d: {  	s8 =	simm.s32 $0x0;
	s20 =	sshll.u32 s6, $0x1;
	s6 =	sadd.s32 s21, s4  }
0x9e: {  	[timem:s8], [sflag:s22] =	dma.local [hbm:s6], s20  }
0x9f: {  	_ =	swait.ge [sflag:s22], s20  }
0xa0: {  	s5 =	ssub.s32 $0x0, s20;
	[sflag:s22] =	ssyncset.done $0x0  }
0xa1: {  	[sflag:s22] =	ssyncadd.s32 s5;
	_ =	sdelay $0x1  }
0xa2: {  	s23 =	simm.s32 $0x1B8B  }
0xa3: {  	_ =	swait.ge [sflag:s23], $0x1  }
0xa4: {  	[sflag:s23] =	ssyncset.done $0x0  }
0xa5: {  	s25 =	simm.s32 $0x1B8E;
	s24 =	sld [smem:$0x3FFE];
	[sflag:s23] =	ssyncadd.s32 $0xFFFFFFFF  }
0xa6: {  	s26 =	simm.s32 $execute0_lowered;
	[smem:$0x3FD2] =	sst s25  }
0xa7: {  	s6 =	sshll.u32 s26, $0x1;
	_ =	strace $0x80000046;
	[dreg:$0x1] =	wrdreg $0xFFFFFFFF  }
0xa8: {  	s28 =	simm.s32 $_size_execute0_lowered;
	s4 =	sadd.s32 s4, s6;
	[dreg:$0x0] =	wrdreg $0x0  }
0xa9: {  	s6 =	sshll.u32 s28, $0x1;
	[dreg:$0x2] =	wrdreg s4  }
0xaa: {  	[dreg:$0x3] =	wrdreg s6  }
0xab: {  	[dreg:$0x4] =	wrdreg $0xC0  }
0xac: {  	_ =	task [dreg:s8], $0x5FFFF  }
0xad: {  	[dreg:$0x1] =	wrdreg $0xFFFFFFFF  }
0xae: {  	[dreg:$0x0] =	wrdreg $0x60  }
0xaf: {  	[dreg:$0x2] =	wrdreg s2  }
0xb0: {  	[dreg:$0x3] =	wrdreg s24  }
0xb1: {  	[dreg:$0x4] =	wrdreg s18  }
0xb2: {  	[dreg:$0x5] =	wrdreg $0x9  }
0xb3: {  	_ =	task.clear_ibuf [dreg:s8], $0x6FFFF;
	_ =	strace $0x90000046  }
0xb4: {  	s29 =	simm.s32 $0x9;
	_ =	strace $0x80000048  }
0xb5: {  	_ =	swait.ge [sflag:s29], $0x1  }
0xb6: {  	[sflag:s29] =	ssyncadd.s32 $0xFFFFFFFF  }
0xb7: {  	_ =	strace $0x90000048  }
0xb8: {  	_ =	sfence  }
0xb9: {  	s30 =	sld [smem:$0x0];
	_ =	sdelay $0x2  }
0xba: {  	s31 =	sshll.u32 s1, $0xD;
	s1 =	sshrl.u32 s1, $0x2  }
0xbb: {  	s3 =	sand.u32 $0x4000, s31;
	s1 =	sadd.s32 s1, s30  }
0xbc: {  	s0 =	sor.u32 s3, s0;
	s1 =	sshll.u32 s1, $0x11  }
0xbd: {  	s0 =	sor.u32 s1, s0  }
0xbe: {  	s0 =	sadd.s32 $0x8F2B, s0  }
0xbf: {  	[sflag:s0] =	ssyncadd.remote.s32 $0x1  }
0xc0: {  	_ =	sfence.sel $0xFFFF  }
0xc1: {  	[dreg:$0x0] =	wrdreg $0xFFFFFFFF;
	(pc) =	sbr.abs _section_cstart, $3  }
0xc2: {  	[dreg:$0x1] =	wrdreg $0xFFFFFFFF  }
0xc3: {  	_ =	task.clear_ibuf [dreg:s8], $0x2FFFF;
	_ =	strace $0x9FFFFFFF  }
0xc4: {  	(tm) =	ssettm $0x7FFFFFFF  }
0xc5: {  	_ =	shalt  }
tec
execute0_lowered:
.L_overlay_start_1:
0x0: {  	(tag) =	ssettag $0x1  }
0x1: {  	s1 =	rddreg [dreg:$0x0];
	s0 =	srdreg.scid  }
0x2: {  	s3 =	stileid.u32;
	s2 =	rddreg [dreg:$0x1];
	s28 =	simm.s32 $0x3  }
0x3: {  	s30 =	simm.s32 $0x5;
	s0 =	sand.u32 $0x1, s0;
	s4 =	sshll.u32 s3, $0x1  }
0x4: {  	s31 =	simm.s32 $0x6;
	s3 =	rddreg [dreg:$0x2];
	s5 =	sor.u32 s0, s4  }
0x5: {  	s2 =	sadd.s32 $0x400, s2;
	s4 =	simm.s32 $0x0;
	s7 =	smul.u32 $0x19000, s5  }
0x6: {  	s0 =	ssub.s32 $0x2, s0;
	[smem:$0x7FF] =	sst s4;
	s8 =	smul.u32 $0x320, s5  }
0x7: {  	s6 =	smul.u32 $0x19, s5;
	s21 =	sshll.u32 s5, $0xF;
	s22 =	sshrl.u32 s0, $0x1  }
0x8: {  	s5 =	smul.u32 $0xC800, s5;
	_ =	strace $0x80000047;
	[dreg:$0x4] =	wrdreg s2  }
0x9: {  	s0 =	ssub.s32 s0, s22;
	s20 =	sor.u32 s8, s7;
	s7 =	sand.u32 $0x18000, s21  }
0xa: {  	s23 =	sadd.s32 $0x1, s6;
	s29 =	sadd.s32 $0x2, s6;
	s14 =	sadd.s32 $0x3, s6  }
0xb: {  	s5 =	sadd.s32 s3, s5;
	s17 =	sadd.s32 $0x4, s6;
	s2 =	sand.u32 $0x3E0380, s20  }
0xc: {  	s9 =	sshll.u32 s23, $0x9;
	s10 =	sshll.u32 s23, $0xC;
	s26 =	sshll.u32 s23, $0x2  }
0xd: {  	s11 =	sshll.u32 s29, $0x9;
	s12 =	sshll.u32 s29, $0xC;
	s13 =	sshll.u32 s29, $0x2  }
0xe: {  	s16 =	sshll.u32 s14, $0x9;
	[dreg:$0x8] =	wrdreg s5;
	s18 =	sshll.u32 s14, $0xC  }
0xf: {  	s19 =	sshll.u32 s17, $0xC;
	s5 =	sshll.u32 s17, $0x5;
	s20 =	sshll.u32 s14, $0x2  }
0x10: {  	s8 =	sshll.u32 s23, $0xB;
	s23 =	sshll.u32 s29, $0xB;
	s17 =	simm.s32 $0x7  }
0x11: {  	s2 =	sor.u32 s7, s2;
	s24 =	sand.u32 $0xFC000, s9;
	s25 =	sand.u32 $0x3000, s10  }
0x12: {  	s9 =	sand.u32 $0x70, s26;
	s11 =	sand.u32 $0xFC000, s11;
	s12 =	sand.u32 $0x3000, s12  }
0x13: {  	s13 =	sand.u32 $0x70, s13;
	s5 =	sor.u32 s19, s5;
	s21 =	sand.u32 $0x70, s20  }
0x14: {  	s14 =	sadd.s32 s3, s23;
	s19 =	simm.s32 $0x400;
	s10 =	simm.s32 $0x1800  }
0x15: {  	s20 =	simm.s32 $0x2800;
	s23 =	simm.s32 $0x1;
	s2 =	sshrl.u32 s2, $0x3  }
0x16: {  	s9 =	sadd.s32 s1, s9;
	s11 =	sor.u32 s12, s11;
	s12 =	sadd.s32 s1, s13  }
0x17: {  	s5 =	sand.u32 $0x7FFE0380, s5;
	s2 =	sadd.s32 s1, s2;
	s15 =	sadd.s32 s11, s12  }
0x18: {  	s5 =	sor.u32 s7, s5;
	s12 =	sadd.s32 s3, s8;
	[dreg:$0x5] =	wrdreg s2  }
0x19: {  	s2 =	sor.u32 s25, s24;
	[dreg:$0x7] =	wrdreg s15;
	s22 =	sshrl.u32 s5, $0x3  }
0x1a: {  	s24 =	sadd.s32 $0x5, s6;
	s2 =	sadd.s32 s2, s9;
	s9 =	sand.u32 $0x3000, s18  }
0x1b: {  	s13 =	sadd.s32 s1, s22;
	s25 =	sshll.u32 s24, $0x9;
	s26 =	sshll.u32 s24, $0xC  }
0x1c: {  	s5 =	sshll.u32 s24, $0x2;
	s18 =	simm.s32 $0x80;
	[dreg:$0x6] =	wrdreg s2  }
0x1d: {  	s2 =	sand.u32 $0xFC000, s16;
	s7 =	sand.u32 $0xFC000, s25;
	s8 =	sand.u32 $0x3000, s26  }
0x1e: {  	s5 =	sand.u32 $0x70, s5;
	s16 =	smax.u32 s0, $0x1;
	s25 =	simm.s32 $0x2  }
0x1f: {  	s0 =	simm.s32 $0x0;
	s2 =	sor.u32 s9, s2;
	s9 =	sadd.s32 s1, s21  }
0x20: {  	v0 =	vlaneseq.u32;
	s29 =	sor.u32 s8, s7;
	s5 =	sadd.s32 s1, s5;
	s11 =	sadd.s32 s2, s9  }
0x21: {  	v1 =	vor.u32 $0x200, v0;
	v2 =	vor.u32 $0x400, v0;
	v3 =	vor.u32 $0x600, v0;
	s15 =	sadd.s32 s29, s5;
	s9 =	simm.s32 $0x800;
	s2 =	simm.s32 $0x4  }
.LBB2_1:
0x22: {  	s5 =	rddreg [dreg:$0x4]  }
0x23: {  	[tilespmem:s4], [sflag:$0x7] =	stream.linear.gather [hbm4b:s5+s4], $0x800, $0x38;
	[tilespmem:$0xF800] =	vst v63  }
0x24: {  	_ =	swait.ge [sflag:s17], $0x800  }
0x25: {  	[sflag:s17] =	ssyncset.done $0x0  }
0x26: {  	s21 =	rddreg [dreg:$0x5];
	[sflag:s17] =	ssyncadd.s32 $0xFFFFF800  }
0x27: {  	[tilespmem:s9], [sflag:$0x1] =	stream.strided.gather [hbm4b:s21+s18], $0x1000, s19, s18, $0x38;
	[tilespmem:$0xF800] =	vst v63  }
0x28: {  	s22 =	rddreg [dreg:$0x6]  }
0x29: {  	[tilespmem:s10], [sflag:$0x2] =	stream.strided.gather [hbm4b:s22+s18], $0x1000, s19, s18, $0x38;
	[tilespmem:$0xF800] =	vst v63  }
0x2a: {  	s24 =	rddreg [dreg:$0x7]  }
0x2b: {  	[tilespmem:s20], [sflag:$0x3] =	stream.strided.gather [hbm4b:s24+s18], $0x1000, s19, s18, $0x38;
	[tilespmem:$0xF800] =	vst v63  }
0x2c: {  	_ =	swait.ge [sflag:s23], $0x1000  }
0x2d: {  	[sflag:s23] =	ssyncset.done $0x0  }
0x2e: {  	s26 =	simm.s32 $0x840;
	[sflag:s23] =	ssyncadd.s32 $0xFFFFF000  }
0x2f: {  	v4 =	vld [tilespmem:s26+$0x30]  }
0x30: {  	v5 =	vld [tilespmem:s26+$0xFFFFFFD0]  }
0x31: {  	v6 =	vld [tilespmem:s26+$0xFFFFFFE0]  }
0x32: {  	v7 =	vld [tilespmem:s26+$0xFFFFFFF0]  }
0x33: {  	v8 =	vld [tilespmem:s26+$0x0]  }
0x34: {  	v9 =	vld [tilespmem:s26+$0x10];
	v4 =	vshll.u32 v4, $0x4  }
0x35: {  	v10 =	vld [tilespmem:s26+$0x20];
	v5 =	vshll.u32 v5, $0x4;
	v11 =	vor.u32 v0, v4  }
0x36: {  	s29 =	simm.s32 $0x8C0;
	v13 =	vld [tilespmem:s26+$0xFFFFFFC0];
	v6 =	vshll.u32 v6, $0x4;
	v12 =	vor.u32 v0, v5  }
0x37: {  	v46 =	vld [tilespmem:s29+$0xFFFFFFF0];
	v7 =	vshll.u32 v7, $0x4;
	v14 =	vor.u32 v0, v6  }
0x38: {  	v47 =	vld [tilespmem:s29+$0x0];
	v8 =	vshll.u32 v8, $0x4;
	v15 =	vor.u32 v0, v7  }
0x39: {  	v51 =	vld [tilespmem:s29+$0x20];
	v9 =	vshll.u32 v9, $0x4;
	v16 =	vor.u32 v0, v8  }
0x3a: {  	v10 =	vshll.u32 v10, $0x4;
	v17 =	vor.u32 v0, v9;
	v11 =	vld.idx.msk [tilespmem:v11+s4+$0x0], $0xffff  }
0x3b: {  	v13 =	vshll.u32 v13, $0x4;
	v18 =	vor.u32 v0, v10;
	v12 =	vld.idx.msk [tilespmem:v12+s4+$0x0], $0xffff  }
0x3c: {  	v20 =	vor.u32 v0, v13;
	v14 =	vld.idx.msk [tilespmem:v14+s4+$0x0], $0xffff  }
0x3d: {  	v19 =	vadd.s32 v1, v4;
	v15 =	vld.idx.msk [tilespmem:v15+s4+$0x0], $0xffff  }
0x3e: {  	v21 =	vadd.s32 v1, v5;
	v16 =	vld.idx.msk [tilespmem:v16+s4+$0x0], $0xffff  }
0x3f: {  	s24 =	simm.s32 $0x3900;
	v22 =	vadd.s32 v1, v6;
	v17 =	vld.idx.msk [tilespmem:v17+s4+$0x0], $0xffff  }
0x40: {  	v23 =	vadd.s32 v1, v7;
	v18 =	vld.idx.msk [tilespmem:v18+s4+$0x0], $0xffff;
	[tilespmem:s24+$0xFFFFFF70] =	vst v11  }
0x41: {  	v24 =	vadd.s32 v1, v9;
	[tilespmem:s24+$0xFFFFFF10] =	vst v12;
	v12 =	vld.idx.msk [tilespmem:v20+s4+$0x0], $0xffff  }
0x42: {  	v11 =	vadd.s32 v1, v8;
	[tilespmem:s24+$0xFFFFFF20] =	vst v14;
	v19 =	vld.idx.msk [tilespmem:v19+s4+$0x0], $0xffff  }
0x43: {  	v38 =	vadd.s32 v1, v10;
	[tilespmem:s24+$0xFFFFFF30] =	vst v15;
	v14 =	vld.idx.msk [tilespmem:v21+s4+$0x0], $0xffff  }
0x44: {  	v36 =	vadd.s32 v2, v4;
	[tilespmem:s24+$0xFFFFFF40] =	vst v16;
	v15 =	vld.idx.msk [tilespmem:v22+s4+$0x0], $0xffff  }
0x45: {  	v39 =	vadd.s32 v2, v5;
	[tilespmem:s24+$0xFFFFFF50] =	vst v17;
	v16 =	vld.idx.msk [tilespmem:v23+s4+$0x0], $0xffff  }
0x46: {  	v17 =	vadd.s32 v2, v6;
	[tilespmem:s24+$0xFFFFFF60] =	vst v18;
	v24 =	vld.idx.msk [tilespmem:v24+s4+$0x0], $0xffff  }
0x47: {  	v37 =	vadd.s32 v1, v13;
	v11 =	vld.idx.msk [tilespmem:v11+s4+$0x0], $0xffff;
	[tilespmem:s24+$0xFFFFFFF0] =	vst v19  }
0x48: {  	v40 =	vadd.s32 v2, v7;
	[tilespmem:s24+$0xFFFFFF90] =	vst v14;
	v14 =	vld.idx.msk [tilespmem:v38+s4+$0x0], $0xffff  }
0x49: {  	v41 =	vadd.s32 v2, v8;
	[tilespmem:s24+$0xFFFFFF00] =	vst v12;
	v12 =	vld.idx.msk [tilespmem:v36+s4+$0x0], $0xffff  }
0x4a: {  	v44 =	vadd.s32 v2, v9;
	[tilespmem:s24+$0xFFFFFFA0] =	vst v15;
	v15 =	vld.idx.msk [tilespmem:v39+s4+$0x0], $0xffff  }
0x4b: {  	[tilespmem:s24+$0xFFFFFFB0] =	vst v16;
	v16 =	vld.idx.msk [tilespmem:v17+s4+$0x0], $0xffff;
	v17 =	vadd.s32 v2, v10  }
0x4c: {  	v4 =	vadd.s32 v3, v4;
	v42 =	vld.idx.msk [tilespmem:v37+s4+$0x0], $0xffff;
	[tilespmem:s24+$0xFFFFFFD0] =	vst v24  }
0x4d: {  	v43 =	vadd.s32 v2, v13;
	[tilespmem:s24+$0xFFFFFFC0] =	vst v11;
	v11 =	vld.idx.msk [tilespmem:v40+s4+$0x0], $0xffff  }
0x4e: {  	v5 =	vadd.s32 v3, v5;
	v45 =	vld.idx.msk [tilespmem:v41+s4+$0x0], $0xffff;
	[tilespmem:s24+$0xFFFFFFE0] =	vst v14  }
0x4f: {  	v14 =	vld.idx.msk [tilespmem:v44+s4+$0x0], $0xffff;
	[tilespmem:s24+$0x70] =	vst v12  }
0x50: {  	v6 =	vadd.s32 v3, v6;
	[tilespmem:s24+$0x10] =	vst v15;
	v15 =	vld.idx.msk [tilespmem:v17+s4+$0x0], $0xffff  }
0x51: {  	[tilespmem:s24+$0xFFFFFF80] =	vst v42;
	v12 =	vld.idx.msk [tilespmem:v4+s4+$0x0], $0xffff  }
0x52: {  	v4 =	vadd.s32 v3, v7;
	v7 =	vld.idx.msk [tilespmem:v43+s4+$0x0], $0xffff  }
0x53: {  	[tilespmem:s24+$0x20] =	vst v16;
	v16 =	vld.idx.msk [tilespmem:v5+s4+$0x0], $0xffff  }
0x54: {  	v54 =	vshll.u32 v51, $0x4;
	v5 =	vld [tilespmem:s29+$0xFFFFFFD0]  }
0x55: {  	v56 =	vor.u32 v0, v54;
	[tilespmem:s24+$0x30] =	vst v11;
	v11 =	vld.idx.msk [tilespmem:v6+s4+$0x0], $0xffff  }
0x56: {  	v6 =	vld [tilespmem:s29+$0xFFFFFFE0]  }
0x57: {  	v8 =	vadd.s32 v3, v8;
	v17 =	vld.idx.msk [tilespmem:v4+s4+$0x0], $0xffff  }
0x58: {  	v9 =	vadd.s32 v3, v9;
	v4 =	vld [tilespmem:s29+$0x30]  }
0x59: {  	v48 =	vld [tilespmem:s29+$0x10];
	v10 =	vadd.s32 v3, v10;
	[tilespmem:s24+$0x40] =	vst v45  }
0x5a: {  	v13 =	vadd.s32 v3, v13;
	v24 =	vld.idx.msk [tilespmem:v56+s4+$0x0], $0xffff;
	[tilespmem:s24+$0x50] =	vst v14;
	v50 =	vshll.u32 v5, $0x4  }
0x5b: {  	[tilespmem:s24+$0x0] =	vst v7;
	v7 =	vld [tilespmem:s29+$0xFFFFFFC0];
	v25 =	vor.u32 v0, v50;
	v26 =	vshll.u32 v6, $0x4  }
0x5c: {  	v8 =	vld.idx.msk [tilespmem:v8+s4+$0x0], $0xffff;
	[tilespmem:s24+$0x60] =	vst v15;
	v15 =	vshll.u32 v47, $0x4;
	v14 =	vor.u32 v0, v26  }
0x5d: {  	v49 =	vshll.u32 v4, $0x4;
	v4 =	vld.idx.msk [tilespmem:v9+s4+$0x0], $0xffff;
	v9 =	vor.u32 v0, v15  }
0x5e: {  	s5 =	simm.s32 $0x3B00;
	v18 =	vshll.u32 v46, $0x4;
	v5 =	vld.idx.msk [tilespmem:v10+s4+$0x0], $0xffff;
	v52 =	vor.u32 v0, v49  }
0x5f: {  	v53 =	vshll.u32 v48, $0x4;
	[tilespmem:s5+$0xFFFFFF60] =	vst v24;
	v6 =	vld.idx.msk [tilespmem:v13+s4+$0x0], $0xffff;
	v13 =	vor.u32 v0, v18  }
0x60: {  	v10 =	vor.u32 v0, v53;
	[tilespmem:s24+$0xF0] =	vst v12;
	v7 =	vshll.u32 v7, $0x4;
	v12 =	vld.idx.msk [tilespmem:v25+s4+$0x0], $0xffff  }
0x61: {  	[tilespmem:s24+$0xA0] =	vst v11;
	v11 =	vor.u32 v0, v7;
	v14 =	vld.idx.msk [tilespmem:v14+s4+$0x0], $0xffff  }
0x62: {  	[tilespmem:s24+$0xB0] =	vst v17;
	v17 =	vadd.s32 v1, v50;
	v9 =	vld.idx.msk [tilespmem:v9+s4+$0x0], $0xffff  }
0x63: {  	[tilespmem:s24+$0xC0] =	vst v8;
	v8 =	vadd.s32 v1, v26;
	v55 =	vld.idx.msk [tilespmem:v52+s4+$0x0], $0xffff  }
0x64: {  	[tilespmem:s24+$0x90] =	vst v16;
	v16 =	vadd.s32 v1, v49;
	v13 =	vld.idx.msk [tilespmem:v13+s4+$0x0], $0xffff  }
0x65: {  	v57 =	vadd.s32 v1, v18;
	v10 =	vld.idx.msk [tilespmem:v10+s4+$0x0], $0xffff;
	[tilespmem:s5+$0xFFFFFF10] =	vst v12  }
0x66: {  	v58 =	vadd.s32 v1, v15;
	v11 =	vld.idx.msk [tilespmem:v11+s4+$0x0], $0xffff;
	[tilespmem:s5+$0xFFFFFF20] =	vst v14  }
0x67: {  	v14 =	vld.idx.msk [tilespmem:v17+s4+$0x0], $0xffff;
	v17 =	vadd.s32 v1, v7;
	[tilespmem:s5+$0xFFFFFF40] =	vst v9  }
0x68: {  	v8 =	vld.idx.msk [tilespmem:v8+s4+$0x0], $0xffff;
	v9 =	vadd.s32 v1, v54;
	[tilespmem:s5+$0xFFFFFF70] =	vst v55  }
0x69: {  	[tilespmem:s5+$0xFFFFFF30] =	vst v13;
	v12 =	vld.idx.msk [tilespmem:v16+s4+$0x0], $0xffff;
	v16 =	vadd.s32 v1, v53  }
0x6a: {  	[tilespmem:s5+$0xFFFFFF50] =	vst v10;
	v13 =	vadd.s32 v2, v49;
	v25 =	vld.idx.msk [tilespmem:v57+s4+$0x0], $0xffff  }
0x6b: {  	v10 =	vadd.s32 v2, v50;
	v23 =	vld.idx.msk [tilespmem:v58+s4+$0x0], $0xffff;
	[tilespmem:s5+$0xFFFFFF00] =	vst v11  }
0x6c: {  	v59 =	vadd.s32 v2, v26;
	v17 =	vld.idx.msk [tilespmem:v17+s4+$0x0], $0xffff;
	[tilespmem:s5+$0xFFFFFF90] =	vst v14  }
0x6d: {  	v14 =	vadd.s32 v2, v7;
	[tilespmem:s5+$0xFFFFFFA0] =	vst v8;
	v8 =	vld.idx.msk [tilespmem:v9+s4+$0x0], $0xffff  }
0x6e: {  	v61 =	vadd.s32 v2, v54;
	v16 =	vld.idx.msk [tilespmem:v16+s4+$0x0], $0xffff;
	[tilespmem:s5+$0xFFFFFFF0] =	vst v12  }
0x6f: {  	[tilespmem:s5+$0xFFFFFFB0] =	vst v25;
	v12 =	vadd.s32 v2, v18;
	v11 =	vld.idx.msk [tilespmem:v13+s4+$0x0], $0xffff  }
0x70: {  	v10 =	vld.idx.msk [tilespmem:v10+s4+$0x0], $0xffff;
	[tilespmem:s5+$0xFFFFFFC0] =	vst v23;
	v13 =	vadd.s32 v2, v15  }
0x71: {  	v9 =	vadd.s32 v3, v49;
	v24 =	vld.idx.msk [tilespmem:v59+s4+$0x0], $0xffff;
	[tilespmem:s5+$0xFFFFFF80] =	vst v17  }
0x72: {  	v60 =	vadd.s32 v2, v53;
	v62 =	vld.idx.msk [tilespmem:v14+s4+$0x0], $0xffff;
	[tilespmem:s5+$0xFFFFFFE0] =	vst v8  }
0x73: {  	v63 =	vadd.s32 v3, v15;
	v15 =	vld.idx.msk [tilespmem:v61+s4+$0x0], $0xffff;
	[tilespmem:s5+$0xFFFFFFD0] =	vst v16;
	v16 =	vadd.s32 v3, v50  }
0x74: {  	v12 =	vld.idx.msk [tilespmem:v12+s4+$0x0], $0xffff;
	[tilespmem:s5+$0x70] =	vst v11;
	v11 =	vadd.s32 v3, v26  }
0x75: {  	v17 =	vadd.s32 v3, v18;
	v13 =	vld.idx.msk [tilespmem:v13+s4+$0x0], $0xffff  }
0x76: {  	[tilespmem:s5+$0x10] =	vst v10;
	v9 =	vld.idx.msk [tilespmem:v9+s4+$0x0], $0xffff  }
0x77: {  	[tilespmem:s5+$0x20] =	vst v24;
	v14 =	vld.idx.msk [tilespmem:v60+s4+$0x0], $0xffff  }
0x78: {  	[tilespmem:s5+$0x0] =	vst v62;
	v10 =	vld.idx.msk [tilespmem:v16+s4+$0x0], $0xffff  }
0x79: {  	[tilespmem:s5+$0x30] =	vst v12;
	v11 =	vld.idx.msk [tilespmem:v11+s4+$0x0], $0xffff  }
0x7a: {  	v7 =	vadd.s32 v3, v7;
	[tilespmem:s5+$0x40] =	vst v13;
	v12 =	vld.idx.msk [tilespmem:v17+s4+$0x0], $0xffff  }
0x7b: {  	s7 =	simm.s32 $0x8;
	s8 =	simm.s32 $0x940;
	v8 =	vadd.s32 v3, v54;
	[tilespmem:s5+$0xF0] =	vst v9;
	v9 =	vadd.s32 v3, v53;
	v13 =	vld.idx.msk [tilespmem:v63+s4+$0x0], $0xffff  }
.LBB2_2:
0x7c: {  	v16 =	vld [tilespmem:s8+$0x30];
	s7 =	sadd.s32 $0x8, s7;
	[tilespmem:s5+$0x50] =	vst v14  }
0x7d: {  	v14 =	vld [tilespmem:s8+$0xFFFFFFD0];
	p0 =	slt.u32 s7, $0xF8;
	[tilespmem:s5+$0x60] =	vst v15  }
0x7e: {  	v15 =	vld [tilespmem:s8+$0xFFFFFFE0];
	[tilespmem:s24+$0x80] =	vst v6  }
0x7f: {  	v6 =	vld [tilespmem:s8+$0xFFFFFFF0];
	[tilespmem:s5+$0x90] =	vst v10  }
0x80: {  	v10 =	vld [tilespmem:s8+$0x0];
	[tilespmem:s5+$0xA0] =	vst v11  }
0x81: {  	v11 =	vld [tilespmem:s8+$0x10];
	v16 =	vshll.u32 v16, $0x4;
	[tilespmem:s5+$0xB0] =	vst v12  }
0x82: {  	v12 =	vshll.u32 v14, $0x4;
	v14 =	vld [tilespmem:s8+$0x20];
	v17 =	vor.u32 v0, v16;
	[tilespmem:s5+$0xC0] =	vst v13  }
0x83: {  	v13 =	vld [tilespmem:s8+$0xFFFFFFC0];
	v18 =	vor.u32 v0, v12;
	v19 =	vadd.s32 v1, v12;
	v15 =	vshll.u32 v15, $0x4;
	[tilespmem:s24+$0xD0] =	vst v4  }
0x84: {  	v20 =	vor.u32 v0, v15;
	v21 =	vadd.s32 v1, v15;
	v22 =	vshll.u32 v6, $0x4;
	v6 =	vld.idx.msk [tilespmem:v7+s4+$0x0], $0xffff;
	[tilespmem:s24+$0xE0] =	vst v5;
	s24 =	smov.u32 s5  }
0x85: {  	v7 =	vor.u32 v0, v22;
	v23 =	vadd.s32 v1, v22;
	v10 =	vshll.u32 v10, $0x4;
	v4 =	vld.idx.msk [tilespmem:v9+s4+$0x0], $0xffff  }
0x86: {  	v9 =	vor.u32 v0, v10;
	v24 =	vadd.s32 v1, v10;
	v11 =	vshll.u32 v11, $0x4;
	v5 =	vld.idx.msk [tilespmem:v8+s4+$0x0], $0xffff  }
0x87: {  	v8 =	vor.u32 v0, v11;
	v25 =	vadd.s32 v1, v11;
	v14 =	vshll.u32 v14, $0x4;
	v17 =	vld.idx.msk [tilespmem:v17+s4+$0x0], $0xffff  }
0x88: {  	v13 =	vshll.u32 v13, $0x4;
	v18 =	vld.idx.msk [tilespmem:v18+s4+$0x0], $0xffff;
	v26 =	vor.u32 v0, v14;
	v27 =	vadd.s32 v1, v14  }
0x89: {  	v30 =	vadd.s32 v1, v16;
	v28 =	vor.u32 v0, v13;
	v29 =	vadd.s32 v1, v13;
	v20 =	vld.idx.msk [tilespmem:v20+s4+$0x0], $0xffff  }
0x8a: {  	v32 =	vadd.s32 v2, v12;
	v33 =	vadd.s32 v2, v15;
	v31 =	vadd.s32 v2, v13;
	v34 =	vld.idx.msk [tilespmem:v7+s4+$0x0], $0xffff  }
0x8b: {  	v35 =	vadd.s32 v2, v22;
	v37 =	vadd.s32 v2, v10;
	v38 =	vadd.s32 v2, v11;
	v36 =	vld.idx.msk [tilespmem:v9+s4+$0x0], $0xffff  }
0x8c: {  	v12 =	vadd.s32 v3, v12;
	s5 =	sadd.s32 $0x200, s5;
	v39 =	vadd.s32 v2, v14;
	v7 =	vadd.s32 v3, v13;
	v13 =	vld.idx.msk [tilespmem:v8+s4+$0x0], $0xffff  }
0x8d: {  	v40 =	vadd.s32 v3, v15;
	v22 =	vadd.s32 v3, v22;
	v15 =	vld.idx.msk [tilespmem:v26+s4+$0x0], $0xffff;
	[tilespmem:s5+$0xFFFFFF70] =	vst v17  }
0x8e: {  	v9 =	vadd.s32 v3, v11;
	v17 =	vadd.s32 v3, v10;
	[tilespmem:s5+$0xFFFFFF10] =	vst v18;
	v10 =	vld.idx.msk [tilespmem:v30+s4+$0x0], $0xffff  }
0x8f: {  	v8 =	vadd.s32 v3, v14;
	v11 =	vld.idx.msk [tilespmem:v28+s4+$0x0], $0xffff;
	[tilespmem:s5+$0xFFFFFF20] =	vst v20  }
0x90: {  	v18 =	vadd.s32 v2, v16;
	v14 =	vld.idx.msk [tilespmem:v19+s4+$0x0], $0xffff;
	[tilespmem:s5+$0xFFFFFF30] =	vst v34  }
0x91: {  	v19 =	vld.idx.msk [tilespmem:v21+s4+$0x0], $0xffff;
	[tilespmem:s5+$0xFFFFFF40] =	vst v36  }
0x92: {  	v20 =	vld.idx.msk [tilespmem:v23+s4+$0x0], $0xffff;
	[tilespmem:s5+$0xFFFFFF50] =	vst v13  }
0x93: {  	v13 =	vld.idx.msk [tilespmem:v24+s4+$0x0], $0xffff;
	[tilespmem:s5+$0xFFFFFF60] =	vst v15  }
0x94: {  	v15 =	vld.idx.msk [tilespmem:v25+s4+$0x0], $0xffff;
	[tilespmem:s5+$0xFFFFFFF0] =	vst v10  }
0x95: {  	[tilespmem:s5+$0xFFFFFF00] =	vst v11;
	v10 =	vld.idx.msk [tilespmem:v18+s4+$0x0], $0xffff  }
0x96: {  	v11 =	vld.idx.msk [tilespmem:v29+s4+$0x0], $0xffff;
	[tilespmem:s5+$0xFFFFFF90] =	vst v14  }
0x97: {  	v16 =	vadd.s32 v3, v16;
	[tilespmem:s5+$0xFFFFFFA0] =	vst v19;
	v14 =	vld.idx.msk [tilespmem:v27+s4+$0x0], $0xffff  }
0x98: {  	v18 =	vld.idx.msk [tilespmem:v32+s4+$0x0], $0xffff;
	[tilespmem:s5+$0xFFFFFFB0] =	vst v20  }
0x99: {  	v19 =	vld.idx.msk [tilespmem:v33+s4+$0x0], $0xffff;
	[tilespmem:s5+$0xFFFFFFC0] =	vst v13  }
0x9a: {  	v13 =	vld.idx.msk [tilespmem:v35+s4+$0x0], $0xffff;
	[tilespmem:s5+$0xFFFFFFD0] =	vst v15  }
0x9b: {  	v20 =	vld.idx.msk [tilespmem:v37+s4+$0x0], $0xffff;
	[tilespmem:s5+$0x70] =	vst v10  }
0x9c: {  	[tilespmem:s5+$0xFFFFFF80] =	vst v11;
	v16 =	vld.idx.msk [tilespmem:v16+s4+$0x0], $0xffff  }
0x9d: {  	v21 =	vld.idx.msk [tilespmem:v31+s4+$0x0], $0xffff;
	[tilespmem:s5+$0xFFFFFFE0] =	vst v14  }
0x9e: {  	[tilespmem:s5+$0x10] =	vst v18;
	v14 =	vld.idx.msk [tilespmem:v38+s4+$0x0], $0xffff  }
.Ltmp0:
0x9f: {  	[tilespmem:s5+$0x20] =	vst v19;
	v15 =	vld.idx.msk [tilespmem:v39+s4+$0x0], $0xffff;
	(pc) =	sbr.rel @p0 .LBB2_2-.Ltmp0, $4  }
0xa0: {  	v10 =	vld.idx.msk [tilespmem:v12+s4+$0x0], $0xffff;
	[tilespmem:s5+$0x30] =	vst v13  }
0xa1: {  	v11 =	vld.idx.msk [tilespmem:v40+s4+$0x0], $0xffff;
	[tilespmem:s5+$0x40] =	vst v20  }
0xa2: {  	v12 =	vld.idx.msk [tilespmem:v22+s4+$0x0], $0xffff;
	[tilespmem:s5+$0xF0] =	vst v16  }
0xa3: {  	s8 =	sadd.s32 $0x80, s8;
	[tilespmem:s5+$0x0] =	vst v21;
	v13 =	vld.idx.msk [tilespmem:v17+s4+$0x0], $0xffff  }
0xa4: {  	[tilespmem:s5+$0x50] =	vst v14  }
0xa5: {  	[tilespmem:s5+$0x60] =	vst v15  }
0xa6: {  	[tilespmem:s24+$0x80] =	vst v6  }
0xa7: {  	[tilespmem:s24+$0xD0] =	vst v4  }
0xa8: {  	v6 =	vld.idx.msk [tilespmem:v7+s4+$0x0], $0xffff;
	[tilespmem:s24+$0xE0] =	vst v5  }
0xa9: {  	[tilespmem:s5+$0x90] =	vst v10;
	v7 =	vld.idx.msk [tilespmem:v9+s4+$0x0], $0xffff  }
0xaa: {  	v8 =	vld.idx.msk [tilespmem:v8+s4+$0x0], $0xffff;
	[tilespmem:s5+$0xA0] =	vst v11  }
0xab: {  	[tilespmem:s5+$0xB0] =	vst v12  }
0xac: {  	[tilespmem:s5+$0xC0] =	vst v13  }
0xad: {  	[tilespmem:s5+$0x80] =	vst v6  }
0xae: {  	[tilespmem:s5+$0xD0] =	vst v7  }
0xaf: {  	[tilespmem:s5+$0xE0] =	vst v8  }
0xb0: {  	s7 =	simm.s32 $0x3800;
	s5 =	rddreg [dreg:$0x8]  }
0xb1: {  	[hbm4b:s5+s4] =	stream.linear.scatter [tilespmem:s7], [sflag:$0x4], $0x4000, $0x38;
	[tilespmem:$0xF800] =	vst v63  }
0xb2: {  	_ = 	snop  }
0xb3: {  	[tilespmem:s9], [sflag:$0x1] =	stream.strided.gather [hbm4b:s11+s18], $0x1000, s19, s18, $0x38;
	[tilespmem:$0xF800] =	vst v63  }
0xb4: {  	_ =	swait.ge [sflag:s25], $0x1000  }
0xb5: {  	[sflag:s25] =	ssyncset.done $0x0  }
0xb6: {  	s26 =	simm.s32 $0x1870;
	[sflag:s25] =	ssyncadd.s32 $0xFFFFF000  }
0xb7: {  	v4 =	vld [tilespmem:s26+$0x0]  }
0xb8: {  	v5 =	vld [tilespmem:s26+$0xFFFFFFA0]  }
0xb9: {  	v6 =	vld [tilespmem:s26+$0xFFFFFFB0]  }
0xba: {  	v7 =	vld [tilespmem:s26+$0xFFFFFFC0]  }
0xbb: {  	v8 =	vld [tilespmem:s26+$0xFFFFFFD0]  }
0xbc: {  	v9 =	vld [tilespmem:s26+$0xFFFFFFE0];
	v4 =	vshll.u32 v4, $0x4  }
0xbd: {  	v10 =	vld [tilespmem:s26+$0xFFFFFFF0];
	v5 =	vshll.u32 v5, $0x4;
	v11 =	vor.u32 v0, v4  }
0xbe: {  	s29 =	simm.s32 $0x18F0;
	v13 =	vld [tilespmem:s26+$0xFFFFFF90];
	v6 =	vshll.u32 v6, $0x4;
	v12 =	vor.u32 v0, v5  }
0xbf: {  	v46 =	vld [tilespmem:s29+$0xFFFFFFC0];
	v7 =	vshll.u32 v7, $0x4;
	v14 =	vor.u32 v0, v6  }
0xc0: {  	v47 =	vld [tilespmem:s29+$0xFFFFFFD0];
	v8 =	vshll.u32 v8, $0x4;
	v15 =	vor.u32 v0, v7  }
0xc1: {  	v51 =	vld [tilespmem:s29+$0xFFFFFFF0];
	v9 =	vshll.u32 v9, $0x4;
	v16 =	vor.u32 v0, v8  }
0xc2: {  	v10 =	vshll.u32 v10, $0x4;
	v17 =	vor.u32 v0, v9;
	v11 =	vld.idx.msk [tilespmem:v11+s4+$0x0], $0xffff  }
0xc3: {  	v13 =	vshll.u32 v13, $0x4;
	v18 =	vor.u32 v0, v10;
	v12 =	vld.idx.msk [tilespmem:v12+s4+$0x0], $0xffff  }
0xc4: {  	v20 =	vor.u32 v0, v13;
	v14 =	vld.idx.msk [tilespmem:v14+s4+$0x0], $0xffff  }
0xc5: {  	v19 =	vadd.s32 v1, v4;
	v15 =	vld.idx.msk [tilespmem:v15+s4+$0x0], $0xffff  }
0xc6: {  	v21 =	vadd.s32 v1, v5;
	v16 =	vld.idx.msk [tilespmem:v16+s4+$0x0], $0xffff  }
0xc7: {  	s24 =	simm.s32 $0x79F0;
	v22 =	vadd.s32 v1, v6;
	v17 =	vld.idx.msk [tilespmem:v17+s4+$0x0], $0xffff  }
0xc8: {  	v23 =	vadd.s32 v1, v7;
	v18 =	vld.idx.msk [tilespmem:v18+s4+$0x0], $0xffff;
	[tilespmem:s24+$0xFFFFFE80] =	vst v11  }
0xc9: {  	v24 =	vadd.s32 v1, v9;
	[tilespmem:s24+$0xFFFFFE20] =	vst v12;
	v12 =	vld.idx.msk [tilespmem:v20+s4+$0x0], $0xffff  }
0xca: {  	v11 =	vadd.s32 v1, v8;
	[tilespmem:s24+$0xFFFFFE30] =	vst v14;
	v19 =	vld.idx.msk [tilespmem:v19+s4+$0x0], $0xffff  }
0xcb: {  	v38 =	vadd.s32 v1, v10;
	[tilespmem:s24+$0xFFFFFE40] =	vst v15;
	v14 =	vld.idx.msk [tilespmem:v21+s4+$0x0], $0xffff  }
0xcc: {  	v36 =	vadd.s32 v2, v4;
	[tilespmem:s24+$0xFFFFFE50] =	vst v16;
	v15 =	vld.idx.msk [tilespmem:v22+s4+$0x0], $0xffff  }
0xcd: {  	v39 =	vadd.s32 v2, v5;
	[tilespmem:s24+$0xFFFFFE60] =	vst v17;
	v16 =	vld.idx.msk [tilespmem:v23+s4+$0x0], $0xffff  }
0xce: {  	v17 =	vadd.s32 v2, v6;
	[tilespmem:s24+$0xFFFFFE70] =	vst v18;
	v24 =	vld.idx.msk [tilespmem:v24+s4+$0x0], $0xffff  }
0xcf: {  	v37 =	vadd.s32 v1, v13;
	v11 =	vld.idx.msk [tilespmem:v11+s4+$0x0], $0xffff;
	[tilespmem:s24+$0xFFFFFF00] =	vst v19  }
0xd0: {  	v40 =	vadd.s32 v2, v7;
	[tilespmem:s24+$0xFFFFFEA0] =	vst v14;
	v14 =	vld.idx.msk [tilespmem:v38+s4+$0x0], $0xffff  }
0xd1: {  	v41 =	vadd.s32 v2, v8;
	[tilespmem:s24+$0xFFFFFE10] =	vst v12;
	v12 =	vld.idx.msk [tilespmem:v36+s4+$0x0], $0xffff  }
0xd2: {  	v44 =	vadd.s32 v2, v9;
	[tilespmem:s24+$0xFFFFFEB0] =	vst v15;
	v15 =	vld.idx.msk [tilespmem:v39+s4+$0x0], $0xffff  }
0xd3: {  	[tilespmem:s24+$0xFFFFFEC0] =	vst v16;
	v16 =	vld.idx.msk [tilespmem:v17+s4+$0x0], $0xffff;
	v17 =	vadd.s32 v2, v10  }
0xd4: {  	v4 =	vadd.s32 v3, v4;
	v42 =	vld.idx.msk [tilespmem:v37+s4+$0x0], $0xffff;
	[tilespmem:s24+$0xFFFFFEE0] =	vst v24  }
0xd5: {  	v43 =	vadd.s32 v2, v13;
	[tilespmem:s24+$0xFFFFFED0] =	vst v11;
	v11 =	vld.idx.msk [tilespmem:v40+s4+$0x0], $0xffff  }
0xd6: {  	v5 =	vadd.s32 v3, v5;
	v45 =	vld.idx.msk [tilespmem:v41+s4+$0x0], $0xffff;
	[tilespmem:s24+$0xFFFFFEF0] =	vst v14  }
0xd7: {  	v14 =	vld.idx.msk [tilespmem:v44+s4+$0x0], $0xffff;
	[tilespmem:s24+$0xFFFFFF80] =	vst v12  }
0xd8: {  	v6 =	vadd.s32 v3, v6;
	[tilespmem:s24+$0xFFFFFF20] =	vst v15;
	v15 =	vld.idx.msk [tilespmem:v17+s4+$0x0], $0xffff  }
0xd9: {  	[tilespmem:s24+$0xFFFFFE90] =	vst v42;
	v12 =	vld.idx.msk [tilespmem:v4+s4+$0x0], $0xffff  }
0xda: {  	v4 =	vadd.s32 v3, v7;
	v7 =	vld.idx.msk [tilespmem:v43+s4+$0x0], $0xffff  }
0xdb: {  	[tilespmem:s24+$0xFFFFFF30] =	vst v16;
	v16 =	vld.idx.msk [tilespmem:v5+s4+$0x0], $0xffff  }
0xdc: {  	v54 =	vshll.u32 v51, $0x4;
	v5 =	vld [tilespmem:s29+$0xFFFFFFA0]  }
0xdd: {  	v56 =	vor.u32 v0, v54;
	[tilespmem:s24+$0xFFFFFF40] =	vst v11;
	v11 =	vld.idx.msk [tilespmem:v6+s4+$0x0], $0xffff  }
0xde: {  	v6 =	vld [tilespmem:s29+$0xFFFFFFB0]  }
0xdf: {  	v8 =	vadd.s32 v3, v8;
	v17 =	vld.idx.msk [tilespmem:v4+s4+$0x0], $0xffff  }
0xe0: {  	v9 =	vadd.s32 v3, v9;
	v4 =	vld [tilespmem:s29+$0x0]  }
0xe1: {  	v48 =	vld [tilespmem:s29+$0xFFFFFFE0];
	v10 =	vadd.s32 v3, v10;
	[tilespmem:s24+$0xFFFFFF50] =	vst v45  }
0xe2: {  	v13 =	vadd.s32 v3, v13;
	v24 =	vld.idx.msk [tilespmem:v56+s4+$0x0], $0xffff;
	[tilespmem:s24+$0xFFFFFF60] =	vst v14;
	v50 =	vshll.u32 v5, $0x4  }
0xe3: {  	[tilespmem:s24+$0xFFFFFF10] =	vst v7;
	v7 =	vld [tilespmem:s29+$0xFFFFFF90];
	v25 =	vor.u32 v0, v50;
	v26 =	vshll.u32 v6, $0x4  }
0xe4: {  	v8 =	vld.idx.msk [tilespmem:v8+s4+$0x0], $0xffff;
	[tilespmem:s24+$0xFFFFFF70] =	vst v15;
	v15 =	vshll.u32 v47, $0x4;
	v14 =	vor.u32 v0, v26  }
0xe5: {  	v49 =	vshll.u32 v4, $0x4;
	v4 =	vld.idx.msk [tilespmem:v9+s4+$0x0], $0xffff;
	v9 =	vor.u32 v0, v15  }
0xe6: {  	s5 =	simm.s32 $0x7BF0;
	v18 =	vshll.u32 v46, $0x4;
	v5 =	vld.idx.msk [tilespmem:v10+s4+$0x0], $0xffff;
	v52 =	vor.u32 v0, v49  }
0xe7: {  	v53 =	vshll.u32 v48, $0x4;
	[tilespmem:s5+$0xFFFFFE70] =	vst v24;
	v6 =	vld.idx.msk [tilespmem:v13+s4+$0x0], $0xffff;
	v13 =	vor.u32 v0, v18  }
0xe8: {  	v10 =	vor.u32 v0, v53;
	[tilespmem:s24+$0x0] =	vst v12;
	v7 =	vshll.u32 v7, $0x4;
	v12 =	vld.idx.msk [tilespmem:v25+s4+$0x0], $0xffff  }
0xe9: {  	[tilespmem:s24+$0xFFFFFFB0] =	vst v11;
	v11 =	vor.u32 v0, v7;
	v14 =	vld.idx.msk [tilespmem:v14+s4+$0x0], $0xffff  }
0xea: {  	[tilespmem:s24+$0xFFFFFFC0] =	vst v17;
	v17 =	vadd.s32 v1, v50;
	v9 =	vld.idx.msk [tilespmem:v9+s4+$0x0], $0xffff  }
0xeb: {  	[tilespmem:s24+$0xFFFFFFD0] =	vst v8;
	v8 =	vadd.s32 v1, v26;
	v55 =	vld.idx.msk [tilespmem:v52+s4+$0x0], $0xffff  }
0xec: {  	[tilespmem:s24+$0xFFFFFFA0] =	vst v16;
	v16 =	vadd.s32 v1, v49;
	v13 =	vld.idx.msk [tilespmem:v13+s4+$0x0], $0xffff  }
0xed: {  	v57 =	vadd.s32 v1, v18;
	v10 =	vld.idx.msk [tilespmem:v10+s4+$0x0], $0xffff;
	[tilespmem:s5+$0xFFFFFE20] =	vst v12  }
0xee: {  	v58 =	vadd.s32 v1, v15;
	v11 =	vld.idx.msk [tilespmem:v11+s4+$0x0], $0xffff;
	[tilespmem:s5+$0xFFFFFE30] =	vst v14  }
0xef: {  	v14 =	vld.idx.msk [tilespmem:v17+s4+$0x0], $0xffff;
	v17 =	vadd.s32 v1, v7;
	[tilespmem:s5+$0xFFFFFE50] =	vst v9  }
0xf0: {  	v8 =	vld.idx.msk [tilespmem:v8+s4+$0x0], $0xffff;
	v9 =	vadd.s32 v1, v54;
	[tilespmem:s5+$0xFFFFFE80] =	vst v55  }
0xf1: {  	[tilespmem:s5+$0xFFFFFE40] =	vst v13;
	v12 =	vld.idx.msk [tilespmem:v16+s4+$0x0], $0xffff;
	v16 =	vadd.s32 v1, v53  }
0xf2: {  	[tilespmem:s5+$0xFFFFFE60] =	vst v10;
	v13 =	vadd.s32 v2, v49;
	v25 =	vld.idx.msk [tilespmem:v57+s4+$0x0], $0xffff  }
0xf3: {  	v10 =	vadd.s32 v2, v50;
	v23 =	vld.idx.msk [tilespmem:v58+s4+$0x0], $0xffff;
	[tilespmem:s5+$0xFFFFFE10] =	vst v11  }
0xf4: {  	v59 =	vadd.s32 v2, v26;
	v17 =	vld.idx.msk [tilespmem:v17+s4+$0x0], $0xffff;
	[tilespmem:s5+$0xFFFFFEA0] =	vst v14  }
0xf5: {  	v14 =	vadd.s32 v2, v7;
	[tilespmem:s5+$0xFFFFFEB0] =	vst v8;
	v8 =	vld.idx.msk [tilespmem:v9+s4+$0x0], $0xffff  }
0xf6: {  	v61 =	vadd.s32 v2, v54;
	v16 =	vld.idx.msk [tilespmem:v16+s4+$0x0], $0xffff;
	[tilespmem:s5+$0xFFFFFF00] =	vst v12  }
0xf7: {  	[tilespmem:s5+$0xFFFFFEC0] =	vst v25;
	v12 =	vadd.s32 v2, v18;
	v11 =	vld.idx.msk [tilespmem:v13+s4+$0x0], $0xffff  }
0xf8: {  	v10 =	vld.idx.msk [tilespmem:v10+s4+$0x0], $0xffff;
	[tilespmem:s5+$0xFFFFFED0] =	vst v23;
	v13 =	vadd.s32 v2, v15  }
0xf9: {  	v9 =	vadd.s32 v3, v49;
	v24 =	vld.idx.msk [tilespmem:v59+s4+$0x0], $0xffff;
	[tilespmem:s5+$0xFFFFFE90] =	vst v17  }
0xfa: {  	v60 =	vadd.s32 v2, v53;
	v62 =	vld.idx.msk [tilespmem:v14+s4+$0x0], $0xffff;
	[tilespmem:s5+$0xFFFFFEF0] =	vst v8  }
0xfb: {  	v63 =	vadd.s32 v3, v15;
	v15 =	vld.idx.msk [tilespmem:v61+s4+$0x0], $0xffff;
	[tilespmem:s5+$0xFFFFFEE0] =	vst v16;
	v16 =	vadd.s32 v3, v50  }
0xfc: {  	v12 =	vld.idx.msk [tilespmem:v12+s4+$0x0], $0xffff;
	[tilespmem:s5+$0xFFFFFF80] =	vst v11;
	v11 =	vadd.s32 v3, v26  }
0xfd: {  	v17 =	vadd.s32 v3, v18;
	v13 =	vld.idx.msk [tilespmem:v13+s4+$0x0], $0xffff  }
0xfe: {  	[tilespmem:s5+$0xFFFFFF20] =	vst v10;
	v9 =	vld.idx.msk [tilespmem:v9+s4+$0x0], $0xffff  }
0xff: {  	[tilespmem:s5+$0xFFFFFF30] =	vst v24;
	v14 =	vld.idx.msk [tilespmem:v60+s4+$0x0], $0xffff  }
0x100: {  	[tilespmem:s5+$0xFFFFFF10] =	vst v62;
	v10 =	vld.idx.msk [tilespmem:v16+s4+$0x0], $0xffff  }
0x101: {  	[tilespmem:s5+$0xFFFFFF40] =	vst v12;
	v11 =	vld.idx.msk [tilespmem:v11+s4+$0x0], $0xffff  }
0x102: {  	v7 =	vadd.s32 v3, v7;
	[tilespmem:s5+$0xFFFFFF50] =	vst v13;
	v12 =	vld.idx.msk [tilespmem:v17+s4+$0x0], $0xffff  }
0x103: {  	s8 =	simm.s32 $0x1970;
	s7 =	simm.s32 $0x8;
	v8 =	vadd.s32 v3, v54;
	[tilespmem:s5+$0x0] =	vst v9;
	v9 =	vadd.s32 v3, v53;
	v13 =	vld.idx.msk [tilespmem:v63+s4+$0x0], $0xffff  }
.LBB2_4:
0x104: {  	v16 =	vld [tilespmem:s8+$0x0];
	s7 =	sadd.s32 $0x8, s7;
	[tilespmem:s5+$0xFFFFFF60] =	vst v14  }
0x105: {  	v14 =	vld [tilespmem:s8+$0xFFFFFFA0];
	p0 =	slt.u32 s7, $0xF8;
	[tilespmem:s5+$0xFFFFFF70] =	vst v15  }
0x106: {  	v15 =	vld [tilespmem:s8+$0xFFFFFFB0];
	[tilespmem:s24+$0xFFFFFF90] =	vst v6  }
0x107: {  	v6 =	vld [tilespmem:s8+$0xFFFFFFC0];
	[tilespmem:s5+$0xFFFFFFA0] =	vst v10  }
0x108: {  	v10 =	vld [tilespmem:s8+$0xFFFFFFD0];
	[tilespmem:s5+$0xFFFFFFB0] =	vst v11  }
0x109: {  	v11 =	vld [tilespmem:s8+$0xFFFFFFE0];
	v16 =	vshll.u32 v16, $0x4;
	[tilespmem:s5+$0xFFFFFFC0] =	vst v12  }
0x10a: {  	v12 =	vshll.u32 v14, $0x4;
	v14 =	vld [tilespmem:s8+$0xFFFFFFF0];
	v17 =	vor.u32 v0, v16;
	[tilespmem:s5+$0xFFFFFFD0] =	vst v13  }
0x10b: {  	v13 =	vld [tilespmem:s8+$0xFFFFFF90];
	v18 =	vor.u32 v0, v12;
	v19 =	vadd.s32 v1, v12;
	v15 =	vshll.u32 v15, $0x4;
	[tilespmem:s24+$0xFFFFFFE0] =	vst v4  }
0x10c: {  	v20 =	vor.u32 v0, v15;
	v21 =	vadd.s32 v1, v15;
	v22 =	vshll.u32 v6, $0x4;
	v6 =	vld.idx.msk [tilespmem:v7+s4+$0x0], $0xffff;
	[tilespmem:s24+$0xFFFFFFF0] =	vst v5;
	s24 =	smov.u32 s5  }
0x10d: {  	v7 =	vor.u32 v0, v22;
	v23 =	vadd.s32 v1, v22;
	v10 =	vshll.u32 v10, $0x4;
	v4 =	vld.idx.msk [tilespmem:v9+s4+$0x0], $0xffff  }
0x10e: {  	v9 =	vor.u32 v0, v10;
	v24 =	vadd.s32 v1, v10;
	v11 =	vshll.u32 v11, $0x4;
	v5 =	vld.idx.msk [tilespmem:v8+s4+$0x0], $0xffff  }
0x10f: {  	v8 =	vor.u32 v0, v11;
	v25 =	vadd.s32 v1, v11;
	v14 =	vshll.u32 v14, $0x4;
	v17 =	vld.idx.msk [tilespmem:v17+s4+$0x0], $0xffff  }
0x110: {  	v13 =	vshll.u32 v13, $0x4;
	v18 =	vld.idx.msk [tilespmem:v18+s4+$0x0], $0xffff;
	v26 =	vor.u32 v0, v14;
	v27 =	vadd.s32 v1, v14  }
0x111: {  	v30 =	vadd.s32 v1, v16;
	v28 =	vor.u32 v0, v13;
	v29 =	vadd.s32 v1, v13;
	v20 =	vld.idx.msk [tilespmem:v20+s4+$0x0], $0xffff  }
0x112: {  	v32 =	vadd.s32 v2, v12;
	v33 =	vadd.s32 v2, v15;
	v31 =	vadd.s32 v2, v13;
	v34 =	vld.idx.msk [tilespmem:v7+s4+$0x0], $0xffff  }
0x113: {  	v35 =	vadd.s32 v2, v22;
	v37 =	vadd.s32 v2, v10;
	v38 =	vadd.s32 v2, v11;
	v36 =	vld.idx.msk [tilespmem:v9+s4+$0x0], $0xffff  }
0x114: {  	v12 =	vadd.s32 v3, v12;
	s5 =	sadd.s32 $0x200, s5;
	v39 =	vadd.s32 v2, v14;
	v7 =	vadd.s32 v3, v13;
	v13 =	vld.idx.msk [tilespmem:v8+s4+$0x0], $0xffff  }
0x115: {  	v40 =	vadd.s32 v3, v15;
	v22 =	vadd.s32 v3, v22;
	v15 =	vld.idx.msk [tilespmem:v26+s4+$0x0], $0xffff;
	[tilespmem:s5+$0xFFFFFE80] =	vst v17  }
0x116: {  	v9 =	vadd.s32 v3, v11;
	v17 =	vadd.s32 v3, v10;
	[tilespmem:s5+$0xFFFFFE20] =	vst v18;
	v10 =	vld.idx.msk [tilespmem:v30+s4+$0x0], $0xffff  }
0x117: {  	v8 =	vadd.s32 v3, v14;
	v11 =	vld.idx.msk [tilespmem:v28+s4+$0x0], $0xffff;
	[tilespmem:s5+$0xFFFFFE30] =	vst v20  }
0x118: {  	v18 =	vadd.s32 v2, v16;
	v14 =	vld.idx.msk [tilespmem:v19+s4+$0x0], $0xffff;
	[tilespmem:s5+$0xFFFFFE40] =	vst v34  }
0x119: {  	v19 =	vld.idx.msk [tilespmem:v21+s4+$0x0], $0xffff;
	[tilespmem:s5+$0xFFFFFE50] =	vst v36  }
0x11a: {  	v20 =	vld.idx.msk [tilespmem:v23+s4+$0x0], $0xffff;
	[tilespmem:s5+$0xFFFFFE60] =	vst v13  }
0x11b: {  	v13 =	vld.idx.msk [tilespmem:v24+s4+$0x0], $0xffff;
	[tilespmem:s5+$0xFFFFFE70] =	vst v15  }
0x11c: {  	v15 =	vld.idx.msk [tilespmem:v25+s4+$0x0], $0xffff;
	[tilespmem:s5+$0xFFFFFF00] =	vst v10  }
0x11d: {  	[tilespmem:s5+$0xFFFFFE10] =	vst v11;
	v10 =	vld.idx.msk [tilespmem:v18+s4+$0x0], $0xffff  }
0x11e: {  	v11 =	vld.idx.msk [tilespmem:v29+s4+$0x0], $0xffff;
	[tilespmem:s5+$0xFFFFFEA0] =	vst v14  }
0x11f: {  	v16 =	vadd.s32 v3, v16;
	[tilespmem:s5+$0xFFFFFEB0] =	vst v19;
	v14 =	vld.idx.msk [tilespmem:v27+s4+$0x0], $0xffff  }
0x120: {  	v18 =	vld.idx.msk [tilespmem:v32+s4+$0x0], $0xffff;
	[tilespmem:s5+$0xFFFFFEC0] =	vst v20  }
0x121: {  	v19 =	vld.idx.msk [tilespmem:v33+s4+$0x0], $0xffff;
	[tilespmem:s5+$0xFFFFFED0] =	vst v13  }
0x122: {  	v13 =	vld.idx.msk [tilespmem:v35+s4+$0x0], $0xffff;
	[tilespmem:s5+$0xFFFFFEE0] =	vst v15  }
0x123: {  	v20 =	vld.idx.msk [tilespmem:v37+s4+$0x0], $0xffff;
	[tilespmem:s5+$0xFFFFFF80] =	vst v10  }
0x124: {  	[tilespmem:s5+$0xFFFFFE90] =	vst v11;
	v16 =	vld.idx.msk [tilespmem:v16+s4+$0x0], $0xffff  }
0x125: {  	v21 =	vld.idx.msk [tilespmem:v31+s4+$0x0], $0xffff;
	[tilespmem:s5+$0xFFFFFEF0] =	vst v14  }
0x126: {  	[tilespmem:s5+$0xFFFFFF20] =	vst v18;
	v14 =	vld.idx.msk [tilespmem:v38+s4+$0x0], $0xffff  }
.Ltmp1:
0x127: {  	[tilespmem:s5+$0xFFFFFF30] =	vst v19;
	v15 =	vld.idx.msk [tilespmem:v39+s4+$0x0], $0xffff;
	(pc) =	sbr.rel @p0 .LBB2_4-.Ltmp1, $4  }
0x128: {  	v10 =	vld.idx.msk [tilespmem:v12+s4+$0x0], $0xffff;
	[tilespmem:s5+$0xFFFFFF40] =	vst v13  }
0x129: {  	v11 =	vld.idx.msk [tilespmem:v40+s4+$0x0], $0xffff;
	[tilespmem:s5+$0xFFFFFF50] =	vst v20  }
0x12a: {  	v12 =	vld.idx.msk [tilespmem:v22+s4+$0x0], $0xffff;
	[tilespmem:s5+$0x0] =	vst v16  }
0x12b: {  	s8 =	sadd.s32 $0x80, s8;
	[tilespmem:s5+$0xFFFFFF10] =	vst v21;
	v13 =	vld.idx.msk [tilespmem:v17+s4+$0x0], $0xffff  }
0x12c: {  	[tilespmem:s5+$0xFFFFFF60] =	vst v14  }
0x12d: {  	[tilespmem:s5+$0xFFFFFF70] =	vst v15  }
0x12e: {  	[tilespmem:s24+$0xFFFFFF90] =	vst v6  }
0x12f: {  	[tilespmem:s24+$0xFFFFFFE0] =	vst v4  }
0x130: {  	v6 =	vld.idx.msk [tilespmem:v7+s4+$0x0], $0xffff;
	[tilespmem:s24+$0xFFFFFFF0] =	vst v5  }
0x131: {  	[tilespmem:s5+$0xFFFFFFA0] =	vst v10;
	v7 =	vld.idx.msk [tilespmem:v9+s4+$0x0], $0xffff  }
0x132: {  	v8 =	vld.idx.msk [tilespmem:v8+s4+$0x0], $0xffff;
	[tilespmem:s5+$0xFFFFFFB0] =	vst v11  }
0x133: {  	[tilespmem:s5+$0xFFFFFFC0] =	vst v12  }
0x134: {  	[tilespmem:s5+$0xFFFFFFD0] =	vst v13  }
0x135: {  	[tilespmem:s5+$0xFFFFFF90] =	vst v6  }
0x136: {  	[tilespmem:s5+$0xFFFFFFE0] =	vst v7  }
0x137: {  	s24 =	simm.s32 $0x7800;
	[tilespmem:s5+$0xFFFFFFF0] =	vst v8  }
0x138: {  	[hbm4b:s12+s4] =	stream.linear.scatter [tilespmem:s24], [sflag:$0x5], $0x4000, $0x38;
	[tilespmem:$0xF800] =	vst v63  }
0x139: {  	_ = 	snop  }
0x13a: {  	[tilespmem:s10], [sflag:$0x2] =	stream.strided.gather [hbm4b:s13+s18], $0x1000, s19, s18, $0x38;
	[tilespmem:$0xF800] =	vst v63  }
0x13b: {  	_ =	swait.ge [sflag:s28], $0x1000  }
0x13c: {  	[sflag:s28] =	ssyncset.done $0x0  }
0x13d: {  	s26 =	simm.s32 $0x2870;
	[sflag:s28] =	ssyncadd.s32 $0xFFFFF000  }
0x13e: {  	v4 =	vld [tilespmem:s26+$0x0]  }
0x13f: {  	v5 =	vld [tilespmem:s26+$0xFFFFFFA0]  }
0x140: {  	v6 =	vld [tilespmem:s26+$0xFFFFFFB0]  }
0x141: {  	v7 =	vld [tilespmem:s26+$0xFFFFFFC0]  }
0x142: {  	v8 =	vld [tilespmem:s26+$0xFFFFFFD0]  }
0x143: {  	v9 =	vld [tilespmem:s26+$0xFFFFFFE0];
	v4 =	vshll.u32 v4, $0x4  }
0x144: {  	v10 =	vld [tilespmem:s26+$0xFFFFFFF0];
	v5 =	vshll.u32 v5, $0x4;
	v11 =	vor.u32 v0, v4  }
0x145: {  	s29 =	simm.s32 $0x28F0;
	v13 =	vld [tilespmem:s26+$0xFFFFFF90];
	v6 =	vshll.u32 v6, $0x4;
	v12 =	vor.u32 v0, v5  }
0x146: {  	v46 =	vld [tilespmem:s29+$0xFFFFFFC0];
	v7 =	vshll.u32 v7, $0x4;
	v14 =	vor.u32 v0, v6  }
0x147: {  	v47 =	vld [tilespmem:s29+$0xFFFFFFD0];
	v8 =	vshll.u32 v8, $0x4;
	v15 =	vor.u32 v0, v7  }
0x148: {  	v51 =	vld [tilespmem:s29+$0xFFFFFFF0];
	v9 =	vshll.u32 v9, $0x4;
	v16 =	vor.u32 v0, v8  }
0x149: {  	v10 =	vshll.u32 v10, $0x4;
	v17 =	vor.u32 v0, v9;
	v11 =	vld.idx.msk [tilespmem:v11+s4+$0x0], $0xffff  }
0x14a: {  	v13 =	vshll.u32 v13, $0x4;
	v18 =	vor.u32 v0, v10;
	v12 =	vld.idx.msk [tilespmem:v12+s4+$0x0], $0xffff  }
0x14b: {  	v20 =	vor.u32 v0, v13;
	v14 =	vld.idx.msk [tilespmem:v14+s4+$0x0], $0xffff  }
0x14c: {  	v19 =	vadd.s32 v1, v4;
	v15 =	vld.idx.msk [tilespmem:v15+s4+$0x0], $0xffff  }
0x14d: {  	v21 =	vadd.s32 v1, v5;
	v16 =	vld.idx.msk [tilespmem:v16+s4+$0x0], $0xffff  }
0x14e: {  	s24 =	simm.s32 $0xB9F0;
	v22 =	vadd.s32 v1, v6;
	v17 =	vld.idx.msk [tilespmem:v17+s4+$0x0], $0xffff  }
0x14f: {  	v23 =	vadd.s32 v1, v7;
	v18 =	vld.idx.msk [tilespmem:v18+s4+$0x0], $0xffff;
	[tilespmem:s24+$0xFFFFFE80] =	vst v11  }
0x150: {  	v24 =	vadd.s32 v1, v9;
	[tilespmem:s24+$0xFFFFFE20] =	vst v12;
	v12 =	vld.idx.msk [tilespmem:v20+s4+$0x0], $0xffff  }
0x151: {  	v11 =	vadd.s32 v1, v8;
	[tilespmem:s24+$0xFFFFFE30] =	vst v14;
	v19 =	vld.idx.msk [tilespmem:v19+s4+$0x0], $0xffff  }
0x152: {  	v38 =	vadd.s32 v1, v10;
	[tilespmem:s24+$0xFFFFFE40] =	vst v15;
	v14 =	vld.idx.msk [tilespmem:v21+s4+$0x0], $0xffff  }
0x153: {  	v36 =	vadd.s32 v2, v4;
	[tilespmem:s24+$0xFFFFFE50] =	vst v16;
	v15 =	vld.idx.msk [tilespmem:v22+s4+$0x0], $0xffff  }
0x154: {  	v39 =	vadd.s32 v2, v5;
	[tilespmem:s24+$0xFFFFFE60] =	vst v17;
	v16 =	vld.idx.msk [tilespmem:v23+s4+$0x0], $0xffff  }
0x155: {  	v17 =	vadd.s32 v2, v6;
	[tilespmem:s24+$0xFFFFFE70] =	vst v18;
	v24 =	vld.idx.msk [tilespmem:v24+s4+$0x0], $0xffff  }
0x156: {  	v37 =	vadd.s32 v1, v13;
	v11 =	vld.idx.msk [tilespmem:v11+s4+$0x0], $0xffff;
	[tilespmem:s24+$0xFFFFFF00] =	vst v19  }
0x157: {  	v40 =	vadd.s32 v2, v7;
	[tilespmem:s24+$0xFFFFFEA0] =	vst v14;
	v14 =	vld.idx.msk [tilespmem:v38+s4+$0x0], $0xffff  }
0x158: {  	v41 =	vadd.s32 v2, v8;
	[tilespmem:s24+$0xFFFFFE10] =	vst v12;
	v12 =	vld.idx.msk [tilespmem:v36+s4+$0x0], $0xffff  }
0x159: {  	v44 =	vadd.s32 v2, v9;
	[tilespmem:s24+$0xFFFFFEB0] =	vst v15;
	v15 =	vld.idx.msk [tilespmem:v39+s4+$0x0], $0xffff  }
0x15a: {  	[tilespmem:s24+$0xFFFFFEC0] =	vst v16;
	v16 =	vld.idx.msk [tilespmem:v17+s4+$0x0], $0xffff;
	v17 =	vadd.s32 v2, v10  }
0x15b: {  	v4 =	vadd.s32 v3, v4;
	v42 =	vld.idx.msk [tilespmem:v37+s4+$0x0], $0xffff;
	[tilespmem:s24+$0xFFFFFEE0] =	vst v24  }
0x15c: {  	v43 =	vadd.s32 v2, v13;
	[tilespmem:s24+$0xFFFFFED0] =	vst v11;
	v11 =	vld.idx.msk [tilespmem:v40+s4+$0x0], $0xffff  }
0x15d: {  	v5 =	vadd.s32 v3, v5;
	v45 =	vld.idx.msk [tilespmem:v41+s4+$0x0], $0xffff;
	[tilespmem:s24+$0xFFFFFEF0] =	vst v14  }
0x15e: {  	v14 =	vld.idx.msk [tilespmem:v44+s4+$0x0], $0xffff;
	[tilespmem:s24+$0xFFFFFF80] =	vst v12  }
0x15f: {  	v6 =	vadd.s32 v3, v6;
	[tilespmem:s24+$0xFFFFFF20] =	vst v15;
	v15 =	vld.idx.msk [tilespmem:v17+s4+$0x0], $0xffff  }
0x160: {  	[tilespmem:s24+$0xFFFFFE90] =	vst v42;
	v12 =	vld.idx.msk [tilespmem:v4+s4+$0x0], $0xffff  }
0x161: {  	v4 =	vadd.s32 v3, v7;
	v7 =	vld.idx.msk [tilespmem:v43+s4+$0x0], $0xffff  }
0x162: {  	[tilespmem:s24+$0xFFFFFF30] =	vst v16;
	v16 =	vld.idx.msk [tilespmem:v5+s4+$0x0], $0xffff  }
0x163: {  	v54 =	vshll.u32 v51, $0x4;
	v5 =	vld [tilespmem:s29+$0xFFFFFFA0]  }
0x164: {  	v56 =	vor.u32 v0, v54;
	[tilespmem:s24+$0xFFFFFF40] =	vst v11;
	v11 =	vld.idx.msk [tilespmem:v6+s4+$0x0], $0xffff  }
0x165: {  	v6 =	vld [tilespmem:s29+$0xFFFFFFB0]  }
0x166: {  	v8 =	vadd.s32 v3, v8;
	v17 =	vld.idx.msk [tilespmem:v4+s4+$0x0], $0xffff  }
0x167: {  	v9 =	vadd.s32 v3, v9;
	v4 =	vld [tilespmem:s29+$0x0]  }
0x168: {  	v48 =	vld [tilespmem:s29+$0xFFFFFFE0];
	v10 =	vadd.s32 v3, v10;
	[tilespmem:s24+$0xFFFFFF50] =	vst v45  }
0x169: {  	v13 =	vadd.s32 v3, v13;
	v24 =	vld.idx.msk [tilespmem:v56+s4+$0x0], $0xffff;
	[tilespmem:s24+$0xFFFFFF60] =	vst v14;
	v50 =	vshll.u32 v5, $0x4  }
0x16a: {  	[tilespmem:s24+$0xFFFFFF10] =	vst v7;
	v7 =	vld [tilespmem:s29+$0xFFFFFF90];
	v25 =	vor.u32 v0, v50;
	v26 =	vshll.u32 v6, $0x4  }
0x16b: {  	v8 =	vld.idx.msk [tilespmem:v8+s4+$0x0], $0xffff;
	[tilespmem:s24+$0xFFFFFF70] =	vst v15;
	v15 =	vshll.u32 v47, $0x4;
	v14 =	vor.u32 v0, v26  }
0x16c: {  	v49 =	vshll.u32 v4, $0x4;
	v4 =	vld.idx.msk [tilespmem:v9+s4+$0x0], $0xffff;
	v9 =	vor.u32 v0, v15  }
0x16d: {  	s5 =	simm.s32 $0xBBF0;
	v18 =	vshll.u32 v46, $0x4;
	v5 =	vld.idx.msk [tilespmem:v10+s4+$0x0], $0xffff;
	v52 =	vor.u32 v0, v49  }
0x16e: {  	v53 =	vshll.u32 v48, $0x4;
	[tilespmem:s5+$0xFFFFFE70] =	vst v24;
	v6 =	vld.idx.msk [tilespmem:v13+s4+$0x0], $0xffff;
	v13 =	vor.u32 v0, v18  }
0x16f: {  	v10 =	vor.u32 v0, v53;
	[tilespmem:s24+$0x0] =	vst v12;
	v7 =	vshll.u32 v7, $0x4;
	v12 =	vld.idx.msk [tilespmem:v25+s4+$0x0], $0xffff  }
0x170: {  	[tilespmem:s24+$0xFFFFFFB0] =	vst v11;
	v11 =	vor.u32 v0, v7;
	v14 =	vld.idx.msk [tilespmem:v14+s4+$0x0], $0xffff  }
0x171: {  	[tilespmem:s24+$0xFFFFFFC0] =	vst v17;
	v17 =	vadd.s32 v1, v50;
	v9 =	vld.idx.msk [tilespmem:v9+s4+$0x0], $0xffff  }
0x172: {  	[tilespmem:s24+$0xFFFFFFD0] =	vst v8;
	v8 =	vadd.s32 v1, v26;
	v55 =	vld.idx.msk [tilespmem:v52+s4+$0x0], $0xffff  }
0x173: {  	[tilespmem:s24+$0xFFFFFFA0] =	vst v16;
	v16 =	vadd.s32 v1, v49;
	v13 =	vld.idx.msk [tilespmem:v13+s4+$0x0], $0xffff  }
0x174: {  	v57 =	vadd.s32 v1, v18;
	v10 =	vld.idx.msk [tilespmem:v10+s4+$0x0], $0xffff;
	[tilespmem:s5+$0xFFFFFE20] =	vst v12  }
0x175: {  	v58 =	vadd.s32 v1, v15;
	v11 =	vld.idx.msk [tilespmem:v11+s4+$0x0], $0xffff;
	[tilespmem:s5+$0xFFFFFE30] =	vst v14  }
0x176: {  	v14 =	vld.idx.msk [tilespmem:v17+s4+$0x0], $0xffff;
	v17 =	vadd.s32 v1, v7;
	[tilespmem:s5+$0xFFFFFE50] =	vst v9  }
0x177: {  	v8 =	vld.idx.msk [tilespmem:v8+s4+$0x0], $0xffff;
	v9 =	vadd.s32 v1, v54;
	[tilespmem:s5+$0xFFFFFE80] =	vst v55  }
0x178: {  	[tilespmem:s5+$0xFFFFFE40] =	vst v13;
	v12 =	vld.idx.msk [tilespmem:v16+s4+$0x0], $0xffff;
	v16 =	vadd.s32 v1, v53  }
0x179: {  	[tilespmem:s5+$0xFFFFFE60] =	vst v10;
	v13 =	vadd.s32 v2, v49;
	v25 =	vld.idx.msk [tilespmem:v57+s4+$0x0], $0xffff  }
0x17a: {  	v10 =	vadd.s32 v2, v50;
	v23 =	vld.idx.msk [tilespmem:v58+s4+$0x0], $0xffff;
	[tilespmem:s5+$0xFFFFFE10] =	vst v11  }
0x17b: {  	v59 =	vadd.s32 v2, v26;
	v17 =	vld.idx.msk [tilespmem:v17+s4+$0x0], $0xffff;
	[tilespmem:s5+$0xFFFFFEA0] =	vst v14  }
0x17c: {  	v14 =	vadd.s32 v2, v7;
	[tilespmem:s5+$0xFFFFFEB0] =	vst v8;
	v8 =	vld.idx.msk [tilespmem:v9+s4+$0x0], $0xffff  }
0x17d: {  	v61 =	vadd.s32 v2, v54;
	v16 =	vld.idx.msk [tilespmem:v16+s4+$0x0], $0xffff;
	[tilespmem:s5+$0xFFFFFF00] =	vst v12  }
0x17e: {  	[tilespmem:s5+$0xFFFFFEC0] =	vst v25;
	v12 =	vadd.s32 v2, v18;
	v11 =	vld.idx.msk [tilespmem:v13+s4+$0x0], $0xffff  }
0x17f: {  	v10 =	vld.idx.msk [tilespmem:v10+s4+$0x0], $0xffff;
	[tilespmem:s5+$0xFFFFFED0] =	vst v23;
	v13 =	vadd.s32 v2, v15  }
0x180: {  	v9 =	vadd.s32 v3, v49;
	v24 =	vld.idx.msk [tilespmem:v59+s4+$0x0], $0xffff;
	[tilespmem:s5+$0xFFFFFE90] =	vst v17  }
0x181: {  	v60 =	vadd.s32 v2, v53;
	v62 =	vld.idx.msk [tilespmem:v14+s4+$0x0], $0xffff;
	[tilespmem:s5+$0xFFFFFEF0] =	vst v8  }
0x182: {  	v63 =	vadd.s32 v3, v15;
	v15 =	vld.idx.msk [tilespmem:v61+s4+$0x0], $0xffff;
	[tilespmem:s5+$0xFFFFFEE0] =	vst v16;
	v16 =	vadd.s32 v3, v50  }
0x183: {  	v12 =	vld.idx.msk [tilespmem:v12+s4+$0x0], $0xffff;
	[tilespmem:s5+$0xFFFFFF80] =	vst v11;
	v11 =	vadd.s32 v3, v26  }
0x184: {  	v17 =	vadd.s32 v3, v18;
	v13 =	vld.idx.msk [tilespmem:v13+s4+$0x0], $0xffff  }
0x185: {  	[tilespmem:s5+$0xFFFFFF20] =	vst v10;
	v9 =	vld.idx.msk [tilespmem:v9+s4+$0x0], $0xffff  }
0x186: {  	[tilespmem:s5+$0xFFFFFF30] =	vst v24;
	v14 =	vld.idx.msk [tilespmem:v60+s4+$0x0], $0xffff  }
0x187: {  	[tilespmem:s5+$0xFFFFFF10] =	vst v62;
	v10 =	vld.idx.msk [tilespmem:v16+s4+$0x0], $0xffff  }
0x188: {  	[tilespmem:s5+$0xFFFFFF40] =	vst v12;
	v11 =	vld.idx.msk [tilespmem:v11+s4+$0x0], $0xffff  }
0x189: {  	v7 =	vadd.s32 v3, v7;
	[tilespmem:s5+$0xFFFFFF50] =	vst v13;
	v12 =	vld.idx.msk [tilespmem:v17+s4+$0x0], $0xffff  }
0x18a: {  	s7 =	simm.s32 $0x8;
	s8 =	simm.s32 $0x2970;
	v8 =	vadd.s32 v3, v54;
	[tilespmem:s5+$0x0] =	vst v9;
	v9 =	vadd.s32 v3, v53;
	v13 =	vld.idx.msk [tilespmem:v63+s4+$0x0], $0xffff  }
.LBB2_6:
0x18b: {  	v16 =	vld [tilespmem:s8+$0x0];
	s7 =	sadd.s32 $0x8, s7;
	[tilespmem:s5+$0xFFFFFF60] =	vst v14  }
0x18c: {  	v14 =	vld [tilespmem:s8+$0xFFFFFFA0];
	p0 =	slt.u32 s7, $0xF8;
	[tilespmem:s5+$0xFFFFFF70] =	vst v15  }
0x18d: {  	v15 =	vld [tilespmem:s8+$0xFFFFFFB0];
	[tilespmem:s24+$0xFFFFFF90] =	vst v6  }
0x18e: {  	v6 =	vld [tilespmem:s8+$0xFFFFFFC0];
	[tilespmem:s5+$0xFFFFFFA0] =	vst v10  }
0x18f: {  	v10 =	vld [tilespmem:s8+$0xFFFFFFD0];
	[tilespmem:s5+$0xFFFFFFB0] =	vst v11  }
0x190: {  	v11 =	vld [tilespmem:s8+$0xFFFFFFE0];
	v16 =	vshll.u32 v16, $0x4;
	[tilespmem:s5+$0xFFFFFFC0] =	vst v12  }
0x191: {  	v12 =	vshll.u32 v14, $0x4;
	v14 =	vld [tilespmem:s8+$0xFFFFFFF0];
	v17 =	vor.u32 v0, v16;
	[tilespmem:s5+$0xFFFFFFD0] =	vst v13  }
0x192: {  	v13 =	vld [tilespmem:s8+$0xFFFFFF90];
	v18 =	vor.u32 v0, v12;
	v19 =	vadd.s32 v1, v12;
	v15 =	vshll.u32 v15, $0x4;
	[tilespmem:s24+$0xFFFFFFE0] =	vst v4  }
0x193: {  	v20 =	vor.u32 v0, v15;
	v21 =	vadd.s32 v1, v15;
	v22 =	vshll.u32 v6, $0x4;
	v6 =	vld.idx.msk [tilespmem:v7+s4+$0x0], $0xffff;
	[tilespmem:s24+$0xFFFFFFF0] =	vst v5;
	s24 =	smov.u32 s5  }
0x194: {  	v7 =	vor.u32 v0, v22;
	v23 =	vadd.s32 v1, v22;
	v10 =	vshll.u32 v10, $0x4;
	v4 =	vld.idx.msk [tilespmem:v9+s4+$0x0], $0xffff  }
0x195: {  	v9 =	vor.u32 v0, v10;
	v24 =	vadd.s32 v1, v10;
	v11 =	vshll.u32 v11, $0x4;
	v5 =	vld.idx.msk [tilespmem:v8+s4+$0x0], $0xffff  }
0x196: {  	v8 =	vor.u32 v0, v11;
	v25 =	vadd.s32 v1, v11;
	v14 =	vshll.u32 v14, $0x4;
	v17 =	vld.idx.msk [tilespmem:v17+s4+$0x0], $0xffff  }
0x197: {  	v13 =	vshll.u32 v13, $0x4;
	v18 =	vld.idx.msk [tilespmem:v18+s4+$0x0], $0xffff;
	v26 =	vor.u32 v0, v14;
	v27 =	vadd.s32 v1, v14  }
0x198: {  	v30 =	vadd.s32 v1, v16;
	v28 =	vor.u32 v0, v13;
	v29 =	vadd.s32 v1, v13;
	v20 =	vld.idx.msk [tilespmem:v20+s4+$0x0], $0xffff  }
0x199: {  	v32 =	vadd.s32 v2, v12;
	v33 =	vadd.s32 v2, v15;
	v31 =	vadd.s32 v2, v13;
	v34 =	vld.idx.msk [tilespmem:v7+s4+$0x0], $0xffff  }
0x19a: {  	v35 =	vadd.s32 v2, v22;
	v37 =	vadd.s32 v2, v10;
	v38 =	vadd.s32 v2, v11;
	v36 =	vld.idx.msk [tilespmem:v9+s4+$0x0], $0xffff  }
0x19b: {  	v12 =	vadd.s32 v3, v12;
	s5 =	sadd.s32 $0x200, s5;
	v39 =	vadd.s32 v2, v14;
	v7 =	vadd.s32 v3, v13;
	v13 =	vld.idx.msk [tilespmem:v8+s4+$0x0], $0xffff  }
0x19c: {  	v40 =	vadd.s32 v3, v15;
	v22 =	vadd.s32 v3, v22;
	v15 =	vld.idx.msk [tilespmem:v26+s4+$0x0], $0xffff;
	[tilespmem:s5+$0xFFFFFE80] =	vst v17  }
0x19d: {  	v9 =	vadd.s32 v3, v11;
	v17 =	vadd.s32 v3, v10;
	[tilespmem:s5+$0xFFFFFE20] =	vst v18;
	v10 =	vld.idx.msk [tilespmem:v30+s4+$0x0], $0xffff  }
0x19e: {  	v8 =	vadd.s32 v3, v14;
	v11 =	vld.idx.msk [tilespmem:v28+s4+$0x0], $0xffff;
	[tilespmem:s5+$0xFFFFFE30] =	vst v20  }
0x19f: {  	v18 =	vadd.s32 v2, v16;
	v14 =	vld.idx.msk [tilespmem:v19+s4+$0x0], $0xffff;
	[tilespmem:s5+$0xFFFFFE40] =	vst v34  }
0x1a0: {  	v19 =	vld.idx.msk [tilespmem:v21+s4+$0x0], $0xffff;
	[tilespmem:s5+$0xFFFFFE50] =	vst v36  }
0x1a1: {  	v20 =	vld.idx.msk [tilespmem:v23+s4+$0x0], $0xffff;
	[tilespmem:s5+$0xFFFFFE60] =	vst v13  }
0x1a2: {  	v13 =	vld.idx.msk [tilespmem:v24+s4+$0x0], $0xffff;
	[tilespmem:s5+$0xFFFFFE70] =	vst v15  }
0x1a3: {  	v15 =	vld.idx.msk [tilespmem:v25+s4+$0x0], $0xffff;
	[tilespmem:s5+$0xFFFFFF00] =	vst v10  }
0x1a4: {  	[tilespmem:s5+$0xFFFFFE10] =	vst v11;
	v10 =	vld.idx.msk [tilespmem:v18+s4+$0x0], $0xffff  }
0x1a5: {  	v11 =	vld.idx.msk [tilespmem:v29+s4+$0x0], $0xffff;
	[tilespmem:s5+$0xFFFFFEA0] =	vst v14  }
0x1a6: {  	v16 =	vadd.s32 v3, v16;
	[tilespmem:s5+$0xFFFFFEB0] =	vst v19;
	v14 =	vld.idx.msk [tilespmem:v27+s4+$0x0], $0xffff  }
0x1a7: {  	v18 =	vld.idx.msk [tilespmem:v32+s4+$0x0], $0xffff;
	[tilespmem:s5+$0xFFFFFEC0] =	vst v20  }
0x1a8: {  	v19 =	vld.idx.msk [tilespmem:v33+s4+$0x0], $0xffff;
	[tilespmem:s5+$0xFFFFFED0] =	vst v13  }
0x1a9: {  	v13 =	vld.idx.msk [tilespmem:v35+s4+$0x0], $0xffff;
	[tilespmem:s5+$0xFFFFFEE0] =	vst v15  }
0x1aa: {  	v20 =	vld.idx.msk [tilespmem:v37+s4+$0x0], $0xffff;
	[tilespmem:s5+$0xFFFFFF80] =	vst v10  }
0x1ab: {  	[tilespmem:s5+$0xFFFFFE90] =	vst v11;
	v16 =	vld.idx.msk [tilespmem:v16+s4+$0x0], $0xffff  }
0x1ac: {  	v21 =	vld.idx.msk [tilespmem:v31+s4+$0x0], $0xffff;
	[tilespmem:s5+$0xFFFFFEF0] =	vst v14  }
0x1ad: {  	[tilespmem:s5+$0xFFFFFF20] =	vst v18;
	v14 =	vld.idx.msk [tilespmem:v38+s4+$0x0], $0xffff  }
.Ltmp2:
0x1ae: {  	[tilespmem:s5+$0xFFFFFF30] =	vst v19;
	v15 =	vld.idx.msk [tilespmem:v39+s4+$0x0], $0xffff;
	(pc) =	sbr.rel @p0 .LBB2_6-.Ltmp2, $4  }
0x1af: {  	v10 =	vld.idx.msk [tilespmem:v12+s4+$0x0], $0xffff;
	[tilespmem:s5+$0xFFFFFF40] =	vst v13  }
0x1b0: {  	v11 =	vld.idx.msk [tilespmem:v40+s4+$0x0], $0xffff;
	[tilespmem:s5+$0xFFFFFF50] =	vst v20  }
0x1b1: {  	v12 =	vld.idx.msk [tilespmem:v22+s4+$0x0], $0xffff;
	[tilespmem:s5+$0x0] =	vst v16  }
0x1b2: {  	s8 =	sadd.s32 $0x80, s8;
	[tilespmem:s5+$0xFFFFFF10] =	vst v21;
	v13 =	vld.idx.msk [tilespmem:v17+s4+$0x0], $0xffff  }
0x1b3: {  	[tilespmem:s5+$0xFFFFFF60] =	vst v14  }
0x1b4: {  	[tilespmem:s5+$0xFFFFFF70] =	vst v15  }
0x1b5: {  	[tilespmem:s24+$0xFFFFFF90] =	vst v6  }
0x1b6: {  	[tilespmem:s24+$0xFFFFFFE0] =	vst v4  }
0x1b7: {  	v62 =	vld.idx.msk [tilespmem:v7+s4+$0x0], $0xffff;
	[tilespmem:s24+$0xFFFFFFF0] =	vst v5  }
0x1b8: {  	[tilespmem:s5+$0xFFFFFFA0] =	vst v10;
	v63 =	vld.idx.msk [tilespmem:v9+s4+$0x0], $0xffff  }
0x1b9: {  	v8 =	vld.idx.msk [tilespmem:v8+s4+$0x0], $0xffff;
	[tilespmem:s5+$0xFFFFFFB0] =	vst v11  }
0x1ba: {  	[tilespmem:s5+$0xFFFFFFC0] =	vst v12  }
0x1bb: {  	[tilespmem:s5+$0xFFFFFFD0] =	vst v13  }
0x1bc: {  	[tilespmem:s5+$0xFFFFFF90] =	vst v62  }
0x1bd: {  	[tilespmem:s5+$0xFFFFFFE0] =	vst v63  }
0x1be: {  	s26 =	simm.s32 $0xB800;
	[tilespmem:s5+$0xFFFFFFF0] =	vst v8  }
0x1bf: {  	[hbm4b:s14+s4] =	stream.linear.scatter [tilespmem:s26], [sflag:$0x6], $0x4000, $0x38;
	[tilespmem:$0xF800] =	vst v63  }
0x1c0: {  	s24 =	simm.s32 $0x3;
	s22 =	simm.s32 $0xF9F0;
	s29 =	simm.s32 $0x3870  }
0x1c1: {  	[tilespmem:s20], [sflag:$0x3] =	stream.strided.gather [hbm4b:s15+s18], $0x1000, s19, s18, $0x38;
	[tilespmem:$0xF800] =	vst v63  }
.LBB2_8:
0x1c2: {  	s5 =	smul.u32 $0xAB, s24;
	_ =	sdelay $0x1  }
0x1c3: {  	s5 =	sshrl.u32 s5, $0x9  }
0x1c4: {  	s7 =	smulhi.u32 $0xAAAAAAAB, s24;
	s5 =	sand.u32 $0x7F, s5  }
0x1c5: {  	s5 =	smul.u32 $0x3, s5;
	_ =	sdelay $0x1  }
0x1c6: {  	s8 =	sshrl.u32 s7, $0x1;
	s5 =	ssub.s32 s24, s5  }
0x1c7: {  	s9 =	smul.u32 $0xFFFF4000, s8;
	s10 =	sand.u32 $0xFF, s5  }
0x1c8: {  	s7 =	sor.u32 $0x4, s10  }
0x1c9: {  	s20 =	sshra.s32 s9, $0x2;
	_ =	swait.ge [sflag:s7], $0x4000  }
0x1ca: {  	v7 =	vmov s20;
	[sflag:s7] =	ssyncset.done $0x0  }
0x1cb: {  	s5 =	sadd.s32 $0x1, s10;
	[sflag:s7] =	ssyncadd.s32 $0xFFFFC000  }
0x1cc: {  	_ =	swait.ge [sflag:s5], $0x1000  }
0x1cd: {  	[sflag:s5] =	ssyncset.done $0x0  }
0x1ce: {  	[sflag:s5] =	ssyncadd.s32 $0xFFFFF000  }
0x1cf: {  	v4 =	vld.idx.msk [tilespmem:v7+s29+$0xFFFFFFD0 ss:$0x1], $0xffff  }
0x1d0: {  	v5 =	vld.idx.msk [tilespmem:v7+s29+$0xFFFFFF90 ss:$0x1], $0xffff  }
0x1d1: {  	v6 =	vld.idx.msk [tilespmem:v7+s29+$0xFFFFFFA0 ss:$0x1], $0xffff  }
0x1d2: {  	v11 =	vld.idx.msk [tilespmem:v7+s29+$0xFFFFFFC0 ss:$0x1], $0xffff;
	_ =	sdelay $0x2  }
0x1d3: {  	v9 =	vld.idx.msk [tilespmem:v7+s29+$0xFFFFFFB0 ss:$0x1], $0xffff  }
0x1d4: {  	v12 =	vshll.u32 v4, $0x4;
	v10 =	vshll.u32 v5, $0x4  }
0x1d5: {  	v8 =	vshll.u32 v6, $0x4;
	v6 =	vshll.u32 v11, $0x4;
	v11 =	vld.idx.msk [tilespmem:v7+s29+$0x0 ss:$0x1], $0xffff;
	v13 =	vor.u32 v0, v12  }
0x1d6: {  	v15 =	vor.u32 v0, v10  }
0x1d7: {  	s8 =	smul.u32 $0xFFFD0000, s8;
	v14 =	vld.idx.msk [tilespmem:v7+s29+$0xFFFFFFF0 ss:$0x1], $0xffff  }
0x1d8: {  	v5 =	vshll.u32 v9, $0x4;
	v16 =	vor.u32 v0, v8  }
0x1d9: {  	s8 =	sshra.s32 s8, $0x2;
	v17 =	vor.u32 v0, v5  }
0x1da: {  	v4 =	vmov s8;
	v18 =	vor.u32 v0, v6;
	v11 =	vshll.u32 v11, $0x4;
	v13 =	vld.idx.msk [tilespmem:v13+s4+$0x0], $0xffff  }
0x1db: {  	v15 =	vld.idx.msk [tilespmem:v15+s4+$0x0], $0xffff;
	v26 =	vor.u32 v0, v11  }
0x1dc: {  	v9 =	vshll.u32 v14, $0x4;
	v14 =	vld.idx.msk [tilespmem:v7+s29+$0xFFFFFFE0 ss:$0x1], $0xffff;
	v20 =	vadd.s32 v1, v12  }
0x1dd: {  	v21 =	vor.u32 v0, v9;
	v16 =	vld.idx.msk [tilespmem:v16+s4+$0x0], $0xffff  }
0x1de: {  	v22 =	vadd.s32 v1, v10;
	v25 =	vld.idx.msk [tilespmem:v17+s4+$0x0], $0xffff  }
0x1df: {  	v24 =	vadd.s32 v1, v8;
	v19 =	vld.idx.msk [tilespmem:v18+s4+$0x0], $0xffff;
	[tilespmem:v4+s22+$0xFFFFFE50 ss:$0x1] =	vst.idx.msk $0xffff, v13  }
0x1e0: {  	[tilespmem:v4+s22+$0xFFFFFE10 ss:$0x1] =	vst.idx.msk $0xffff, v15;
	v15 =	vld.idx.msk [tilespmem:v26+s4+$0x0], $0xffff  }
0x1e1: {  	v23 =	vadd.s32 v1, v6;
	v17 =	vld.idx.msk [tilespmem:v20+s4+$0x0], $0xffff  }
0x1e2: {  	s20 =	simm.s32 $0x0;
	s21 =	sshll.u32 s10, $0xE;
	v20 =	vld.idx.msk [tilespmem:v21+s4+$0x0], $0xffff  }
0x1e3: {  	s10 =	smov.u32 s22;
	s26 =	sshrl.u32 s21, $0x2;
	s9 =	sor.u32 $0x3800, s21;
	[tilespmem:v4+s22+$0xFFFFFE20 ss:$0x1] =	vst.idx.msk $0xffff, v16;
	v13 =	vadd.s32 v1, v5;
	v18 =	vld.idx.msk [tilespmem:v22+s4+$0x0], $0xffff  }
0x1e4: {  	s21 =	sadd.s32 $0x80, s29;
	s8 =	sor.u32 $0x800, s26;
	s26 =	smov.u32 s22;
	v16 =	vadd.s32 v1, v9;
	[tilespmem:v4+s22+$0xFFFFFE30 ss:$0x1] =	vst.idx.msk $0xffff, v25;
	v21 =	vld.idx.msk [tilespmem:v24+s4+$0x0], $0xffff;
	v22 =	vadd.s32 v2, v12  }
.LBB2_9:
0x1e5: {  	v24 =	vld.idx.msk [tilespmem:v7+s21+$0xFFFFFFC0 ss:$0x1], $0xffff;
	s20 =	sadd.s32 $0x8, s20;
	[tilespmem:v4+s26+$0xFFFFFE40 ss:$0x1] =	vst.idx.msk $0xffff, v19;
	s10 =	sadd.s32 $0x200, s10  }
0x1e6: {  	v14 =	vshll.u32 v14, $0x4;
	p0 =	slt.u32 s20, $0xF8;
	v19 =	vld.idx.msk [tilespmem:v23+s4+$0x0], $0xffff;
	[tilespmem:v4+s26+$0xFFFFFED0 ss:$0x1] =	vst.idx.msk $0xffff, v17  }
0x1e7: {  	v23 =	vor.u32 v0, v14;
	v17 =	vld.idx.msk [tilespmem:v7+s21+$0xFFFFFFD0 ss:$0x1], $0xffff;
	[tilespmem:v4+s26+$0xFFFFFE70 ss:$0x1] =	vst.idx.msk $0xffff, v20  }
0x1e8: {  	v20 =	vld.idx.msk [tilespmem:v7+s21+$0xFFFFFF90 ss:$0x1], $0xffff;
	[tilespmem:v4+s26+$0xFFFFFE90 ss:$0x1] =	vst.idx.msk $0xffff, v18;
	v18 =	vadd.s32 v2, v10  }
0x1e9: {  	[tilespmem:v4+s26+$0xFFFFFEA0 ss:$0x1] =	vst.idx.msk $0xffff, v21;
	v21 =	vld.idx.msk [tilespmem:v22+s4+$0x0], $0xffff;
	v22 =	vadd.s32 v1, v11  }
0x1ea: {  	v13 =	vld.idx.msk [tilespmem:v13+s4+$0x0], $0xffff  }
0x1eb: {  	v12 =	vadd.s32 v3, v12;
	v16 =	vld.idx.msk [tilespmem:v16+s4+$0x0], $0xffff  }
0x1ec: {  	v25 =	vadd.s32 v2, v5;
	[tilespmem:v4+s26+$0xFFFFFEC0 ss:$0x1] =	vst.idx.msk $0xffff, v19;
	v19 =	vld.idx.msk [tilespmem:v23+s4+$0x0], $0xffff  }
0x1ed: {  	v23 =	vadd.s32 v2, v6;
	v18 =	vld.idx.msk [tilespmem:v18+s4+$0x0], $0xffff;
	[tilespmem:v4+s26+$0xFFFFFE80 ss:$0x1] =	vst.idx.msk $0xffff, v15  }
0x1ee: {  	v15 =	vadd.s32 v1, v14;
	v22 =	vld.idx.msk [tilespmem:v22+s4+$0x0], $0xffff  }
0x1ef: {  	v26 =	vld.idx.msk [tilespmem:v7+s21+$0xFFFFFFB0 ss:$0x1], $0xffff;
	[tilespmem:v4+s26+$0xFFFFFF50 ss:$0x1] =	vst.idx.msk $0xffff, v21;
	v21 =	vadd.s32 v2, v9  }
0x1f0: {  	v27 =	vadd.s32 v2, v8;
	[tilespmem:v4+s26+$0xFFFFFEB0 ss:$0x1] =	vst.idx.msk $0xffff, v13;
	v12 =	vld.idx.msk [tilespmem:v12+s4+$0x0], $0xffff  }
0x1f1: {  	v13 =	vld.idx.msk [tilespmem:v25+s4+$0x0], $0xffff;
	[tilespmem:v4+s26+$0xFFFFFEF0 ss:$0x1] =	vst.idx.msk $0xffff, v16  }
0x1f2: {  	v16 =	vld.idx.msk [tilespmem:v23+s4+$0x0], $0xffff;
	[tilespmem:v4+s26+$0xFFFFFE60 ss:$0x1] =	vst.idx.msk $0xffff, v19  }
0x1f3: {  	[tilespmem:v4+s26+$0xFFFFFF10 ss:$0x1] =	vst.idx.msk $0xffff, v18;
	v15 =	vld.idx.msk [tilespmem:v15+s4+$0x0], $0xffff;
	v18 =	vadd.s32 v2, v11  }
0x1f4: {  	v19 =	vadd.s32 v3, v5;
	v21 =	vld.idx.msk [tilespmem:v21+s4+$0x0], $0xffff;
	[tilespmem:v4+s26+$0xFFFFFF00 ss:$0x1] =	vst.idx.msk $0xffff, v22  }
0x1f5: {  	v10 =	vadd.s32 v3, v10;
	v5 =	vshll.u32 v26, $0x4;
	v22 =	vld.idx.msk [tilespmem:v27+s4+$0x0], $0xffff  }
0x1f6: {  	v25 =	vadd.s32 v2, v14;
	v23 =	vld.idx.msk [tilespmem:v7+s21+$0xFFFFFFF0 ss:$0x1], $0xffff;
	[tilespmem:v4+s26+$0xFFFFFFD0 ss:$0x1] =	vst.idx.msk $0xffff, v12  }
0x1f7: {  	v8 =	vadd.s32 v3, v8;
	v26 =	vld.idx.msk [tilespmem:v7+s21+$0xFFFFFFA0 ss:$0x1], $0xffff;
	[tilespmem:v4+s26+$0xFFFFFF30 ss:$0x1] =	vst.idx.msk $0xffff, v13;
	v13 =	vadd.s32 v3, v6  }
0x1f8: {  	v27 =	vor.u32 v0, v5;
	v12 =	vshll.u32 v17, $0x4;
	[tilespmem:v4+s26+$0xFFFFFF40 ss:$0x1] =	vst.idx.msk $0xffff, v16;
	v16 =	vld.idx.msk [tilespmem:v18+s4+$0x0], $0xffff  }
0x1f9: {  	v17 =	vor.u32 v0, v12;
	v18 =	vld.idx.msk [tilespmem:v19+s4+$0x0], $0xffff;
	[tilespmem:v4+s26+$0xFFFFFEE0 ss:$0x1] =	vst.idx.msk $0xffff, v15  }
0x1fa: {  	v11 =	vadd.s32 v3, v11;
	v15 =	vld.idx.msk [tilespmem:v10+s4+$0x0], $0xffff;
	[tilespmem:v4+s26+$0xFFFFFF70 ss:$0x1] =	vst.idx.msk $0xffff, v21  }
0x1fb: {  	v9 =	vadd.s32 v3, v9;
	[tilespmem:v4+s26+$0xFFFFFF20 ss:$0x1] =	vst.idx.msk $0xffff, v22;
	v19 =	vld.idx.msk [tilespmem:v25+s4+$0x0], $0xffff  }
0x1fc: {  	v21 =	vld.idx.msk [tilespmem:v8+s4+$0x0], $0xffff  }
0x1fd: {  	v14 =	vadd.s32 v3, v14;
	v6 =	vshll.u32 v24, $0x4;
	v10 =	vshll.u32 v20, $0x4;
	v20 =	vld.idx.msk [tilespmem:v13+s4+$0x0], $0xffff  }
0x1fe: {  	v22 =	vor.u32 v0, v10;
	v8 =	vshll.u32 v26, $0x4;
	v24 =	vld.idx.msk [tilespmem:v7+s21+$0x0 ss:$0x1], $0xffff;
	[tilespmem:v4+s26+$0xFFFFFF80 ss:$0x1] =	vst.idx.msk $0xffff, v16  }
0x1ff: {  	v16 =	vor.u32 v0, v8;
	[tilespmem:v4+s26+$0xFFFFFFB0 ss:$0x1] =	vst.idx.msk $0xffff, v18;
	v11 =	vld.idx.msk [tilespmem:v11+s4+$0x0], $0xffff  }
0x200: {  	v13 =	vadd.s32 v1, v5;
	v18 =	vadd.s32 v1, v12;
	[tilespmem:v4+s26+$0xFFFFFF90 ss:$0x1] =	vst.idx.msk $0xffff, v15;
	v15 =	vld.idx.msk [tilespmem:v9+s4+$0x0], $0xffff  }
0x201: {  	v17 =	vld.idx.msk [tilespmem:v17+s4+$0x0], $0xffff;
	[tilespmem:v4+s26+$0xFFFFFF60 ss:$0x1] =	vst.idx.msk $0xffff, v19  }
0x202: {  	v9 =	vshll.u32 v23, $0x4;
	v19 =	vor.u32 v0, v6;
	[tilespmem:v4+s26+$0xFFFFFFA0 ss:$0x1] =	vst.idx.msk $0xffff, v21;
	v21 =	vld.idx.msk [tilespmem:v14+s4+$0x0], $0xffff  }
0x203: {  	v25 =	vor.u32 v0, v9;
	v22 =	vld.idx.msk [tilespmem:v22+s4+$0x0], $0xffff;
	[tilespmem:v4+s26+$0xFFFFFFC0 ss:$0x1] =	vst.idx.msk $0xffff, v20  }
0x204: {  	v16 =	vld.idx.msk [tilespmem:v16+s4+$0x0], $0xffff  }
0x205: {  	v26 =	vadd.s32 v1, v10;
	v14 =	vld.idx.msk [tilespmem:v7+s21+$0xFFFFFFE0 ss:$0x1], $0xffff;
	[tilespmem:v4+s26+$0x0 ss:$0x1] =	vst.idx.msk $0xffff, v11  }
0x206: {  	v28 =	vadd.s32 v1, v8;
	v11 =	vshll.u32 v24, $0x4;
	v27 =	vld.idx.msk [tilespmem:v27+s4+$0x0], $0xffff;
	[tilespmem:v4+s26+$0xFFFFFFF0 ss:$0x1] =	vst.idx.msk $0xffff, v15  }
0x207: {  	v15 =	vor.u32 v0, v11;
	v19 =	vld.idx.msk [tilespmem:v19+s4+$0x0], $0xffff;
	[tilespmem:v4+s10+$0xFFFFFE50 ss:$0x1] =	vst.idx.msk $0xffff, v17  }
.Ltmp3:
0x208: {  	v17 =	vld.idx.msk [tilespmem:v18+s4+$0x0], $0xffff;
	[tilespmem:v4+s26+$0xFFFFFFE0 ss:$0x1] =	vst.idx.msk $0xffff, v21;
	s26 =	smov.u32 s10;
	(pc) =	sbr.rel @p0 .LBB2_9-.Ltmp3, $4  }
0x209: {  	v23 =	vadd.s32 v1, v6;
	[tilespmem:v4+s10+$0xFFFFFE10 ss:$0x1] =	vst.idx.msk $0xffff, v22;
	v20 =	vld.idx.msk [tilespmem:v25+s4+$0x0], $0xffff  }
0x20a: {  	v18 =	vld.idx.msk [tilespmem:v26+s4+$0x0], $0xffff;
	[tilespmem:v4+s10+$0xFFFFFE20 ss:$0x1] =	vst.idx.msk $0xffff, v16;
	v16 =	vadd.s32 v1, v9  }
0x20b: {  	v21 =	vld.idx.msk [tilespmem:v28+s4+$0x0], $0xffff  }
0x20c: {  	s21 =	sadd.s32 $0x80, s21;
	v22 =	vadd.s32 v2, v12;
	[tilespmem:v4+s10+$0xFFFFFE30 ss:$0x1] =	vst.idx.msk $0xffff, v27;
	v15 =	vld.idx.msk [tilespmem:v15+s4+$0x0], $0xffff  }
0x20d: {  	_ =	sdelay $0x1  }
0x20e: {  	v7 =	vshll.u32 v14, $0x4  }
0x20f: {  	v14 =	vor.u32 v0, v7  }
0x210: {  	[tilespmem:v4+s26+$0xFFFFFE40 ss:$0x1] =	vst.idx.msk $0xffff, v19  }
0x211: {  	[tilespmem:v4+s26+$0xFFFFFED0 ss:$0x1] =	vst.idx.msk $0xffff, v17;
	v43 =	vadd.s32 v2, v10;
	v13 =	vld.idx.msk [tilespmem:v13+s4+$0x0], $0xffff  }
0x212: {  	v45 =	vadd.s32 v1, v11;
	v19 =	vld.idx.msk [tilespmem:v23+s4+$0x0], $0xffff;
	[tilespmem:v4+s26+$0xFFFFFE70 ss:$0x1] =	vst.idx.msk $0xffff, v20  }
0x213: {  	v49 =	vadd.s32 v2, v8;
	v44 =	vld.idx.msk [tilespmem:v22+s4+$0x0], $0xffff;
	[tilespmem:v4+s26+$0xFFFFFE90 ss:$0x1] =	vst.idx.msk $0xffff, v18  }
0x214: {  	v46 =	vadd.s32 v2, v5;
	[tilespmem:v4+s26+$0xFFFFFEA0 ss:$0x1] =	vst.idx.msk $0xffff, v21;
	v14 =	vld.idx.msk [tilespmem:v14+s4+$0x0], $0xffff  }
0x215: {  	v47 =	vadd.s32 v1, v7;
	v16 =	vld.idx.msk [tilespmem:v16+s4+$0x0], $0xffff;
	[tilespmem:v4+s26+$0xFFFFFE80 ss:$0x1] =	vst.idx.msk $0xffff, v15  }
0x216: {  	v12 =	vadd.s32 v3, v12;
	v17 =	vld.idx.msk [tilespmem:v43+s4+$0x0], $0xffff;
	[tilespmem:v4+s26+$0xFFFFFEB0 ss:$0x1] =	vst.idx.msk $0xffff, v13  }
0x217: {  	v48 =	vadd.s32 v2, v6;
	v15 =	vld.idx.msk [tilespmem:v45+s4+$0x0], $0xffff;
	[tilespmem:v4+s26+$0xFFFFFEC0 ss:$0x1] =	vst.idx.msk $0xffff, v19  }
0x218: {  	v50 =	vadd.s32 v2, v9;
	v56 =	vld.idx.msk [tilespmem:v49+s4+$0x0], $0xffff;
	[tilespmem:v4+s26+$0xFFFFFF50 ss:$0x1] =	vst.idx.msk $0xffff, v44  }
0x219: {  	v51 =	vadd.s32 v2, v11;
	v13 =	vld.idx.msk [tilespmem:v46+s4+$0x0], $0xffff;
	[tilespmem:v4+s26+$0xFFFFFE60 ss:$0x1] =	vst.idx.msk $0xffff, v14  }
0x21a: {  	v5 =	vadd.s32 v3, v5;
	[tilespmem:v4+s26+$0xFFFFFEF0 ss:$0x1] =	vst.idx.msk $0xffff, v16;
	v52 =	vld.idx.msk [tilespmem:v47+s4+$0x0], $0xffff  }
0x21b: {  	v54 =	vadd.s32 v2, v7;
	v12 =	vld.idx.msk [tilespmem:v12+s4+$0x0], $0xffff;
	[tilespmem:v4+s26+$0xFFFFFF10 ss:$0x1] =	vst.idx.msk $0xffff, v17  }
0x21c: {  	v55 =	vadd.s32 v3, v10;
	v53 =	vld.idx.msk [tilespmem:v48+s4+$0x0], $0xffff;
	[tilespmem:v4+s26+$0xFFFFFF00 ss:$0x1] =	vst.idx.msk $0xffff, v15  }
0x21d: {  	v58 =	vadd.s32 v3, v8;
	v57 =	vld.idx.msk [tilespmem:v50+s4+$0x0], $0xffff;
	[tilespmem:v4+s26+$0xFFFFFF20 ss:$0x1] =	vst.idx.msk $0xffff, v56  }
0x21e: {  	v59 =	vadd.s32 v3, v6;
	[tilespmem:v4+s26+$0xFFFFFF30 ss:$0x1] =	vst.idx.msk $0xffff, v13;
	v60 =	vld.idx.msk [tilespmem:v51+s4+$0x0], $0xffff  }
0x21f: {  	v63 =	vadd.s32 v3, v9;
	v5 =	vld.idx.msk [tilespmem:v5+s4+$0x0], $0xffff;
	[tilespmem:v4+s26+$0xFFFFFEE0 ss:$0x1] =	vst.idx.msk $0xffff, v52  }
0x220: {  	v61 =	vadd.s32 v3, v11;
	[tilespmem:v4+s26+$0xFFFFFFD0 ss:$0x1] =	vst.idx.msk $0xffff, v12;
	v62 =	vld.idx.msk [tilespmem:v54+s4+$0x0], $0xffff  }
0x221: {  	v7 =	vadd.s32 v3, v7;
	v10 =	vld.idx.msk [tilespmem:v55+s4+$0x0], $0xffff;
	[tilespmem:v4+s26+$0xFFFFFF40 ss:$0x1] =	vst.idx.msk $0xffff, v53  }
0x222: {  	v8 =	vld.idx.msk [tilespmem:v58+s4+$0x0], $0xffff;
	[tilespmem:v4+s26+$0xFFFFFF70 ss:$0x1] =	vst.idx.msk $0xffff, v57  }
0x223: {  	v6 =	vld.idx.msk [tilespmem:v59+s4+$0x0], $0xffff;
	[tilespmem:v4+s26+$0xFFFFFF80 ss:$0x1] =	vst.idx.msk $0xffff, v60  }
0x224: {  	v9 =	vld.idx.msk [tilespmem:v63+s4+$0x0], $0xffff;
	[tilespmem:v4+s26+$0xFFFFFFB0 ss:$0x1] =	vst.idx.msk $0xffff, v5  }
0x225: {  	v5 =	vld.idx.msk [tilespmem:v61+s4+$0x0], $0xffff;
	[tilespmem:v4+s26+$0xFFFFFF60 ss:$0x1] =	vst.idx.msk $0xffff, v62  }
0x226: {  	[tilespmem:v4+s26+$0xFFFFFF90 ss:$0x1] =	vst.idx.msk $0xffff, v10;
	v7 =	vld.idx.msk [tilespmem:v7+s4+$0x0], $0xffff  }
0x227: {  	[tilespmem:v4+s26+$0xFFFFFFA0 ss:$0x1] =	vst.idx.msk $0xffff, v8  }
0x228: {  	s10 =	sadd.s32 s6, s24;
	[tilespmem:v4+s26+$0xFFFFFFC0 ss:$0x1] =	vst.idx.msk $0xffff, v6  }
0x229: {  	s20 =	sshll.u32 s10, $0xB;
	[tilespmem:v4+s26+$0xFFFFFFF0 ss:$0x1] =	vst.idx.msk $0xffff, v9  }
0x22a: {  	s20 =	sand.u32 $0x1FFFF800, s20;
	[tilespmem:v4+s26+$0x0 ss:$0x1] =	vst.idx.msk $0xffff, v5  }
0x22b: {  	p0 =	sgt.u32 s24, $0x15;
	s20 =	sadd.s32 s3, s20;
	[tilespmem:v4+s26+$0xFFFFFFE0 ss:$0x1] =	vst.idx.msk $0xffff, v7  }
0x22c: {  	[hbm4b:s20+s4] =	stream.linear.scatter [tilespmem:s9], [sflag:s7], $0x4000, $0x38;
	[tilespmem:$0xF800] =	vst v63  }
0x22d: {  	s7 =	sadd.s32 @!p0 $0x3, s10  }
0x22e: {  	s9 =	sshll.u32 @!p0 s7, $0x9;
	s10 =	sshll.u32 @!p0 s7, $0xC;
	s7 =	sshll.u32 @!p0 s7, $0x2  }
0x22f: {  	s9 =	sand.u32 @!p0 $0xFFFC000, s9;
	s10 =	sand.u32 @!p0 $0x3000, s10;
	s7 =	sand.u32 @!p0 $0x70, s7  }
0x230: {  	s24 =	sadd.s32 $0x1, s24;
	s9 =	sor.u32 @!p0 s10, s9;
	s7 =	sadd.s32 @!p0 s1, s7  }
0x231: {  	s10 =	simm.s32 @!p0 $0x400;
	s7 =	sadd.s32 @!p0 s9, s7;
	s9 =	simm.s32 @!p0 $0x80  }
0x232: {  	[tilespmem:s8], [sflag:s5] =	stream.strided.gather @!p0 [hbm4b:s7+s9], $0x1000, s10, s9, $0x38;
	[tilespmem:$0xF800] =	vst v63  }
0x233: {  	p0 =	sne.s32 s24, $0x19  }
.Ltmp4:
0x234: {  	_ = 	snop;
	(pc) =	sbr.rel @p0 .LBB2_8-.Ltmp4, $2  }
0x235: {  	_ =	sdelay $0x2  }
0x236: {  	s22 =	sadd.s32 $0x4000, s22;
	s29 =	sadd.s32 $0x1000, s29  }
0x237: {  	_ =	swait.ge [sflag:s30], $0x4000  }
0x238: {  	[sflag:s30] =	ssyncset.done $0x0  }
0x239: {  	s0 =	sadd.s32 $0x1, s0;
	[sflag:s30] =	ssyncadd.s32 $0xFFFFC000  }
0x23a: {  	p0 =	sne.s32 s0, s16;
	_ =	swait.ge [sflag:s31], $0x4000  }
.Ltmp5:
0x23b: {  	[sflag:s31] =	ssyncset.done $0x0;
	(pc) =	sbr.rel @p0 .LBB2_1-.Ltmp5, $4  }
0x23c: {  	[sflag:s31] =	ssyncadd.s32 $0xFFFFC000  }
0x23d: {  	_ =	swait.ge [sflag:s2], $0x4000  }
0x23e: {  	s9 =	simm.s32 $0x800;
	[sflag:s2] =	ssyncset.done $0x0  }
0x23f: {  	s10 =	simm.s32 $0x1800;
	s20 =	simm.s32 $0x2800;
	[sflag:s2] =	ssyncadd.s32 $0xFFFFC000  }
0x240: {  	_ =	sfence.sel $0x180000  }
0x241: {  	[bflag:$0x0] =	sbarrier.arrive $0xFFFF  }
0x242: {  	_ =	strace $0x90000047  }
0x243: {  	s0 =	stileid.u32;
	[bflag:$0x2] =	sbarrier.arrive $0xFFFF  }
0x244: {  	p0 =	sne.s32 s0, $0x0;
	s0 =	rddreg [dreg:$0x3]  }
0x245: {  	s0 =	sadd.s32 @!p0 $0x100000, s0  }
0x246: {  	[sflag:s0] =	ssyncadd.tile.s32 @!p0 $0x1;
	_ =	shalt  }
.Lfunc_end2:
_tile_overlayer_lowered:
.L_overlay_start_2:
0x247: {  	(tag) =	ssettag $0x2  }
0x248: {  	s0 =	rddreg [dreg:$0x0];
	s2 =	stileid.u32  }
0x249: {  	s1 =	rddreg [dreg:$0x1];
	p0 =	sne.s32 s2, $0x0  }
0x24a: {  	s3 =	rddreg [dreg:$0x2];
	[bflag:$0x3] =	sbarrier.arrive $0xFFFF;
	s2 =	simm.s32 @!p0 $0x1C07  }
0x24b: {  	[timem:s3], [sflag:s2] =	dma.local @!p0 [hbm:s0], s1  }
0x24c: {  	s0 =	simm.s32 @!p0 $0x7  }
0x24d: {  	_ =	swait.ge @!p0 [sflag:s0], s1  }
0x24e: {  	s1 =	ssub.s32 @!p0 $0x0, s1;
	[sflag:s0] =	ssyncset.done @!p0 $0x0  }
0x24f: {  	[sflag:s0] =	ssyncadd.s32 @!p0 s1  }
0x250: {  	[bflag:$0x3] =	sbarrier.arrive $0xFFFF  }
0x251: {  	_ =	shalt  }

</sc_bundles>
